<compile_context>
chip_gen: v7x
topology: tpu7x:2x2x1
jax: 0.10.2.dev20260603
libtpu: 0.0.44.dev20260713+nightly
codegen_flags: <defaults>
</compile_context>

<pallas_src>
import jax
import jax.numpy as jnp
from jax import lax
from jax.experimental import pallas as pl
from jax.experimental.pallas import tpu as pltpu
from jax.experimental.pallas import tpu_sc as plsc

DIM = 64
HIST = 200
PAD = 208
NCHUNK = PAD // 16
NROWS = 1000000
TAILSTART = (NROWS // 128) * 128
AOUT = 224


def _score_body(uidx_s, idx_s, idx2d_ref, utT, itT, w1_ref, w2_ref,
                b1_ref, b2_ref, utail_ref, itail_ref, araw_ref, panels,
                upanel, sem, usem):
    def issue(l, carry):
        i = idx_s[l]
        s = jnp.where(i >= TAILSTART, 0, (i // 128) * 128)
        s = pl.multiple_of(s, 128)
        pltpu.async_copy(
            itT.at[:, pl.ds(s, 128)], panels.at[:, l, :], sem)
        return carry

    lax.fori_loop(0, PAD, issue, 0)

    ui = uidx_s[0]
    us = jnp.where(ui >= TAILSTART, 0, (ui // 128) * 128)
    us = pl.multiple_of(us, 128)
    pltpu.async_copy(utT.at[:, pl.ds(us, 128)], upanel, usem)

    gvec = jnp.sum(w1_ref[...] * w2_ref[...][:, 0][None, :], axis=1)

    def drain(l, carry):
        pltpu.make_async_copy(
            itT.at[:, pl.ds(0, 128)], panels.at[:, 0, :], sem).wait()
        return carry

    lax.fori_loop(0, PAD, drain, 0)
    pltpu.make_async_copy(utT.at[:, pl.ds(0, 128)], upanel, usem).wait()

    acc = jnp.zeros((PAD, 128), jnp.float32)
    htail = jnp.zeros((1, 128), jnp.float32)
    uacc = jnp.zeros((1, 128), jnp.float32)
    utailacc = jnp.zeros((1, 128), jnp.float32)
    for d in range(DIM):
        gi = gvec[DIM + d]
        gu = gvec[d]
        acc = acc + panels[d] * gi
        htail = htail + itail_ref[d, :][None, :] * gi
        uacc = uacc + upanel[d, :][None, :] * gu
        utailacc = utailacc + utail_ref[d, :][None, :] * gu

    ut_flag = ui >= TAILSTART
    uh = jnp.where(ut_flag, utailacc, uacc)
    ul = jnp.where(ut_flag, ui - TAILSTART, ui & 127)
    ulmask = lax.broadcasted_iota(jnp.int32, (1, 128), 1) == ul
    uval = jnp.sum(jnp.where(ulmask, uh, 0.0))

    const = uval + jnp.sum(b1_ref[...] * w2_ref[...][:, 0]) + b2_ref[0]

    idx2d = idx2d_ref[...]
    tmask = idx2d >= TAILSTART
    lanes = jnp.where(tmask, idx2d - TAILSTART, idx2d & 127)
    hfin = jnp.where(tmask, htail, acc)
    lmask = lax.broadcasted_iota(jnp.int32, (PAD, 128), 1) == lanes
    araw_ref[pl.ds(0, PAD)] = jnp.sum(
        jnp.where(lmask, hfin, 0.0), axis=1) + const
    araw_ref[pl.ds(PAD, AOUT - PAD)] = jnp.zeros(
        (AOUT - PAD,), jnp.float32)


def _softmax_body(araw_hbm, out_hbm, ar_v):
    cid = lax.axis_index("c")
    sid = lax.axis_index("s")
    is_main = jnp.logical_and(cid == 0, sid == 0)

    @pl.when(is_main)
    def _():
        pltpu.sync_copy(araw_hbm, ar_v)

        lane = lax.iota(jnp.int32, 16)

        def _shuf(v, sh):
            return v.at[lane ^ sh].get(mode="promise_in_bounds")

        def hsum(v):
            for sh in (8, 4, 2, 1):
                v = v + _shuf(v, sh)
            return v

        def hmax(v):
            for sh in (8, 4, 2, 1):
                v = jnp.maximum(v, _shuf(v, sh))
            return v

        tail_mask = lane < (HIST - (NCHUNK - 1) * 16)
        neg_big = jnp.full((16,), -jnp.inf, jnp.float32)

        mvec = neg_big
        for c in range(NCHUNK):
            s = ar_v[pl.ds(c * 16, 16)]
            s = jnp.where(s >= 0.0, s, 0.01 * s)
            ar_v[pl.ds(c * 16, 16)] = s
            if c == NCHUNK - 1:
                s = jnp.where(tail_mask, s, neg_big)
            mvec = jnp.maximum(mvec, s)
        m = hmax(mvec)

        svec = jnp.zeros((16,), jnp.float32)
        for c in range(NCHUNK):
            chunk = ar_v[pl.ds(c * 16, 16)]
            e = jnp.exp(chunk - m)
            if c == NCHUNK - 1:
                e = jnp.where(tail_mask, e, 0.0)
            ar_v[pl.ds(c * 16, 16)] = e
            svec = svec + e
        inv = 1.0 / hsum(svec)

        for c in range(NCHUNK):
            ar_v[pl.ds(c * 16, 16)] = ar_v[pl.ds(c * 16, 16)] * inv

        pltpu.sync_copy(ar_v.at[pl.ds(0, HIST)], out_hbm)


@jax.jit
def _attention(uidx16, idx_all, idx2d, utT, itT, W1, W2, b1, b2, ut_tail,
               it_tail):
    araw = pl.pallas_call(
        _score_body,
        out_shape=jax.ShapeDtypeStruct((AOUT,), jnp.float32),
        in_specs=[
            pl.BlockSpec(memory_space=pltpu.SMEM),
            pl.BlockSpec(memory_space=pltpu.SMEM),
            pl.BlockSpec(memory_space=pltpu.VMEM),
            pl.BlockSpec(memory_space=pl.ANY),
            pl.BlockSpec(memory_space=pl.ANY),
            pl.BlockSpec(memory_space=pltpu.VMEM),
            pl.BlockSpec(memory_space=pltpu.VMEM),
            pl.BlockSpec(memory_space=pltpu.VMEM),
            pl.BlockSpec(memory_space=pltpu.SMEM),
            pl.BlockSpec(memory_space=pltpu.VMEM),
            pl.BlockSpec(memory_space=pltpu.VMEM),
        ],
        out_specs=pl.BlockSpec(memory_space=pltpu.VMEM),
        scratch_shapes=[
            pltpu.VMEM((DIM, PAD, 128), jnp.float32),
            pltpu.VMEM((DIM, 128), jnp.float32),
            pltpu.SemaphoreType.DMA,
            pltpu.SemaphoreType.DMA,
        ],
    )(uidx16, idx_all, idx2d, utT, itT, W1, W2, b1, b2, ut_tail, it_tail)

    run = pl.kernel(
        _softmax_body,
        mesh=plsc.VectorSubcoreMesh(core_axis_name="c", subcore_axis_name="s"),
        out_type=jax.ShapeDtypeStruct((HIST,), jnp.float32),
        compiler_params=pltpu.CompilerParams(use_tc_tiling_on_sc=True),
        scratch_types=[
            pltpu.VMEM((AOUT,), jnp.float32),
        ],
    )
    return run(araw)


def kernel(user_indice, interacted_item_indices, user_table, item_table,
           W1, b1, W2, b2):
    idx_all = jnp.concatenate(
        [interacted_item_indices.astype(jnp.int32),
         jnp.zeros((PAD - HIST,), jnp.int32)])
    idx2d = idx_all.reshape(PAD, 1)
    uidx16 = jnp.full((16,), user_indice, dtype=jnp.int32)
    utT = user_table.T
    itT = item_table.T
    ntail = NROWS - TAILSTART
    ut_tail = jnp.pad(utT[:, TAILSTART:], ((0, 0), (0, 128 - ntail)))
    it_tail = jnp.pad(itT[:, TAILSTART:], ((0, 0), (0, 128 - ntail)))
    return _attention(uidx16, idx_all, idx2d, utT, itT, W1, W2, b1, b2,
                      ut_tail, it_tail)

# --- scband reference (transcript-rebuilt; emitter-appended) ---
"""Pipeline reference for scband-secure-light-gcn-24524263260330 (READ-ONLY COPY).

The authoritative reference and input builder live on the scoring server;
editing this copy changes nothing except your own understanding.
"""

import jax, jax.numpy as jnp
import numpy as np

NUM_USERS = 1000000
NUM_ITEMS = 1000000
DIM = 64
HIST = 200


def setup_inputs(seed: int = 0) -> dict:
    key = jax.random.key(seed)
    ks = jax.random.split(key, 8)
    user_indice = jax.random.randint(ks[0], (), 0, NUM_USERS)
    interacted_item_indices = jax.random.randint(ks[1], (HIST,), 0, NUM_ITEMS)
    user_table = jax.random.normal(ks[2], (NUM_USERS, DIM), dtype=jnp.float32) * 0.1
    item_table = jax.random.normal(ks[3], (NUM_ITEMS, DIM), dtype=jnp.float32) * 0.1
    # select_layer: Linear(2*DIM -> DIM), Linear(DIM -> 1), LeakyReLU
    lim1 = 1.0 / np.sqrt(2 * DIM)
    W1 = jax.random.uniform(ks[4], (2 * DIM, DIM), dtype=jnp.float32, minval=-lim1, maxval=lim1)
    b1 = jax.random.uniform(ks[5], (DIM,), dtype=jnp.float32, minval=-lim1, maxval=lim1)
    lim2 = 1.0 / np.sqrt(DIM)
    W2 = jax.random.uniform(ks[6], (DIM, 1), dtype=jnp.float32, minval=-lim2, maxval=lim2)
    b2 = jax.random.uniform(ks[7], (1,), dtype=jnp.float32, minval=-lim2, maxval=lim2)
    return {
        "user_indice": user_indice,
        "interacted_item_indices": interacted_item_indices,
        "user_table": user_table,
        "item_table": item_table,
        "W1": W1,
        "b1": b1,
        "W2": W2,
        "b2": b2,
    }


def reference(user_indice, interacted_item_indices, user_table, item_table, W1, b1, W2, b2):
    # user_emb: [DIM] (0-dim index lookup)
    user_emb = jnp.take(user_table, user_indice, axis=0)
    # item_emb: [HIST, DIM]
    item_emb = jnp.take(item_table, interacted_item_indices, axis=0)
    L = item_emb.shape[0]
    # unsqueeze(0).repeat(L, 1)
    user_emb_expanded = jnp.tile(user_emb[None, :], (L, 1))
    combined_emb = jnp.concatenate([user_emb_expanded, item_emb], axis=1)  # [L, 2*DIM]
    h = combined_emb @ W1 + b1          # Linear(2*DIM -> DIM)
    a = h @ W2 + b2                     # Linear(DIM -> 1)
    a = jnp.where(a >= 0, a, 0.01 * a)  # LeakyReLU(negative_slope=0.01)
    attention = jnp.squeeze(a, axis=-1)  # [L]
    attention_probabilities = jax.nn.softmax(attention, axis=0)
    return attention_probabilities

if __name__ == "__main__":
    import jax
    _d = setup_inputs()
    print(jax.jit(kernel)(*tuple(_d.values())))

</pallas_src>

<mosaic_0001>
#map = affine_map<(d0, d1) -> (0)>
module attributes {stable_mosaic.version = 14 : i64} {
  func.func @_softmax_body(%arg0: i32, %arg1: i32, %arg2: memref<224xf32, #tpu.memory_space<hbm>>, %arg3: memref<200xf32, #tpu.memory_space<hbm>>, %arg4: memref<224xf32, #tpu.memory_space<vmem>>) attributes {dimension_semantics = [#tpu.dimension_semantics<core_parallel>, #tpu.dimension_semantics<subcore_parallel>], iteration_bounds = array<i64: 2, 16>, scalar_prefetch = 0 : i64, scratch_operands = 1 : i64, tpu.core_type = #tpu.core_type<sc_vector_subcore>, window_params = [{transform_indices = #map}, {transform_indices = #map}]} {
    %eq3A = arith.constant 0 : i32
    %eq3A_0 = arith.cmpi eq, %arg0, %eq3A : i32
    %eq3A_1 = arith.constant 0 : i32
    %eq3A_2 = arith.cmpi eq, %arg1, %eq3A_1 : i32
    %and3A = arith.andi %eq3A_0, %eq3A_2 : i1
    %convert_element_type3A = arith.extui %and3A : i1 to i32
    %cond3A = arith.constant 0 : i32
    %cond3A_3 = arith.cmpi ne, %convert_element_type3A, %cond3A : i32
    scf.if %cond3A_3 {
      "tpu.region"() ({
        %run_scoped3A = tpu.sem_alloc : memref<!tpu.dma_semaphore, #tpu.memory_space<semaphore_mem>>
        tpu.enqueue_dma source(%arg2 : memref<224xf32, #tpu.memory_space<hbm>>) target(%arg4 : memref<224xf32, #tpu.memory_space<vmem>>) target_semaphore(%run_scoped3A : memref<!tpu.dma_semaphore, #tpu.memory_space<semaphore_mem>>)
        tpu.wait_dma2 semaphore(%run_scoped3A : memref<!tpu.dma_semaphore, #tpu.memory_space<semaphore_mem>>) src(%arg2 : memref<224xf32, #tpu.memory_space<hbm>>) dst(%arg4 : memref<224xf32, #tpu.memory_space<vmem>>)
        tpu.yield
      }) : () -> ()
      %iota3A = tpu.iota {dimensions = array<i32: 0>} : vector<16xi32>
      %lt3A = arith.constant 8 : i32
      %lt3A_4 = vector.broadcast %lt3A : i32 to vector<16xi32>
      %lt3A_5 = arith.cmpi slt, %iota3A, %lt3A_4 : vector<16xi32>
      %broadcast_in_dim3A = arith.constant 0xFF800000 : f32
      %broadcast_in_dim3A_6 = vector.broadcast %broadcast_in_dim3A : f32 to vector<16xf32>
      %get3A = arith.constant 0 : index
      %get3A_7 = tpu.vector_load %arg4[%get3A] {strides = array<i32>} : memref<224xf32, #tpu.memory_space<vmem>>, vector<16xf32>,
      %get3A_8 = vector.shape_cast %get3A_7 : vector<16xf32> to vector<16xf32>
      %ge3A = arith.constant 0.000000e+00 : f32
      %ge3A_9 = vector.broadcast %ge3A : f32 to vector<16xf32>
      %ge3A_10 = arith.cmpf oge, %get3A_8, %ge3A_9 : vector<16xf32>
      %mul3A = arith.constant 0.00999999977 : f32
      %mul3A_11 = vector.broadcast %mul3A : f32 to vector<16xf32>
      %mul3A_12 = arith.mulf %mul3A_11, %get3A_8 : vector<16xf32>
      %select_n3A = arith.select %ge3A_10, %get3A_8, %mul3A_12 : vector<16xi1>, vector<16xf32>
      %swap3A = arith.constant 0 : index
      %swap3A_13 = tpu.vector_load %arg4[%swap3A] {strides = array<i32>} : memref<224xf32, #tpu.memory_space<vmem>>, vector<16xf32>,
      %swap3A_14 = vector.shape_cast %swap3A_13 : vector<16xf32> to vector<16xf32>
      %swap3A_15 = vector.shape_cast %select_n3A : vector<16xf32> to vector<16xf32>
      tpu.vector_store %arg4[%swap3A], %swap3A_15 {strides = array<i32>} : memref<224xf32, #tpu.memory_space<vmem>>, vector<16xf32>,
      %max3A = arith.maximumf %broadcast_in_dim3A_6, %select_n3A : vector<16xf32>
      %get3A_16 = arith.constant 16 : index
      %get3A_17 = tpu.vector_load %arg4[%get3A_16] {strides = array<i32>} : memref<224xf32, #tpu.memory_space<vmem>>, vector<16xf32>,
      %get3A_18 = vector.shape_cast %get3A_17 : vector<16xf32> to vector<16xf32>
      %ge3A_19 = arith.constant 0.000000e+00 : f32
      %ge3A_20 = vector.broadcast %ge3A_19 : f32 to vector<16xf32>
      %ge3A_21 = arith.cmpf oge, %get3A_18, %ge3A_20 : vector<16xf32>
      %mul3A_22 = arith.constant 0.00999999977 : f32
      %mul3A_23 = vector.broadcast %mul3A_22 : f32 to vector<16xf32>
      %mul3A_24 = arith.mulf %mul3A_23, %get3A_18 : vector<16xf32>
      %select_n3A_25 = arith.select %ge3A_21, %get3A_18, %mul3A_24 : vector<16xi1>, vector<16xf32>
      %swap3A_26 = arith.constant 16 : index
      %swap3A_27 = tpu.vector_load %arg4[%swap3A_26] {strides = array<i32>} : memref<224xf32, #tpu.memory_space<vmem>>, vector<16xf32>,
      %swap3A_28 = vector.shape_cast %swap3A_27 : vector<16xf32> to vector<16xf32>
      %swap3A_29 = vector.shape_cast %select_n3A_25 : vector<16xf32> to vector<16xf32>
      tpu.vector_store %arg4[%swap3A_26], %swap3A_29 {strides = array<i32>} : memref<224xf32, #tpu.memory_space<vmem>>, vector<16xf32>,
      %max3A_30 = arith.maximumf %max3A, %select_n3A_25 : vector<16xf32>
      %get3A_31 = arith.constant 32 : index
      %get3A_32 = tpu.vector_load %arg4[%get3A_31] {strides = array<i32>} : memref<224xf32, #tpu.memory_space<vmem>>, vector<16xf32>,
      %get3A_33 = vector.shape_cast %get3A_32 : vector<16xf32> to vector<16xf32>
      %ge3A_34 = arith.constant 0.000000e+00 : f32
      %ge3A_35 = vector.broadcast %ge3A_34 : f32 to vector<16xf32>
      %ge3A_36 = arith.cmpf oge, %get3A_33, %ge3A_35 : vector<16xf32>
      %mul3A_37 = arith.constant 0.00999999977 : f32
      %mul3A_38 = vector.broadcast %mul3A_37 : f32 to vector<16xf32>
      %mul3A_39 = arith.mulf %mul3A_38, %get3A_33 : vector<16xf32>
      %select_n3A_40 = arith.select %ge3A_36, %get3A_33, %mul3A_39 : vector<16xi1>, vector<16xf32>
      %swap3A_41 = arith.constant 32 : index
      %swap3A_42 = tpu.vector_load %arg4[%swap3A_41] {strides = array<i32>} : memref<224xf32, #tpu.memory_space<vmem>>, vector<16xf32>,
      %swap3A_43 = vector.shape_cast %swap3A_42 : vector<16xf32> to vector<16xf32>
      %swap3A_44 = vector.shape_cast %select_n3A_40 : vector<16xf32> to vector<16xf32>
      tpu.vector_store %arg4[%swap3A_41], %swap3A_44 {strides = array<i32>} : memref<224xf32, #tpu.memory_space<vmem>>, vector<16xf32>,
      %max3A_45 = arith.maximumf %max3A_30, %select_n3A_40 : vector<16xf32>
      %get3A_46 = arith.constant 48 : index
      %get3A_47 = tpu.vector_load %arg4[%get3A_46] {strides = array<i32>} : memref<224xf32, #tpu.memory_space<vmem>>, vector<16xf32>,
      %get3A_48 = vector.shape_cast %get3A_47 : vector<16xf32> to vector<16xf32>
      %ge3A_49 = arith.constant 0.000000e+00 : f32
      %ge3A_50 = vector.broadcast %ge3A_49 : f32 to vector<16xf32>
      %ge3A_51 = arith.cmpf oge, %get3A_48, %ge3A_50 : vector<16xf32>
      %mul3A_52 = arith.constant 0.00999999977 : f32
      %mul3A_53 = vector.broadcast %mul3A_52 : f32 to vector<16xf32>
      %mul3A_54 = arith.mulf %mul3A_53, %get3A_48 : vector<16xf32>
      %select_n3A_55 = arith.select %ge3A_51, %get3A_48, %mul3A_54 : vector<16xi1>, vector<16xf32>
      %swap3A_56 = arith.constant 48 : index
      %swap3A_57 = tpu.vector_load %arg4[%swap3A_56] {strides = array<i32>} : memref<224xf32, #tpu.memory_space<vmem>>, vector<16xf32>,
      %swap3A_58 = vector.shape_cast %swap3A_57 : vector<16xf32> to vector<16xf32>
      %swap3A_59 = vector.shape_cast %select_n3A_55 : vector<16xf32> to vector<16xf32>
      tpu.vector_store %arg4[%swap3A_56], %swap3A_59 {strides = array<i32>} : memref<224xf32, #tpu.memory_space<vmem>>, vector<16xf32>,
      %max3A_60 = arith.maximumf %max3A_45, %select_n3A_55 : vector<16xf32>
      %get3A_61 = arith.constant 64 : index
      %get3A_62 = tpu.vector_load %arg4[%get3A_61] {strides = array<i32>} : memref<224xf32, #tpu.memory_space<vmem>>, vector<16xf32>,
      %get3A_63 = vector.shape_cast %get3A_62 : vector<16xf32> to vector<16xf32>
      %ge3A_64 = arith.constant 0.000000e+00 : f32
      %ge3A_65 = vector.broadcast %ge3A_64 : f32 to vector<16xf32>
      %ge3A_66 = arith.cmpf oge, %get3A_63, %ge3A_65 : vector<16xf32>
      %mul3A_67 = arith.constant 0.00999999977 : f32
      %mul3A_68 = vector.broadcast %mul3A_67 : f32 to vector<16xf32>
      %mul3A_69 = arith.mulf %mul3A_68, %get3A_63 : vector<16xf32>
      %select_n3A_70 = arith.select %ge3A_66, %get3A_63, %mul3A_69 : vector<16xi1>, vector<16xf32>
      %swap3A_71 = arith.constant 64 : index
      %swap3A_72 = tpu.vector_load %arg4[%swap3A_71] {strides = array<i32>} : memref<224xf32, #tpu.memory_space<vmem>>, vector<16xf32>,
      %swap3A_73 = vector.shape_cast %swap3A_72 : vector<16xf32> to vector<16xf32>
      %swap3A_74 = vector.shape_cast %select_n3A_70 : vector<16xf32> to vector<16xf32>
      tpu.vector_store %arg4[%swap3A_71], %swap3A_74 {strides = array<i32>} : memref<224xf32, #tpu.memory_space<vmem>>, vector<16xf32>,
      %max3A_75 = arith.maximumf %max3A_60, %select_n3A_70 : vector<16xf32>
      %get3A_76 = arith.constant 80 : index
      %get3A_77 = tpu.vector_load %arg4[%get3A_76] {strides = array<i32>} : memref<224xf32, #tpu.memory_space<vmem>>, vector<16xf32>,
      %get3A_78 = vector.shape_cast %get3A_77 : vector<16xf32> to vector<16xf32>
      %ge3A_79 = arith.constant 0.000000e+00 : f32
      %ge3A_80 = vector.broadcast %ge3A_79 : f32 to vector<16xf32>
      %ge3A_81 = arith.cmpf oge, %get3A_78, %ge3A_80 : vector<16xf32>
      %mul3A_82 = arith.constant 0.00999999977 : f32
      %mul3A_83 = vector.broadcast %mul3A_82 : f32 to vector<16xf32>
      %mul3A_84 = arith.mulf %mul3A_83, %get3A_78 : vector<16xf32>
      %select_n3A_85 = arith.select %ge3A_81, %get3A_78, %mul3A_84 : vector<16xi1>, vector<16xf32>
      %swap3A_86 = arith.constant 80 : index
      %swap3A_87 = tpu.vector_load %arg4[%swap3A_86] {strides = array<i32>} : memref<224xf32, #tpu.memory_space<vmem>>, vector<16xf32>,
      %swap3A_88 = vector.shape_cast %swap3A_87 : vector<16xf32> to vector<16xf32>
      %swap3A_89 = vector.shape_cast %select_n3A_85 : vector<16xf32> to vector<16xf32>
      tpu.vector_store %arg4[%swap3A_86], %swap3A_89 {strides = array<i32>} : memref<224xf32, #tpu.memory_space<vmem>>, vector<16xf32>,
      %max3A_90 = arith.maximumf %max3A_75, %select_n3A_85 : vector<16xf32>
      %get3A_91 = arith.constant 96 : index
      %get3A_92 = tpu.vector_load %arg4[%get3A_91] {strides = array<i32>} : memref<224xf32, #tpu.memory_space<vmem>>, vector<16xf32>,
      %get3A_93 = vector.shape_cast %get3A_92 : vector<16xf32> to vector<16xf32>
      %ge3A_94 = arith.constant 0.000000e+00 : f32
      %ge3A_95 = vector.broadcast %ge3A_94 : f32 to vector<16xf32>
      %ge3A_96 = arith.cmpf oge, %get3A_93, %ge3A_95 : vector<16xf32>
      %mul3A_97 = arith.constant 0.00999999977 : f32
      %mul3A_98 = vector.broadcast %mul3A_97 : f32 to vector<16xf32>
      %mul3A_99 = arith.mulf %mul3A_98, %get3A_93 : vector<16xf32>
      %select_n3A_100 = arith.select %ge3A_96, %get3A_93, %mul3A_99 : vector<16xi1>, vector<16xf32>
      %swap3A_101 = arith.constant 96 : index
      %swap3A_102 = tpu.vector_load %arg4[%swap3A_101] {strides = array<i32>} : memref<224xf32, #tpu.memory_space<vmem>>, vector<16xf32>,
      %swap3A_103 = vector.shape_cast %swap3A_102 : vector<16xf32> to vector<16xf32>
      %swap3A_104 = vector.shape_cast %select_n3A_100 : vector<16xf32> to vector<16xf32>
      tpu.vector_store %arg4[%swap3A_101], %swap3A_104 {strides = array<i32>} : memref<224xf32, #tpu.memory_space<vmem>>, vector<16xf32>,
      %max3A_105 = arith.maximumf %max3A_90, %select_n3A_100 : vector<16xf32>
      %get3A_106 = arith.constant 112 : index
      %get3A_107 = tpu.vector_load %arg4[%get3A_106] {strides = array<i32>} : memref<224xf32, #tpu.memory_space<vmem>>, vector<16xf32>,
      %get3A_108 = vector.shape_cast %get3A_107 : vector<16xf32> to vector<16xf32>
      %ge3A_109 = arith.constant 0.000000e+00 : f32
      %ge3A_110 = vector.broadcast %ge3A_109 : f32 to vector<16xf32>
      %ge3A_111 = arith.cmpf oge, %get3A_108, %ge3A_110 : vector<16xf32>
      %mul3A_112 = arith.constant 0.00999999977 : f32
      %mul3A_113 = vector.broadcast %mul3A_112 : f32 to vector<16xf32>
      %mul3A_114 = arith.mulf %mul3A_113, %get3A_108 : vector<16xf32>
      %select_n3A_115 = arith.select %ge3A_111, %get3A_108, %mul3A_114 : vector<16xi1>, vector<16xf32>
      %swap3A_116 = arith.constant 112 : index
      %swap3A_117 = tpu.vector_load %arg4[%swap3A_116] {strides = array<i32>} : memref<224xf32, #tpu.memory_space<vmem>>, vector<16xf32>,
      %swap3A_118 = vector.shape_cast %swap3A_117 : vector<16xf32> to vector<16xf32>
      %swap3A_119 = vector.shape_cast %select_n3A_115 : vector<16xf32> to vector<16xf32>
      tpu.vector_store %arg4[%swap3A_116], %swap3A_119 {strides = array<i32>} : memref<224xf32, #tpu.memory_space<vmem>>, vector<16xf32>,
      %max3A_120 = arith.maximumf %max3A_105, %select_n3A_115 : vector<16xf32>
      %get3A_121 = arith.constant 128 : index
      %get3A_122 = tpu.vector_load %arg4[%get3A_121] {strides = array<i32>} : memref<224xf32, #tpu.memory_space<vmem>>, vector<16xf32>,
      %get3A_123 = vector.shape_cast %get3A_122 : vector<16xf32> to vector<16xf32>
      %ge3A_124 = arith.constant 0.000000e+00 : f32
      %ge3A_125 = vector.broadcast %ge3A_124 : f32 to vector<16xf32>
      %ge3A_126 = arith.cmpf oge, %get3A_123, %ge3A_125 : vector<16xf32>
      %mul3A_127 = arith.constant 0.00999999977 : f32
      %mul3A_128 = vector.broadcast %mul3A_127 : f32 to vector<16xf32>
      %mul3A_129 = arith.mulf %mul3A_128, %get3A_123 : vector<16xf32>
      %select_n3A_130 = arith.select %ge3A_126, %get3A_123, %mul3A_129 : vector<16xi1>, vector<16xf32>
      %swap3A_131 = arith.constant 128 : index
      %swap3A_132 = tpu.vector_load %arg4[%swap3A_131] {strides = array<i32>} : memref<224xf32, #tpu.memory_space<vmem>>, vector<16xf32>,
      %swap3A_133 = vector.shape_cast %swap3A_132 : vector<16xf32> to vector<16xf32>
      %swap3A_134 = vector.shape_cast %select_n3A_130 : vector<16xf32> to vector<16xf32>
      tpu.vector_store %arg4[%swap3A_131], %swap3A_134 {strides = array<i32>} : memref<224xf32, #tpu.memory_space<vmem>>, vector<16xf32>,
      %max3A_135 = arith.maximumf %max3A_120, %select_n3A_130 : vector<16xf32>
      %get3A_136 = arith.constant 144 : index
      %get3A_137 = tpu.vector_load %arg4[%get3A_136] {strides = array<i32>} : memref<224xf32, #tpu.memory_space<vmem>>, vector<16xf32>,
      %get3A_138 = vector.shape_cast %get3A_137 : vector<16xf32> to vector<16xf32>
      %ge3A_139 = arith.constant 0.000000e+00 : f32
      %ge3A_140 = vector.broadcast %ge3A_139 : f32 to vector<16xf32>
      %ge3A_141 = arith.cmpf oge, %get3A_138, %ge3A_140 : vector<16xf32>
      %mul3A_142 = arith.constant 0.00999999977 : f32
      %mul3A_143 = vector.broadcast %mul3A_142 : f32 to vector<16xf32>
      %mul3A_144 = arith.mulf %mul3A_143, %get3A_138 : vector<16xf32>
      %select_n3A_145 = arith.select %ge3A_141, %get3A_138, %mul3A_144 : vector<16xi1>, vector<16xf32>
      %swap3A_146 = arith.constant 144 : index
      %swap3A_147 = tpu.vector_load %arg4[%swap3A_146] {strides = array<i32>} : memref<224xf32, #tpu.memory_space<vmem>>, vector<16xf32>,
      %swap3A_148 = vector.shape_cast %swap3A_147 : vector<16xf32> to vector<16xf32>
      %swap3A_149 = vector.shape_cast %select_n3A_145 : vector<16xf32> to vector<16xf32>
      tpu.vector_store %arg4[%swap3A_146], %swap3A_149 {strides = array<i32>} : memref<224xf32, #tpu.memory_space<vmem>>, vector<16xf32>,
      %max3A_150 = arith.maximumf %max3A_135, %select_n3A_145 : vector<16xf32>
      %get3A_151 = arith.constant 160 : index
      %get3A_152 = tpu.vector_load %arg4[%get3A_151] {strides = array<i32>} : memref<224xf32, #tpu.memory_space<vmem>>, vector<16xf32>,
      %get3A_153 = vector.shape_cast %get3A_152 : vector<16xf32> to vector<16xf32>
      %ge3A_154 = arith.constant 0.000000e+00 : f32
      %ge3A_155 = vector.broadcast %ge3A_154 : f32 to vector<16xf32>
      %ge3A_156 = arith.cmpf oge, %get3A_153, %ge3A_155 : vector<16xf32>
      %mul3A_157 = arith.constant 0.00999999977 : f32
      %mul3A_158 = vector.broadcast %mul3A_157 : f32 to vector<16xf32>
      %mul3A_159 = arith.mulf %mul3A_158, %get3A_153 : vector<16xf32>
      %select_n3A_160 = arith.select %ge3A_156, %get3A_153, %mul3A_159 : vector<16xi1>, vector<16xf32>
      %swap3A_161 = arith.constant 160 : index
      %swap3A_162 = tpu.vector_load %arg4[%swap3A_161] {strides = array<i32>} : memref<224xf32, #tpu.memory_space<vmem>>, vector<16xf32>,
      %swap3A_163 = vector.shape_cast %swap3A_162 : vector<16xf32> to vector<16xf32>
      %swap3A_164 = vector.shape_cast %select_n3A_160 : vector<16xf32> to vector<16xf32>
      tpu.vector_store %arg4[%swap3A_161], %swap3A_164 {strides = array<i32>} : memref<224xf32, #tpu.memory_space<vmem>>, vector<16xf32>,
      %max3A_165 = arith.maximumf %max3A_150, %select_n3A_160 : vector<16xf32>
      %get3A_166 = arith.constant 176 : index
      %get3A_167 = tpu.vector_load %arg4[%get3A_166] {strides = array<i32>} : memref<224xf32, #tpu.memory_space<vmem>>, vector<16xf32>,
      %get3A_168 = vector.shape_cast %get3A_167 : vector<16xf32> to vector<16xf32>
      %ge3A_169 = arith.constant 0.000000e+00 : f32
      %ge3A_170 = vector.broadcast %ge3A_169 : f32 to vector<16xf32>
      %ge3A_171 = arith.cmpf oge, %get3A_168, %ge3A_170 : vector<16xf32>
      %mul3A_172 = arith.constant 0.00999999977 : f32
      %mul3A_173 = vector.broadcast %mul3A_172 : f32 to vector<16xf32>
      %mul3A_174 = arith.mulf %mul3A_173, %get3A_168 : vector<16xf32>
      %select_n3A_175 = arith.select %ge3A_171, %get3A_168, %mul3A_174 : vector<16xi1>, vector<16xf32>
      %swap3A_176 = arith.constant 176 : index
      %swap3A_177 = tpu.vector_load %arg4[%swap3A_176] {strides = array<i32>} : memref<224xf32, #tpu.memory_space<vmem>>, vector<16xf32>,
      %swap3A_178 = vector.shape_cast %swap3A_177 : vector<16xf32> to vector<16xf32>
      %swap3A_179 = vector.shape_cast %select_n3A_175 : vector<16xf32> to vector<16xf32>
      tpu.vector_store %arg4[%swap3A_176], %swap3A_179 {strides = array<i32>} : memref<224xf32, #tpu.memory_space<vmem>>, vector<16xf32>,
      %max3A_180 = arith.maximumf %max3A_165, %select_n3A_175 : vector<16xf32>
      %get3A_181 = arith.constant 192 : index
      %get3A_182 = tpu.vector_load %arg4[%get3A_181] {strides = array<i32>} : memref<224xf32, #tpu.memory_space<vmem>>, vector<16xf32>,
      %get3A_183 = vector.shape_cast %get3A_182 : vector<16xf32> to vector<16xf32>
      %ge3A_184 = arith.constant 0.000000e+00 : f32
      %ge3A_185 = vector.broadcast %ge3A_184 : f32 to vector<16xf32>
      %ge3A_186 = arith.cmpf oge, %get3A_183, %ge3A_185 : vector<16xf32>
      %mul3A_187 = arith.constant 0.00999999977 : f32
      %mul3A_188 = vector.broadcast %mul3A_187 : f32 to vector<16xf32>
      %mul3A_189 = arith.mulf %mul3A_188, %get3A_183 : vector<16xf32>
      %select_n3A_190 = arith.select %ge3A_186, %get3A_183, %mul3A_189 : vector<16xi1>, vector<16xf32>
      %swap3A_191 = arith.constant 192 : index
      %swap3A_192 = tpu.vector_load %arg4[%swap3A_191] {strides = array<i32>} : memref<224xf32, #tpu.memory_space<vmem>>, vector<16xf32>,
      %swap3A_193 = vector.shape_cast %swap3A_192 : vector<16xf32> to vector<16xf32>
      %swap3A_194 = vector.shape_cast %select_n3A_190 : vector<16xf32> to vector<16xf32>
      tpu.vector_store %arg4[%swap3A_191], %swap3A_194 {strides = array<i32>} : memref<224xf32, #tpu.memory_space<vmem>>, vector<16xf32>,
      %select_n3A_195 = arith.select %lt3A_5, %select_n3A_190, %broadcast_in_dim3A_6 : vector<16xi1>, vector<16xf32>
      %max3A_196 = arith.maximumf %max3A_180, %select_n3A_195 : vector<16xf32>
      %xor3A = arith.constant 8 : i32
      %xor3A_197 = vector.broadcast %xor3A : i32 to vector<16xi32>
      %xor3A_198 = arith.xori %iota3A, %xor3A_197 : vector<16xi32>
      %lt3A_199 = arith.constant 0 : i32
      %lt3A_200 = vector.broadcast %lt3A_199 : i32 to vector<16xi32>
      %lt3A_201 = arith.cmpi slt, %xor3A_198, %lt3A_200 : vector<16xi32>
      %add3A = arith.constant 16 : i32
      %add3A_202 = vector.broadcast %add3A : i32 to vector<16xi32>
      %add3A_203 = arith.addi %xor3A_198, %add3A_202 : vector<16xi32>
      %select_n3A_204 = arith.select %lt3A_201, %add3A_203, %xor3A_198 : vector<16xi1>, vector<16xi32>
      %broadcast_in_dim3A_205 = vector.shape_cast %select_n3A_204 : vector<16xi32> to vector<16x1xi32>
      %gather3A = vector.shape_cast %broadcast_in_dim3A_205 : vector<16x1xi32> to vector<16xi32>
      %gather3A_206 = tpu.dynamic_gather %max3A_196[%gather3A] in [0] : vector<16xf32>, vector<16xi32> -> vector<16xf32>
      %max3A_207 = arith.maximumf %max3A_196, %gather3A_206 : vector<16xf32>
      %xor3A_208 = arith.constant 4 : i32
      %xor3A_209 = vector.broadcast %xor3A_208 : i32 to vector<16xi32>
      %xor3A_210 = arith.xori %iota3A, %xor3A_209 : vector<16xi32>
      %lt3A_211 = arith.constant 0 : i32
      %lt3A_212 = vector.broadcast %lt3A_211 : i32 to vector<16xi32>
      %lt3A_213 = arith.cmpi slt, %xor3A_210, %lt3A_212 : vector<16xi32>
      %add3A_214 = arith.constant 16 : i32
      %add3A_215 = vector.broadcast %add3A_214 : i32 to vector<16xi32>
      %add3A_216 = arith.addi %xor3A_210, %add3A_215 : vector<16xi32>
      %select_n3A_217 = arith.select %lt3A_213, %add3A_216, %xor3A_210 : vector<16xi1>, vector<16xi32>
      %broadcast_in_dim3A_218 = vector.shape_cast %select_n3A_217 : vector<16xi32> to vector<16x1xi32>
      %gather3A_219 = vector.shape_cast %broadcast_in_dim3A_218 : vector<16x1xi32> to vector<16xi32>
      %gather3A_220 = tpu.dynamic_gather %max3A_207[%gather3A_219] in [0] : vector<16xf32>, vector<16xi32> -> vector<16xf32>
      %max3A_221 = arith.maximumf %max3A_207, %gather3A_220 : vector<16xf32>
      %xor3A_222 = arith.constant 2 : i32
      %xor3A_223 = vector.broadcast %xor3A_222 : i32 to vector<16xi32>
      %xor3A_224 = arith.xori %iota3A, %xor3A_223 : vector<16xi32>
      %lt3A_225 = arith.constant 0 : i32
      %lt3A_226 = vector.broadcast %lt3A_225 : i32 to vector<16xi32>
      %lt3A_227 = arith.cmpi slt, %xor3A_224, %lt3A_226 : vector<16xi32>
      %add3A_228 = arith.constant 16 : i32
      %add3A_229 = vector.broadcast %add3A_228 : i32 to vector<16xi32>
      %add3A_230 = arith.addi %xor3A_224, %add3A_229 : vector<16xi32>
      %select_n3A_231 = arith.select %lt3A_227, %add3A_230, %xor3A_224 : vector<16xi1>, vector<16xi32>
      %broadcast_in_dim3A_232 = vector.shape_cast %select_n3A_231 : vector<16xi32> to vector<16x1xi32>
      %gather3A_233 = vector.shape_cast %broadcast_in_dim3A_232 : vector<16x1xi32> to vector<16xi32>
      %gather3A_234 = tpu.dynamic_gather %max3A_221[%gather3A_233] in [0] : vector<16xf32>, vector<16xi32> -> vector<16xf32>
      %max3A_235 = arith.maximumf %max3A_221, %gather3A_234 : vector<16xf32>
      %xor3A_236 = arith.constant 1 : i32
      %xor3A_237 = vector.broadcast %xor3A_236 : i32 to vector<16xi32>
      %xor3A_238 = arith.xori %iota3A, %xor3A_237 : vector<16xi32>
      %lt3A_239 = arith.constant 0 : i32
      %lt3A_240 = vector.broadcast %lt3A_239 : i32 to vector<16xi32>
      %lt3A_241 = arith.cmpi slt, %xor3A_238, %lt3A_240 : vector<16xi32>
      %add3A_242 = arith.constant 16 : i32
      %add3A_243 = vector.broadcast %add3A_242 : i32 to vector<16xi32>
      %add3A_244 = arith.addi %xor3A_238, %add3A_243 : vector<16xi32>
      %select_n3A_245 = arith.select %lt3A_241, %add3A_244, %xor3A_238 : vector<16xi1>, vector<16xi32>
      %broadcast_in_dim3A_246 = vector.shape_cast %select_n3A_245 : vector<16xi32> to vector<16x1xi32>
      %gather3A_247 = vector.shape_cast %broadcast_in_dim3A_246 : vector<16x1xi32> to vector<16xi32>
      %gather3A_248 = tpu.dynamic_gather %max3A_235[%gather3A_247] in [0] : vector<16xf32>, vector<16xi32> -> vector<16xf32>
      %max3A_249 = arith.maximumf %max3A_235, %gather3A_248 : vector<16xf32>
      %broadcast_in_dim3A_250 = arith.constant 0.000000e+00 : f32
      %broadcast_in_dim3A_251 = vector.broadcast %broadcast_in_dim3A_250 : f32 to vector<16xf32>
      %get3A_252 = arith.constant 0 : index
      %get3A_253 = tpu.vector_load %arg4[%get3A_252] {strides = array<i32>} : memref<224xf32, #tpu.memory_space<vmem>>, vector<16xf32>,
      %get3A_254 = vector.shape_cast %get3A_253 : vector<16xf32> to vector<16xf32>
      %sub3A = arith.subf %get3A_254, %max3A_249 : vector<16xf32>
      %exp3A = math.exp %sub3A : vector<16xf32>
      %swap3A_255 = arith.constant 0 : index
      %swap3A_256 = tpu.vector_load %arg4[%swap3A_255] {strides = array<i32>} : memref<224xf32, #tpu.memory_space<vmem>>, vector<16xf32>,
      %swap3A_257 = vector.shape_cast %swap3A_256 : vector<16xf32> to vector<16xf32>
      %swap3A_258 = vector.shape_cast %exp3A : vector<16xf32> to vector<16xf32>
      tpu.vector_store %arg4[%swap3A_255], %swap3A_258 {strides = array<i32>} : memref<224xf32, #tpu.memory_space<vmem>>, vector<16xf32>,
      %add3A_259 = arith.addf %broadcast_in_dim3A_251, %exp3A : vector<16xf32>
      %get3A_260 = arith.constant 16 : index
      %get3A_261 = tpu.vector_load %arg4[%get3A_260] {strides = array<i32>} : memref<224xf32, #tpu.memory_space<vmem>>, vector<16xf32>,
      %get3A_262 = vector.shape_cast %get3A_261 : vector<16xf32> to vector<16xf32>
      %sub3A_263 = arith.subf %get3A_262, %max3A_249 : vector<16xf32>
      %exp3A_264 = math.exp %sub3A_263 : vector<16xf32>
      %swap3A_265 = arith.constant 16 : index
      %swap3A_266 = tpu.vector_load %arg4[%swap3A_265] {strides = array<i32>} : memref<224xf32, #tpu.memory_space<vmem>>, vector<16xf32>,
      %swap3A_267 = vector.shape_cast %swap3A_266 : vector<16xf32> to vector<16xf32>
      %swap3A_268 = vector.shape_cast %exp3A_264 : vector<16xf32> to vector<16xf32>
      tpu.vector_store %arg4[%swap3A_265], %swap3A_268 {strides = array<i32>} : memref<224xf32, #tpu.memory_space<vmem>>, vector<16xf32>,
      %add3A_269 = arith.addf %add3A_259, %exp3A_264 : vector<16xf32>
      %get3A_270 = arith.constant 32 : index
      %get3A_271 = tpu.vector_load %arg4[%get3A_270] {strides = array<i32>} : memref<224xf32, #tpu.memory_space<vmem>>, vector<16xf32>,
      %get3A_272 = vector.shape_cast %get3A_271 : vector<16xf32> to vector<16xf32>
      %sub3A_273 = arith.subf %get3A_272, %max3A_249 : vector<16xf32>
      %exp3A_274 = math.exp %sub3A_273 : vector<16xf32>
      %swap3A_275 = arith.constant 32 : index
      %swap3A_276 = tpu.vector_load %arg4[%swap3A_275] {strides = array<i32>} : memref<224xf32, #tpu.memory_space<vmem>>, vector<16xf32>,
      %swap3A_277 = vector.shape_cast %swap3A_276 : vector<16xf32> to vector<16xf32>
      %swap3A_278 = vector.shape_cast %exp3A_274 : vector<16xf32> to vector<16xf32>
      tpu.vector_store %arg4[%swap3A_275], %swap3A_278 {strides = array<i32>} : memref<224xf32, #tpu.memory_space<vmem>>, vector<16xf32>,
      %add3A_279 = arith.addf %add3A_269, %exp3A_274 : vector<16xf32>
      %get3A_280 = arith.constant 48 : index
      %get3A_281 = tpu.vector_load %arg4[%get3A_280] {strides = array<i32>} : memref<224xf32, #tpu.memory_space<vmem>>, vector<16xf32>,
      %get3A_282 = vector.shape_cast %get3A_281 : vector<16xf32> to vector<16xf32>
      %sub3A_283 = arith.subf %get3A_282, %max3A_249 : vector<16xf32>
      %exp3A_284 = math.exp %sub3A_283 : vector<16xf32>
      %swap3A_285 = arith.constant 48 : index
      %swap3A_286 = tpu.vector_load %arg4[%swap3A_285] {strides = array<i32>} : memref<224xf32, #tpu.memory_space<vmem>>, vector<16xf32>,
      %swap3A_287 = vector.shape_cast %swap3A_286 : vector<16xf32> to vector<16xf32>
      %swap3A_288 = vector.shape_cast %exp3A_284 : vector<16xf32> to vector<16xf32>
      tpu.vector_store %arg4[%swap3A_285], %swap3A_288 {strides = array<i32>} : memref<224xf32, #tpu.memory_space<vmem>>, vector<16xf32>,
      %add3A_289 = arith.addf %add3A_279, %exp3A_284 : vector<16xf32>
      %get3A_290 = arith.constant 64 : index
      %get3A_291 = tpu.vector_load %arg4[%get3A_290] {strides = array<i32>} : memref<224xf32, #tpu.memory_space<vmem>>, vector<16xf32>,
      %get3A_292 = vector.shape_cast %get3A_291 : vector<16xf32> to vector<16xf32>
      %sub3A_293 = arith.subf %get3A_292, %max3A_249 : vector<16xf32>
      %exp3A_294 = math.exp %sub3A_293 : vector<16xf32>
      %swap3A_295 = arith.constant 64 : index
      %swap3A_296 = tpu.vector_load %arg4[%swap3A_295] {strides = array<i32>} : memref<224xf32, #tpu.memory_space<vmem>>, vector<16xf32>,
      %swap3A_297 = vector.shape_cast %swap3A_296 : vector<16xf32> to vector<16xf32>
      %swap3A_298 = vector.shape_cast %exp3A_294 : vector<16xf32> to vector<16xf32>
      tpu.vector_store %arg4[%swap3A_295], %swap3A_298 {strides = array<i32>} : memref<224xf32, #tpu.memory_space<vmem>>, vector<16xf32>,
      %add3A_299 = arith.addf %add3A_289, %exp3A_294 : vector<16xf32>
      %get3A_300 = arith.constant 80 : index
      %get3A_301 = tpu.vector_load %arg4[%get3A_300] {strides = array<i32>} : memref<224xf32, #tpu.memory_space<vmem>>, vector<16xf32>,
      %get3A_302 = vector.shape_cast %get3A_301 : vector<16xf32> to vector<16xf32>
      %sub3A_303 = arith.subf %get3A_302, %max3A_249 : vector<16xf32>
      %exp3A_304 = math.exp %sub3A_303 : vector<16xf32>
      %swap3A_305 = arith.constant 80 : index
      %swap3A_306 = tpu.vector_load %arg4[%swap3A_305] {strides = array<i32>} : memref<224xf32, #tpu.memory_space<vmem>>, vector<16xf32>,
      %swap3A_307 = vector.shape_cast %swap3A_306 : vector<16xf32> to vector<16xf32>
      %swap3A_308 = vector.shape_cast %exp3A_304 : vector<16xf32> to vector<16xf32>
      tpu.vector_store %arg4[%swap3A_305], %swap3A_308 {strides = array<i32>} : memref<224xf32, #tpu.memory_space<vmem>>, vector<16xf32>,
      %add3A_309 = arith.addf %add3A_299, %exp3A_304 : vector<16xf32>
      %get3A_310 = arith.constant 96 : index
      %get3A_311 = tpu.vector_load %arg4[%get3A_310] {strides = array<i32>} : memref<224xf32, #tpu.memory_space<vmem>>, vector<16xf32>,
      %get3A_312 = vector.shape_cast %get3A_311 : vector<16xf32> to vector<16xf32>
      %sub3A_313 = arith.subf %get3A_312, %max3A_249 : vector<16xf32>
      %exp3A_314 = math.exp %sub3A_313 : vector<16xf32>
      %swap3A_315 = arith.constant 96 : index
      %swap3A_316 = tpu.vector_load %arg4[%swap3A_315] {strides = array<i32>} : memref<224xf32, #tpu.memory_space<vmem>>, vector<16xf32>,
      %swap3A_317 = vector.shape_cast %swap3A_316 : vector<16xf32> to vector<16xf32>
      %swap3A_318 = vector.shape_cast %exp3A_314 : vector<16xf32> to vector<16xf32>
      tpu.vector_store %arg4[%swap3A_315], %swap3A_318 {strides = array<i32>} : memref<224xf32, #tpu.memory_space<vmem>>, vector<16xf32>,
      %add3A_319 = arith.addf %add3A_309, %exp3A_314 : vector<16xf32>
      %get3A_320 = arith.constant 112 : index
      %get3A_321 = tpu.vector_load %arg4[%get3A_320] {strides = array<i32>} : memref<224xf32, #tpu.memory_space<vmem>>, vector<16xf32>,
      %get3A_322 = vector.shape_cast %get3A_321 : vector<16xf32> to vector<16xf32>
      %sub3A_323 = arith.subf %get3A_322, %max3A_249 : vector<16xf32>
      %exp3A_324 = math.exp %sub3A_323 : vector<16xf32>
      %swap3A_325 = arith.constant 112 : index
      %swap3A_326 = tpu.vector_load %arg4[%swap3A_325] {strides = array<i32>} : memref<224xf32, #tpu.memory_space<vmem>>, vector<16xf32>,
      %swap3A_327 = vector.shape_cast %swap3A_326 : vector<16xf32> to vector<16xf32>
      %swap3A_328 = vector.shape_cast %exp3A_324 : vector<16xf32> to vector<16xf32>
      tpu.vector_store %arg4[%swap3A_325], %swap3A_328 {strides = array<i32>} : memref<224xf32, #tpu.memory_space<vmem>>, vector<16xf32>,
      %add3A_329 = arith.addf %add3A_319, %exp3A_324 : vector<16xf32>
      %get3A_330 = arith.constant 128 : index
      %get3A_331 = tpu.vector_load %arg4[%get3A_330] {strides = array<i32>} : memref<224xf32, #tpu.memory_space<vmem>>, vector<16xf32>,
      %get3A_332 = vector.shape_cast %get3A_331 : vector<16xf32> to vector<16xf32>
      %sub3A_333 = arith.subf %get3A_332, %max3A_249 : vector<16xf32>
      %exp3A_334 = math.exp %sub3A_333 : vector<16xf32>
      %swap3A_335 = arith.constant 128 : index
      %swap3A_336 = tpu.vector_load %arg4[%swap3A_335] {strides = array<i32>} : memref<224xf32, #tpu.memory_space<vmem>>, vector<16xf32>,
      %swap3A_337 = vector.shape_cast %swap3A_336 : vector<16xf32> to vector<16xf32>
      %swap3A_338 = vector.shape_cast %exp3A_334 : vector<16xf32> to vector<16xf32>
      tpu.vector_store %arg4[%swap3A_335], %swap3A_338 {strides = array<i32>} : memref<224xf32, #tpu.memory_space<vmem>>, vector<16xf32>,
      %add3A_339 = arith.addf %add3A_329, %exp3A_334 : vector<16xf32>
      %get3A_340 = arith.constant 144 : index
      %get3A_341 = tpu.vector_load %arg4[%get3A_340] {strides = array<i32>} : memref<224xf32, #tpu.memory_space<vmem>>, vector<16xf32>,
      %get3A_342 = vector.shape_cast %get3A_341 : vector<16xf32> to vector<16xf32>
      %sub3A_343 = arith.subf %get3A_342, %max3A_249 : vector<16xf32>
      %exp3A_344 = math.exp %sub3A_343 : vector<16xf32>
      %swap3A_345 = arith.constant 144 : index
      %swap3A_346 = tpu.vector_load %arg4[%swap3A_345] {strides = array<i32>} : memref<224xf32, #tpu.memory_space<vmem>>, vector<16xf32>,
      %swap3A_347 = vector.shape_cast %swap3A_346 : vector<16xf32> to vector<16xf32>
      %swap3A_348 = vector.shape_cast %exp3A_344 : vector<16xf32> to vector<16xf32>
      tpu.vector_store %arg4[%swap3A_345], %swap3A_348 {strides = array<i32>} : memref<224xf32, #tpu.memory_space<vmem>>, vector<16xf32>,
      %add3A_349 = arith.addf %add3A_339, %exp3A_344 : vector<16xf32>
      %get3A_350 = arith.constant 160 : index
      %get3A_351 = tpu.vector_load %arg4[%get3A_350] {strides = array<i32>} : memref<224xf32, #tpu.memory_space<vmem>>, vector<16xf32>,
      %get3A_352 = vector.shape_cast %get3A_351 : vector<16xf32> to vector<16xf32>
      %sub3A_353 = arith.subf %get3A_352, %max3A_249 : vector<16xf32>
      %exp3A_354 = math.exp %sub3A_353 : vector<16xf32>
      %swap3A_355 = arith.constant 160 : index
      %swap3A_356 = tpu.vector_load %arg4[%swap3A_355] {strides = array<i32>} : memref<224xf32, #tpu.memory_space<vmem>>, vector<16xf32>,
      %swap3A_357 = vector.shape_cast %swap3A_356 : vector<16xf32> to vector<16xf32>
      %swap3A_358 = vector.shape_cast %exp3A_354 : vector<16xf32> to vector<16xf32>
      tpu.vector_store %arg4[%swap3A_355], %swap3A_358 {strides = array<i32>} : memref<224xf32, #tpu.memory_space<vmem>>, vector<16xf32>,
      %add3A_359 = arith.addf %add3A_349, %exp3A_354 : vector<16xf32>
      %get3A_360 = arith.constant 176 : index
      %get3A_361 = tpu.vector_load %arg4[%get3A_360] {strides = array<i32>} : memref<224xf32, #tpu.memory_space<vmem>>, vector<16xf32>,
      %get3A_362 = vector.shape_cast %get3A_361 : vector<16xf32> to vector<16xf32>
      %sub3A_363 = arith.subf %get3A_362, %max3A_249 : vector<16xf32>
      %exp3A_364 = math.exp %sub3A_363 : vector<16xf32>
      %swap3A_365 = arith.constant 176 : index
      %swap3A_366 = tpu.vector_load %arg4[%swap3A_365] {strides = array<i32>} : memref<224xf32, #tpu.memory_space<vmem>>, vector<16xf32>,
      %swap3A_367 = vector.shape_cast %swap3A_366 : vector<16xf32> to vector<16xf32>
      %swap3A_368 = vector.shape_cast %exp3A_364 : vector<16xf32> to vector<16xf32>
      tpu.vector_store %arg4[%swap3A_365], %swap3A_368 {strides = array<i32>} : memref<224xf32, #tpu.memory_space<vmem>>, vector<16xf32>,
      %add3A_369 = arith.addf %add3A_359, %exp3A_364 : vector<16xf32>
      %get3A_370 = arith.constant 192 : index
      %get3A_371 = tpu.vector_load %arg4[%get3A_370] {strides = array<i32>} : memref<224xf32, #tpu.memory_space<vmem>>, vector<16xf32>,
      %get3A_372 = vector.shape_cast %get3A_371 : vector<16xf32> to vector<16xf32>
      %sub3A_373 = arith.subf %get3A_372, %max3A_249 : vector<16xf32>
      %exp3A_374 = math.exp %sub3A_373 : vector<16xf32>
      %jit3A = arith.constant 0.000000e+00 : f32
      %broadcast_in_dim3A_375 = vector.broadcast %jit3A : f32 to vector<16xf32>
      %select_n3A_376 = arith.select %lt3A_5, %exp3A_374, %broadcast_in_dim3A_375 : vector<16xi1>, vector<16xf32>
      %swap3A_377 = arith.constant 192 : index
      %swap3A_378 = tpu.vector_load %arg4[%swap3A_377] {strides = array<i32>} : memref<224xf32, #tpu.memory_space<vmem>>, vector<16xf32>,
      %swap3A_379 = vector.shape_cast %swap3A_378 : vector<16xf32> to vector<16xf32>
      %swap3A_380 = vector.shape_cast %select_n3A_376 : vector<16xf32> to vector<16xf32>
      tpu.vector_store %arg4[%swap3A_377], %swap3A_380 {strides = array<i32>} : memref<224xf32, #tpu.memory_space<vmem>>, vector<16xf32>,
      %add3A_381 = arith.addf %add3A_369, %select_n3A_376 : vector<16xf32>
      %xor3A_382 = arith.constant 8 : i32
      %xor3A_383 = vector.broadcast %xor3A_382 : i32 to vector<16xi32>
      %xor3A_384 = arith.xori %iota3A, %xor3A_383 : vector<16xi32>
      %lt3A_385 = arith.constant 0 : i32
      %lt3A_386 = vector.broadcast %lt3A_385 : i32 to vector<16xi32>
      %lt3A_387 = arith.cmpi slt, %xor3A_384, %lt3A_386 : vector<16xi32>
      %add3A_388 = arith.constant 16 : i32
      %add3A_389 = vector.broadcast %add3A_388 : i32 to vector<16xi32>
      %add3A_390 = arith.addi %xor3A_384, %add3A_389 : vector<16xi32>
      %select_n3A_391 = arith.select %lt3A_387, %add3A_390, %xor3A_384 : vector<16xi1>, vector<16xi32>
      %broadcast_in_dim3A_392 = vector.shape_cast %select_n3A_391 : vector<16xi32> to vector<16x1xi32>
      %gather3A_393 = vector.shape_cast %broadcast_in_dim3A_392 : vector<16x1xi32> to vector<16xi32>
      %gather3A_394 = tpu.dynamic_gather %add3A_381[%gather3A_393] in [0] : vector<16xf32>, vector<16xi32> -> vector<16xf32>
      %add3A_395 = arith.addf %add3A_381, %gather3A_394 : vector<16xf32>
      %xor3A_396 = arith.constant 4 : i32
      %xor3A_397 = vector.broadcast %xor3A_396 : i32 to vector<16xi32>
      %xor3A_398 = arith.xori %iota3A, %xor3A_397 : vector<16xi32>
      %lt3A_399 = arith.constant 0 : i32
      %lt3A_400 = vector.broadcast %lt3A_399 : i32 to vector<16xi32>
      %lt3A_401 = arith.cmpi slt, %xor3A_398, %lt3A_400 : vector<16xi32>
      %add3A_402 = arith.constant 16 : i32
      %add3A_403 = vector.broadcast %add3A_402 : i32 to vector<16xi32>
      %add3A_404 = arith.addi %xor3A_398, %add3A_403 : vector<16xi32>
      %select_n3A_405 = arith.select %lt3A_401, %add3A_404, %xor3A_398 : vector<16xi1>, vector<16xi32>
      %broadcast_in_dim3A_406 = vector.shape_cast %select_n3A_405 : vector<16xi32> to vector<16x1xi32>
      %gather3A_407 = vector.shape_cast %broadcast_in_dim3A_406 : vector<16x1xi32> to vector<16xi32>
      %gather3A_408 = tpu.dynamic_gather %add3A_395[%gather3A_407] in [0] : vector<16xf32>, vector<16xi32> -> vector<16xf32>
      %add3A_409 = arith.addf %add3A_395, %gather3A_408 : vector<16xf32>
      %xor3A_410 = arith.constant 2 : i32
      %xor3A_411 = vector.broadcast %xor3A_410 : i32 to vector<16xi32>
      %xor3A_412 = arith.xori %iota3A, %xor3A_411 : vector<16xi32>
      %lt3A_413 = arith.constant 0 : i32
      %lt3A_414 = vector.broadcast %lt3A_413 : i32 to vector<16xi32>
      %lt3A_415 = arith.cmpi slt, %xor3A_412, %lt3A_414 : vector<16xi32>
      %add3A_416 = arith.constant 16 : i32
      %add3A_417 = vector.broadcast %add3A_416 : i32 to vector<16xi32>
      %add3A_418 = arith.addi %xor3A_412, %add3A_417 : vector<16xi32>
      %select_n3A_419 = arith.select %lt3A_415, %add3A_418, %xor3A_412 : vector<16xi1>, vector<16xi32>
      %broadcast_in_dim3A_420 = vector.shape_cast %select_n3A_419 : vector<16xi32> to vector<16x1xi32>
      %gather3A_421 = vector.shape_cast %broadcast_in_dim3A_420 : vector<16x1xi32> to vector<16xi32>
      %gather3A_422 = tpu.dynamic_gather %add3A_409[%gather3A_421] in [0] : vector<16xf32>, vector<16xi32> -> vector<16xf32>
      %add3A_423 = arith.addf %add3A_409, %gather3A_422 : vector<16xf32>
      %xor3A_424 = arith.constant 1 : i32
      %xor3A_425 = vector.broadcast %xor3A_424 : i32 to vector<16xi32>
      %xor3A_426 = arith.xori %iota3A, %xor3A_425 : vector<16xi32>
      %lt3A_427 = arith.constant 0 : i32
      %lt3A_428 = vector.broadcast %lt3A_427 : i32 to vector<16xi32>
      %lt3A_429 = arith.cmpi slt, %xor3A_426, %lt3A_428 : vector<16xi32>
      %add3A_430 = arith.constant 16 : i32
      %add3A_431 = vector.broadcast %add3A_430 : i32 to vector<16xi32>
      %add3A_432 = arith.addi %xor3A_426, %add3A_431 : vector<16xi32>
      %select_n3A_433 = arith.select %lt3A_429, %add3A_432, %xor3A_426 : vector<16xi1>, vector<16xi32>
      %broadcast_in_dim3A_434 = vector.shape_cast %select_n3A_433 : vector<16xi32> to vector<16x1xi32>
      %gather3A_435 = vector.shape_cast %broadcast_in_dim3A_434 : vector<16x1xi32> to vector<16xi32>
      %gather3A_436 = tpu.dynamic_gather %add3A_423[%gather3A_435] in [0] : vector<16xf32>, vector<16xi32> -> vector<16xf32>
      %add3A_437 = arith.addf %add3A_423, %gather3A_436 : vector<16xf32>
      %div3A = arith.constant 1.000000e+00 : f32
      %div3A_438 = vector.broadcast %div3A : f32 to vector<16xf32>
      %div3A_439 = arith.divf %div3A_438, %add3A_437 : vector<16xf32>
      %get3A_440 = arith.constant 0 : index
      %get3A_441 = tpu.vector_load %arg4[%get3A_440] {strides = array<i32>} : memref<224xf32, #tpu.memory_space<vmem>>, vector<16xf32>,
      %get3A_442 = vector.shape_cast %get3A_441 : vector<16xf32> to vector<16xf32>
      %mul3A_443 = arith.mulf %get3A_442, %div3A_439 : vector<16xf32>
      %swap3A_444 = arith.constant 0 : index
      %swap3A_445 = tpu.vector_load %arg4[%swap3A_444] {strides = array<i32>} : memref<224xf32, #tpu.memory_space<vmem>>, vector<16xf32>,
      %swap3A_446 = vector.shape_cast %swap3A_445 : vector<16xf32> to vector<16xf32>
      %swap3A_447 = vector.shape_cast %mul3A_443 : vector<16xf32> to vector<16xf32>
      tpu.vector_store %arg4[%swap3A_444], %swap3A_447 {strides = array<i32>} : memref<224xf32, #tpu.memory_space<vmem>>, vector<16xf32>,
      %get3A_448 = arith.constant 16 : index
      %get3A_449 = tpu.vector_load %arg4[%get3A_448] {strides = array<i32>} : memref<224xf32, #tpu.memory_space<vmem>>, vector<16xf32>,
      %get3A_450 = vector.shape_cast %get3A_449 : vector<16xf32> to vector<16xf32>
      %mul3A_451 = arith.mulf %get3A_450, %div3A_439 : vector<16xf32>
      %swap3A_452 = arith.constant 16 : index
      %swap3A_453 = tpu.vector_load %arg4[%swap3A_452] {strides = array<i32>} : memref<224xf32, #tpu.memory_space<vmem>>, vector<16xf32>,
      %swap3A_454 = vector.shape_cast %swap3A_453 : vector<16xf32> to vector<16xf32>
      %swap3A_455 = vector.shape_cast %mul3A_451 : vector<16xf32> to vector<16xf32>
      tpu.vector_store %arg4[%swap3A_452], %swap3A_455 {strides = array<i32>} : memref<224xf32, #tpu.memory_space<vmem>>, vector<16xf32>,
      %get3A_456 = arith.constant 32 : index
      %get3A_457 = tpu.vector_load %arg4[%get3A_456] {strides = array<i32>} : memref<224xf32, #tpu.memory_space<vmem>>, vector<16xf32>,
      %get3A_458 = vector.shape_cast %get3A_457 : vector<16xf32> to vector<16xf32>
      %mul3A_459 = arith.mulf %get3A_458, %div3A_439 : vector<16xf32>
      %swap3A_460 = arith.constant 32 : index
      %swap3A_461 = tpu.vector_load %arg4[%swap3A_460] {strides = array<i32>} : memref<224xf32, #tpu.memory_space<vmem>>, vector<16xf32>,
      %swap3A_462 = vector.shape_cast %swap3A_461 : vector<16xf32> to vector<16xf32>
      %swap3A_463 = vector.shape_cast %mul3A_459 : vector<16xf32> to vector<16xf32>
      tpu.vector_store %arg4[%swap3A_460], %swap3A_463 {strides = array<i32>} : memref<224xf32, #tpu.memory_space<vmem>>, vector<16xf32>,
      %get3A_464 = arith.constant 48 : index
      %get3A_465 = tpu.vector_load %arg4[%get3A_464] {strides = array<i32>} : memref<224xf32, #tpu.memory_space<vmem>>, vector<16xf32>,
      %get3A_466 = vector.shape_cast %get3A_465 : vector<16xf32> to vector<16xf32>
      %mul3A_467 = arith.mulf %get3A_466, %div3A_439 : vector<16xf32>
      %swap3A_468 = arith.constant 48 : index
      %swap3A_469 = tpu.vector_load %arg4[%swap3A_468] {strides = array<i32>} : memref<224xf32, #tpu.memory_space<vmem>>, vector<16xf32>,
      %swap3A_470 = vector.shape_cast %swap3A_469 : vector<16xf32> to vector<16xf32>
      %swap3A_471 = vector.shape_cast %mul3A_467 : vector<16xf32> to vector<16xf32>
      tpu.vector_store %arg4[%swap3A_468], %swap3A_471 {strides = array<i32>} : memref<224xf32, #tpu.memory_space<vmem>>, vector<16xf32>,
      %get3A_472 = arith.constant 64 : index
      %get3A_473 = tpu.vector_load %arg4[%get3A_472] {strides = array<i32>} : memref<224xf32, #tpu.memory_space<vmem>>, vector<16xf32>,
      %get3A_474 = vector.shape_cast %get3A_473 : vector<16xf32> to vector<16xf32>
      %mul3A_475 = arith.mulf %get3A_474, %div3A_439 : vector<16xf32>
      %swap3A_476 = arith.constant 64 : index
      %swap3A_477 = tpu.vector_load %arg4[%swap3A_476] {strides = array<i32>} : memref<224xf32, #tpu.memory_space<vmem>>, vector<16xf32>,
      %swap3A_478 = vector.shape_cast %swap3A_477 : vector<16xf32> to vector<16xf32>
      %swap3A_479 = vector.shape_cast %mul3A_475 : vector<16xf32> to vector<16xf32>
      tpu.vector_store %arg4[%swap3A_476], %swap3A_479 {strides = array<i32>} : memref<224xf32, #tpu.memory_space<vmem>>, vector<16xf32>,
      %get3A_480 = arith.constant 80 : index
      %get3A_481 = tpu.vector_load %arg4[%get3A_480] {strides = array<i32>} : memref<224xf32, #tpu.memory_space<vmem>>, vector<16xf32>,
      %get3A_482 = vector.shape_cast %get3A_481 : vector<16xf32> to vector<16xf32>
      %mul3A_483 = arith.mulf %get3A_482, %div3A_439 : vector<16xf32>
      %swap3A_484 = arith.constant 80 : index
      %swap3A_485 = tpu.vector_load %arg4[%swap3A_484] {strides = array<i32>} : memref<224xf32, #tpu.memory_space<vmem>>, vector<16xf32>,
      %swap3A_486 = vector.shape_cast %swap3A_485 : vector<16xf32> to vector<16xf32>
      %swap3A_487 = vector.shape_cast %mul3A_483 : vector<16xf32> to vector<16xf32>
      tpu.vector_store %arg4[%swap3A_484], %swap3A_487 {strides = array<i32>} : memref<224xf32, #tpu.memory_space<vmem>>, vector<16xf32>,
      %get3A_488 = arith.constant 96 : index
      %get3A_489 = tpu.vector_load %arg4[%get3A_488] {strides = array<i32>} : memref<224xf32, #tpu.memory_space<vmem>>, vector<16xf32>,
      %get3A_490 = vector.shape_cast %get3A_489 : vector<16xf32> to vector<16xf32>
      %mul3A_491 = arith.mulf %get3A_490, %div3A_439 : vector<16xf32>
      %swap3A_492 = arith.constant 96 : index
      %swap3A_493 = tpu.vector_load %arg4[%swap3A_492] {strides = array<i32>} : memref<224xf32, #tpu.memory_space<vmem>>, vector<16xf32>,
      %swap3A_494 = vector.shape_cast %swap3A_493 : vector<16xf32> to vector<16xf32>
      %swap3A_495 = vector.shape_cast %mul3A_491 : vector<16xf32> to vector<16xf32>
      tpu.vector_store %arg4[%swap3A_492], %swap3A_495 {strides = array<i32>} : memref<224xf32, #tpu.memory_space<vmem>>, vector<16xf32>,
      %get3A_496 = arith.constant 112 : index
      %get3A_497 = tpu.vector_load %arg4[%get3A_496] {strides = array<i32>} : memref<224xf32, #tpu.memory_space<vmem>>, vector<16xf32>,
      %get3A_498 = vector.shape_cast %get3A_497 : vector<16xf32> to vector<16xf32>
      %mul3A_499 = arith.mulf %get3A_498, %div3A_439 : vector<16xf32>
      %swap3A_500 = arith.constant 112 : index
      %swap3A_501 = tpu.vector_load %arg4[%swap3A_500] {strides = array<i32>} : memref<224xf32, #tpu.memory_space<vmem>>, vector<16xf32>,
      %swap3A_502 = vector.shape_cast %swap3A_501 : vector<16xf32> to vector<16xf32>
      %swap3A_503 = vector.shape_cast %mul3A_499 : vector<16xf32> to vector<16xf32>
      tpu.vector_store %arg4[%swap3A_500], %swap3A_503 {strides = array<i32>} : memref<224xf32, #tpu.memory_space<vmem>>, vector<16xf32>,
      %get3A_504 = arith.constant 128 : index
      %get3A_505 = tpu.vector_load %arg4[%get3A_504] {strides = array<i32>} : memref<224xf32, #tpu.memory_space<vmem>>, vector<16xf32>,
      %get3A_506 = vector.shape_cast %get3A_505 : vector<16xf32> to vector<16xf32>
      %mul3A_507 = arith.mulf %get3A_506, %div3A_439 : vector<16xf32>
      %swap3A_508 = arith.constant 128 : index
      %swap3A_509 = tpu.vector_load %arg4[%swap3A_508] {strides = array<i32>} : memref<224xf32, #tpu.memory_space<vmem>>, vector<16xf32>,
      %swap3A_510 = vector.shape_cast %swap3A_509 : vector<16xf32> to vector<16xf32>
      %swap3A_511 = vector.shape_cast %mul3A_507 : vector<16xf32> to vector<16xf32>
      tpu.vector_store %arg4[%swap3A_508], %swap3A_511 {strides = array<i32>} : memref<224xf32, #tpu.memory_space<vmem>>, vector<16xf32>,
      %get3A_512 = arith.constant 144 : index
      %get3A_513 = tpu.vector_load %arg4[%get3A_512] {strides = array<i32>} : memref<224xf32, #tpu.memory_space<vmem>>, vector<16xf32>,
      %get3A_514 = vector.shape_cast %get3A_513 : vector<16xf32> to vector<16xf32>
      %mul3A_515 = arith.mulf %get3A_514, %div3A_439 : vector<16xf32>
      %swap3A_516 = arith.constant 144 : index
      %swap3A_517 = tpu.vector_load %arg4[%swap3A_516] {strides = array<i32>} : memref<224xf32, #tpu.memory_space<vmem>>, vector<16xf32>,
      %swap3A_518 = vector.shape_cast %swap3A_517 : vector<16xf32> to vector<16xf32>
      %swap3A_519 = vector.shape_cast %mul3A_515 : vector<16xf32> to vector<16xf32>
      tpu.vector_store %arg4[%swap3A_516], %swap3A_519 {strides = array<i32>} : memref<224xf32, #tpu.memory_space<vmem>>, vector<16xf32>,
      %get3A_520 = arith.constant 160 : index
      %get3A_521 = tpu.vector_load %arg4[%get3A_520] {strides = array<i32>} : memref<224xf32, #tpu.memory_space<vmem>>, vector<16xf32>,
      %get3A_522 = vector.shape_cast %get3A_521 : vector<16xf32> to vector<16xf32>
      %mul3A_523 = arith.mulf %get3A_522, %div3A_439 : vector<16xf32>
      %swap3A_524 = arith.constant 160 : index
      %swap3A_525 = tpu.vector_load %arg4[%swap3A_524] {strides = array<i32>} : memref<224xf32, #tpu.memory_space<vmem>>, vector<16xf32>,
      %swap3A_526 = vector.shape_cast %swap3A_525 : vector<16xf32> to vector<16xf32>
      %swap3A_527 = vector.shape_cast %mul3A_523 : vector<16xf32> to vector<16xf32>
      tpu.vector_store %arg4[%swap3A_524], %swap3A_527 {strides = array<i32>} : memref<224xf32, #tpu.memory_space<vmem>>, vector<16xf32>,
      %get3A_528 = arith.constant 176 : index
      %get3A_529 = tpu.vector_load %arg4[%get3A_528] {strides = array<i32>} : memref<224xf32, #tpu.memory_space<vmem>>, vector<16xf32>,
      %get3A_530 = vector.shape_cast %get3A_529 : vector<16xf32> to vector<16xf32>
      %mul3A_531 = arith.mulf %get3A_530, %div3A_439 : vector<16xf32>
      %swap3A_532 = arith.constant 176 : index
      %swap3A_533 = tpu.vector_load %arg4[%swap3A_532] {strides = array<i32>} : memref<224xf32, #tpu.memory_space<vmem>>, vector<16xf32>,
      %swap3A_534 = vector.shape_cast %swap3A_533 : vector<16xf32> to vector<16xf32>
      %swap3A_535 = vector.shape_cast %mul3A_531 : vector<16xf32> to vector<16xf32>
      tpu.vector_store %arg4[%swap3A_532], %swap3A_535 {strides = array<i32>} : memref<224xf32, #tpu.memory_space<vmem>>, vector<16xf32>,
      %get3A_536 = arith.constant 192 : index
      %get3A_537 = tpu.vector_load %arg4[%get3A_536] {strides = array<i32>} : memref<224xf32, #tpu.memory_space<vmem>>, vector<16xf32>,
      %get3A_538 = vector.shape_cast %get3A_537 : vector<16xf32> to vector<16xf32>
      %mul3A_539 = arith.mulf %get3A_538, %div3A_439 : vector<16xf32>
      %swap3A_540 = arith.constant 192 : index
      %swap3A_541 = tpu.vector_load %arg4[%swap3A_540] {strides = array<i32>} : memref<224xf32, #tpu.memory_space<vmem>>, vector<16xf32>,
      %swap3A_542 = vector.shape_cast %swap3A_541 : vector<16xf32> to vector<16xf32>
      %swap3A_543 = vector.shape_cast %mul3A_539 : vector<16xf32> to vector<16xf32>
      tpu.vector_store %arg4[%swap3A_540], %swap3A_543 {strides = array<i32>} : memref<224xf32, #tpu.memory_space<vmem>>, vector<16xf32>,
      "tpu.region"() ({
        %run_scoped3A = tpu.sem_alloc : memref<!tpu.dma_semaphore, #tpu.memory_space<semaphore_mem>>
        %dma_start3A = arith.constant 0 : i32
        %dma_start3A_544 = tpu.memref_slice %arg4[%dma_start3A] : memref<224xf32, #tpu.memory_space<vmem>> -> memref<200xf32, #tpu.memory_space<vmem>>
        %dma_start3A_545 = arith.constant 0 : i32
        %dma_start3A_546 = tpu.memref_slice %arg4[%dma_start3A_545] : memref<224xf32, #tpu.memory_space<vmem>> -> memref<200xf32, #tpu.memory_space<vmem>>
        tpu.enqueue_dma source(%dma_start3A_546 : memref<200xf32, #tpu.memory_space<vmem>>) target(%arg3 : memref<200xf32, #tpu.memory_space<hbm>>) target_semaphore(%run_scoped3A : memref<!tpu.dma_semaphore, #tpu.memory_space<semaphore_mem>>)
        %dma_wait3A = arith.constant 0 : i32
        %dma_wait3A_547 = tpu.memref_slice %arg4[%dma_wait3A] : memref<224xf32, #tpu.memory_space<vmem>> -> memref<200xf32, #tpu.memory_space<vmem>>
        %dma_wait3A_548 = arith.constant 0 : i32
        %dma_wait3A_549 = tpu.memref_slice %arg4[%dma_wait3A_548] : memref<224xf32, #tpu.memory_space<vmem>> -> memref<200xf32, #tpu.memory_space<vmem>>
        tpu.wait_dma2 semaphore(%run_scoped3A : memref<!tpu.dma_semaphore, #tpu.memory_space<semaphore_mem>>) src(%dma_wait3A_549 : memref<200xf32, #tpu.memory_space<vmem>>) dst(%arg3 : memref<200xf32, #tpu.memory_space<hbm>>)
        tpu.yield
      }) : () -> ()
    } else {
    }
    return
  }
}

module attributes {stable_mosaic.version = 14 : i64} {
  func.func @_score_body(%arg0: memref<16xi32, #tpu.memory_space<smem>>, %arg1: memref<208xi32, #tpu.memory_space<smem>>, %arg2: memref<208x1xi32, #tpu.memory_space<vmem>>, %arg3: memref<64x1000000xf32, #tpu.memory_space<any>>, %arg4: memref<64x1000000xf32, #tpu.memory_space<any>>, %arg5: memref<128x64xf32, #tpu.memory_space<vmem>>, %arg6: memref<64x1xf32, #tpu.memory_space<vmem>>, %arg7: memref<64xf32, #tpu.memory_space<vmem>>, %arg8: memref<1xf32, #tpu.memory_space<smem>>, %arg9: memref<64x128xf32, #tpu.memory_space<vmem>>, %arg10: memref<64x128xf32, #tpu.memory_space<vmem>>, %arg11: memref<224xf32, #tpu.memory_space<vmem>>, %arg12: memref<64x208x128xf32, #tpu.memory_space<vmem>>, %arg13: memref<64x128xf32, #tpu.memory_space<vmem>>, %arg14: memref<!tpu.dma_semaphore, #tpu.memory_space<semaphore_mem>>, %arg15: memref<!tpu.dma_semaphore, #tpu.memory_space<semaphore_mem>>) attributes {dimension_semantics = [], scalar_prefetch = 0 : i64, scratch_operands = 4 : i64, tpu.core_type = #tpu.core_type<tc>} {
    %scan3A = arith.constant 0 : i32
    %scan3A_0 = arith.constant 208 : i32
    %scan3A_1 = arith.addi %scan3A, %scan3A_0 : i32
    %scan3A_2 = arith.constant 1 : i32
    scf.for %scan3A_2417 = %scan3A to %scan3A_1 step %scan3A_2  : i32 {
      %get3A_2418 = arith.index_cast %scan3A_2417 : i32 to index
      %get3A_2419 = memref.load %arg1[%get3A_2418] : memref<208xi32, #tpu.memory_space<smem>>
      %ge3A_2420 = arith.constant 999936 : i32
      %ge3A_2421 = arith.cmpi sge, %get3A_2419, %ge3A_2420 : i32
      %jit3A_2422 = arith.constant 128 : i32
      %div3A_2423 = arith.divsi %get3A_2419, %jit3A_2422 : i32
      %sign3A_2424 = arith.constant 0 : i32
      %sign3A_2425 = arith.cmpi sgt, %get3A_2419, %sign3A_2424 : i32
      %sign3A_2426 = arith.extui %sign3A_2425 : i1 to i32
      %sign3A_2427 = arith.constant 0 : i32
      %sign3A_2428 = arith.cmpi slt, %get3A_2419, %sign3A_2427 : i32
      %sign3A_2429 = arith.extui %sign3A_2428 : i1 to i32
      %sign3A_2430 = arith.subi %sign3A_2426, %sign3A_2429 : i32
      %sign3A_2431 = arith.constant 0 : i32
      %sign3A_2432 = arith.cmpi sgt, %jit3A_2422, %sign3A_2431 : i32
      %sign3A_2433 = arith.extui %sign3A_2432 : i1 to i32
      %sign3A_2434 = arith.constant 0 : i32
      %sign3A_2435 = arith.cmpi slt, %jit3A_2422, %sign3A_2434 : i32
      %sign3A_2436 = arith.extui %sign3A_2435 : i1 to i32
      %sign3A_2437 = arith.subi %sign3A_2433, %sign3A_2436 : i32
      %ne3A_2438 = arith.cmpi ne, %sign3A_2430, %sign3A_2437 : i32
      %rem3A_2439 = arith.remsi %get3A_2419, %jit3A_2422 : i32
      %ne3A_2440 = arith.constant 0 : i32
      %ne3A_2441 = arith.cmpi ne, %rem3A_2439, %ne3A_2440 : i32
      %and3A_2442 = arith.andi %ne3A_2438, %ne3A_2441 : i1
      %sub3A_2443 = arith.constant 1 : i32
      %sub3A_2444 = arith.subi %div3A_2423, %sub3A_2443 : i32
      %select_n3A_2445 = arith.select %and3A_2442, %sub3A_2444, %div3A_2423 : i32
      %mul3A_2446 = arith.constant 128 : i32
      %mul3A_2447 = arith.muli %select_n3A_2445, %mul3A_2446 : i32
      %jit3A_2448 = arith.constant 0 : i32
      %select_n3A_2449 = arith.select %ge3A_2421, %jit3A_2448, %mul3A_2447 : i32
      %multiple_of3A_2450 = tpu.assume_multiple %select_n3A_2449, 128 : i32
      %dma_start3A_2451 = arith.constant 0 : i32
      %dma_start3A_2452 = arith.constant 0 : i32
      %dma_start3A_2453 = tpu.memref_slice %arg12[%dma_start3A_2451, %scan3A_2417, %dma_start3A_2452] : memref<64x208x128xf32, #tpu.memory_space<vmem>> -> memref<64x1x128xf32, #tpu.memory_space<vmem>>
      %dma_start3A_2454 = tpu.memref_squeeze %dma_start3A_2453 : memref<64x1x128xf32, #tpu.memory_space<vmem>> -> memref<64x128xf32, #tpu.memory_space<vmem>>
      %dma_start3A_2455 = arith.constant 0 : i32
      %dma_start3A_2456 = tpu.memref_slice %arg4[%dma_start3A_2455, %multiple_of3A_2450] : memref<64x1000000xf32, #tpu.memory_space<any>> -> memref<64x128xf32, #tpu.memory_space<any>>
      tpu.enqueue_dma source(%dma_start3A_2456 : memref<64x128xf32, #tpu.memory_space<any>>) target(%dma_start3A_2454 : memref<64x128xf32, #tpu.memory_space<vmem>>) target_semaphore(%arg14 : memref<!tpu.dma_semaphore, #tpu.memory_space<semaphore_mem>>)
    }
    %scan3A_3 = arith.constant 208 : i32
    %get3A = arith.constant 0 : index
    %get3A_4 = memref.load %arg0[%get3A] : memref<16xi32, #tpu.memory_space<smem>>
    %ge3A = arith.constant 999936 : i32
    %ge3A_5 = arith.cmpi sge, %get3A_4, %ge3A : i32
    %jit3A = arith.constant 128 : i32
    %div3A = arith.divsi %get3A_4, %jit3A : i32
    %sign3A = arith.constant 0 : i32
    %sign3A_6 = arith.cmpi sgt, %get3A_4, %sign3A : i32
    %sign3A_7 = arith.extui %sign3A_6 : i1 to i32
    %sign3A_8 = arith.constant 0 : i32
    %sign3A_9 = arith.cmpi slt, %get3A_4, %sign3A_8 : i32
    %sign3A_10 = arith.extui %sign3A_9 : i1 to i32
    %sign3A_11 = arith.subi %sign3A_7, %sign3A_10 : i32
    %sign3A_12 = arith.constant 0 : i32
    %sign3A_13 = arith.cmpi sgt, %jit3A, %sign3A_12 : i32
    %sign3A_14 = arith.extui %sign3A_13 : i1 to i32
    %sign3A_15 = arith.constant 0 : i32
    %sign3A_16 = arith.cmpi slt, %jit3A, %sign3A_15 : i32
    %sign3A_17 = arith.extui %sign3A_16 : i1 to i32
    %sign3A_18 = arith.subi %sign3A_14, %sign3A_17 : i32
    %ne3A = arith.cmpi ne, %sign3A_11, %sign3A_18 : i32
    %rem3A = arith.remsi %get3A_4, %jit3A : i32
    %ne3A_19 = arith.constant 0 : i32
    %ne3A_20 = arith.cmpi ne, %rem3A, %ne3A_19 : i32
    %and3A = arith.andi %ne3A, %ne3A_20 : i1
    %sub3A = arith.constant 1 : i32
    %sub3A_21 = arith.subi %div3A, %sub3A : i32
    %select_n3A = arith.select %and3A, %sub3A_21, %div3A : i32
    %mul3A = arith.constant 128 : i32
    %mul3A_22 = arith.muli %select_n3A, %mul3A : i32
    %jit3A_23 = arith.constant 0 : i32
    %select_n3A_24 = arith.select %ge3A_5, %jit3A_23, %mul3A_22 : i32
    %multiple_of3A = tpu.assume_multiple %select_n3A_24, 128 : i32
    %dma_start3A = arith.constant 0 : i32
    %dma_start3A_25 = tpu.memref_slice %arg3[%dma_start3A, %multiple_of3A] : memref<64x1000000xf32, #tpu.memory_space<any>> -> memref<64x128xf32, #tpu.memory_space<any>>
    tpu.enqueue_dma source(%dma_start3A_25 : memref<64x128xf32, #tpu.memory_space<any>>) target(%arg13 : memref<64x128xf32, #tpu.memory_space<vmem>>) target_semaphore(%arg15 : memref<!tpu.dma_semaphore, #tpu.memory_space<semaphore_mem>>)
    %get3A_26 = arith.constant 0 : index
    %get3A_27 = arith.constant 0 : index
    %get3A_28 = vector.load %arg5[%get3A_26, %get3A_27] : memref<128x64xf32, #tpu.memory_space<vmem>>, vector<128x64xf32>
    %get3A_29 = arith.constant 0 : index
    %get3A_30 = arith.constant 0 : index
    %get3A_31 = vector.load %arg6[%get3A_29, %get3A_30] : memref<64x1xf32, #tpu.memory_space<vmem>>, vector<64x1xf32>
    %squeeze3A = vector.shape_cast %get3A_31 : vector<64x1xf32> to vector<64xf32>
    %broadcast_in_dim3A = vector.shape_cast %squeeze3A : vector<64xf32> to vector<1x64xf32>
    %mul3A_32 = vector.broadcast %broadcast_in_dim3A : vector<1x64xf32> to vector<128x64xf32>
    %mul3A_33 = arith.mulf %get3A_28, %mul3A_32 : vector<128x64xf32>
    %reduce_sum3A = arith.constant dense<0.000000e+00> : vector<128xf32>
    %reduce_sum3A_34 = vector.multi_reduction <add>, %mul3A_33, %reduce_sum3A [1] : vector<128x64xf32> to vector<128xf32>
    %scan3A_35 = arith.constant 0 : i32
    %scan3A_36 = arith.constant 208 : i32
    %scan3A_37 = arith.addi %scan3A_35, %scan3A_36 : i32
    %scan3A_38 = arith.constant 1 : i32
    scf.for %scan3A_2417 = %scan3A_35 to %scan3A_37 step %scan3A_38  : i32 {
      %dma_wait3A_2418 = arith.constant 0 : i32
      %dma_wait3A_2419 = arith.constant 0 : i32
      %dma_wait3A_2420 = arith.constant 0 : i32
      %dma_wait3A_2421 = tpu.memref_slice %arg12[%dma_wait3A_2419, %dma_wait3A_2418, %dma_wait3A_2420] : memref<64x208x128xf32, #tpu.memory_space<vmem>> -> memref<64x1x128xf32, #tpu.memory_space<vmem>>
      %dma_wait3A_2422 = tpu.memref_squeeze %dma_wait3A_2421 : memref<64x1x128xf32, #tpu.memory_space<vmem>> -> memref<64x128xf32, #tpu.memory_space<vmem>>
      %dma_wait3A_2423 = arith.constant 0 : i32
      %dma_wait3A_2424 = arith.constant 0 : i32
      %dma_wait3A_2425 = tpu.memref_slice %arg4[%dma_wait3A_2423, %dma_wait3A_2424] : memref<64x1000000xf32, #tpu.memory_space<any>> -> memref<64x128xf32, #tpu.memory_space<any>>
      tpu.wait_dma2 semaphore(%arg14 : memref<!tpu.dma_semaphore, #tpu.memory_space<semaphore_mem>>) src(%dma_wait3A_2425 : memref<64x128xf32, #tpu.memory_space<any>>) dst(%dma_wait3A_2422 : memref<64x128xf32, #tpu.memory_space<vmem>>)
    }
    %dma_wait3A = arith.constant 0 : i32
    %dma_wait3A_39 = arith.constant 0 : i32
    %dma_wait3A_40 = tpu.memref_slice %arg3[%dma_wait3A, %dma_wait3A_39] : memref<64x1000000xf32, #tpu.memory_space<any>> -> memref<64x128xf32, #tpu.memory_space<any>>
    tpu.wait_dma2 semaphore(%arg15 : memref<!tpu.dma_semaphore, #tpu.memory_space<semaphore_mem>>) src(%dma_wait3A_40 : memref<64x128xf32, #tpu.memory_space<any>>) dst(%arg13 : memref<64x128xf32, #tpu.memory_space<vmem>>)
    %broadcast_in_dim3A_41 = arith.constant 0.000000e+00 : f32
    %broadcast_in_dim3A_42 = vector.broadcast %broadcast_in_dim3A_41 : f32 to vector<208x128xf32>
    %broadcast_in_dim3A_43 = arith.constant 0.000000e+00 : f32
    %broadcast_in_dim3A_44 = vector.broadcast %broadcast_in_dim3A_43 : f32 to vector<1x128xf32>
    %broadcast_in_dim3A_45 = arith.constant 0.000000e+00 : f32
    %broadcast_in_dim3A_46 = vector.broadcast %broadcast_in_dim3A_45 : f32 to vector<1x128xf32>
    %broadcast_in_dim3A_47 = arith.constant 0.000000e+00 : f32
    %broadcast_in_dim3A_48 = vector.broadcast %broadcast_in_dim3A_47 : f32 to vector<1x128xf32>
    %slice3A = vector.extract_strided_slice %reduce_sum3A_34 {offsets = [64], sizes = [1], strides = [1]} : vector<128xf32> to vector<1xf32>
    %squeeze3A_49 = vector.extract %slice3A[0] : f32 from vector<1xf32>
    %slice3A_50 = vector.extract_strided_slice %reduce_sum3A_34 {offsets = [0], sizes = [1], strides = [1]} : vector<128xf32> to vector<1xf32>
    %squeeze3A_51 = vector.extract %slice3A_50[0] : f32 from vector<1xf32>
    %get3A_52 = arith.constant 0 : index
    %get3A_53 = arith.constant 0 : index
    %get3A_54 = arith.constant 0 : index
    %get3A_55 = vector.load %arg12[%get3A_52, %get3A_53, %get3A_54] : memref<64x208x128xf32, #tpu.memory_space<vmem>>, vector<1x208x128xf32>
    %get3A_56 = vector.shape_cast %get3A_55 : vector<1x208x128xf32> to vector<208x128xf32>
    %mul3A_57 = vector.broadcast %squeeze3A_49 : f32 to vector<208x128xf32>
    %mul3A_58 = arith.mulf %get3A_56, %mul3A_57 : vector<208x128xf32>
    %add3A = arith.addf %broadcast_in_dim3A_42, %mul3A_58 : vector<208x128xf32>
    %get3A_59 = arith.constant 0 : index
    %get3A_60 = arith.constant 0 : index
    %get3A_61 = vector.load %arg10[%get3A_59, %get3A_60] : memref<64x128xf32, #tpu.memory_space<vmem>>, vector<1x128xf32>
    %get3A_62 = vector.shape_cast %get3A_61 : vector<1x128xf32> to vector<128xf32>
    %broadcast_in_dim3A_63 = vector.shape_cast %get3A_62 : vector<128xf32> to vector<1x128xf32>
    %mul3A_64 = vector.broadcast %squeeze3A_49 : f32 to vector<1x128xf32>
    %mul3A_65 = arith.mulf %broadcast_in_dim3A_63, %mul3A_64 : vector<1x128xf32>
    %add3A_66 = arith.addf %broadcast_in_dim3A_44, %mul3A_65 : vector<1x128xf32>
    %get3A_67 = arith.constant 0 : index
    %get3A_68 = arith.constant 0 : index
    %get3A_69 = vector.load %arg13[%get3A_67, %get3A_68] : memref<64x128xf32, #tpu.memory_space<vmem>>, vector<1x128xf32>
    %get3A_70 = vector.shape_cast %get3A_69 : vector<1x128xf32> to vector<128xf32>
    %broadcast_in_dim3A_71 = vector.shape_cast %get3A_70 : vector<128xf32> to vector<1x128xf32>
    %mul3A_72 = vector.broadcast %squeeze3A_51 : f32 to vector<1x128xf32>
    %mul3A_73 = arith.mulf %broadcast_in_dim3A_71, %mul3A_72 : vector<1x128xf32>
    %add3A_74 = arith.addf %broadcast_in_dim3A_46, %mul3A_73 : vector<1x128xf32>
    %get3A_75 = arith.constant 0 : index
    %get3A_76 = arith.constant 0 : index
    %get3A_77 = vector.load %arg9[%get3A_75, %get3A_76] : memref<64x128xf32, #tpu.memory_space<vmem>>, vector<1x128xf32>
    %get3A_78 = vector.shape_cast %get3A_77 : vector<1x128xf32> to vector<128xf32>
    %broadcast_in_dim3A_79 = vector.shape_cast %get3A_78 : vector<128xf32> to vector<1x128xf32>
    %mul3A_80 = vector.broadcast %squeeze3A_51 : f32 to vector<1x128xf32>
    %mul3A_81 = arith.mulf %broadcast_in_dim3A_79, %mul3A_80 : vector<1x128xf32>
    %add3A_82 = arith.addf %broadcast_in_dim3A_48, %mul3A_81 : vector<1x128xf32>
    %slice3A_83 = vector.extract_strided_slice %reduce_sum3A_34 {offsets = [65], sizes = [1], strides = [1]} : vector<128xf32> to vector<1xf32>
    %squeeze3A_84 = vector.extract %slice3A_83[0] : f32 from vector<1xf32>
    %slice3A_85 = vector.extract_strided_slice %reduce_sum3A_34 {offsets = [1], sizes = [1], strides = [1]} : vector<128xf32> to vector<1xf32>
    %squeeze3A_86 = vector.extract %slice3A_85[0] : f32 from vector<1xf32>
    %get3A_87 = arith.constant 1 : index
    %get3A_88 = arith.constant 0 : index
    %get3A_89 = arith.constant 0 : index
    %get3A_90 = vector.load %arg12[%get3A_87, %get3A_88, %get3A_89] : memref<64x208x128xf32, #tpu.memory_space<vmem>>, vector<1x208x128xf32>
    %get3A_91 = vector.shape_cast %get3A_90 : vector<1x208x128xf32> to vector<208x128xf32>
    %mul3A_92 = vector.broadcast %squeeze3A_84 : f32 to vector<208x128xf32>
    %mul3A_93 = arith.mulf %get3A_91, %mul3A_92 : vector<208x128xf32>
    %add3A_94 = arith.addf %add3A, %mul3A_93 : vector<208x128xf32>
    %get3A_95 = arith.constant 1 : index
    %get3A_96 = arith.constant 0 : index
    %get3A_97 = vector.load %arg10[%get3A_95, %get3A_96] : memref<64x128xf32, #tpu.memory_space<vmem>>, vector<1x128xf32>
    %get3A_98 = vector.shape_cast %get3A_97 : vector<1x128xf32> to vector<128xf32>
    %broadcast_in_dim3A_99 = vector.shape_cast %get3A_98 : vector<128xf32> to vector<1x128xf32>
    %mul3A_100 = vector.broadcast %squeeze3A_84 : f32 to vector<1x128xf32>
    %mul3A_101 = arith.mulf %broadcast_in_dim3A_99, %mul3A_100 : vector<1x128xf32>
    %add3A_102 = arith.addf %add3A_66, %mul3A_101 : vector<1x128xf32>
    %get3A_103 = arith.constant 1 : index
    %get3A_104 = arith.constant 0 : index
    %get3A_105 = vector.load %arg13[%get3A_103, %get3A_104] : memref<64x128xf32, #tpu.memory_space<vmem>>, vector<1x128xf32>
    %get3A_106 = vector.shape_cast %get3A_105 : vector<1x128xf32> to vector<128xf32>
    %broadcast_in_dim3A_107 = vector.shape_cast %get3A_106 : vector<128xf32> to vector<1x128xf32>
    %mul3A_108 = vector.broadcast %squeeze3A_86 : f32 to vector<1x128xf32>
    %mul3A_109 = arith.mulf %broadcast_in_dim3A_107, %mul3A_108 : vector<1x128xf32>
    %add3A_110 = arith.addf %add3A_74, %mul3A_109 : vector<1x128xf32>
    %get3A_111 = arith.constant 1 : index
    %get3A_112 = arith.constant 0 : index
    %get3A_113 = vector.load %arg9[%get3A_111, %get3A_112] : memref<64x128xf32, #tpu.memory_space<vmem>>, vector<1x128xf32>
    %get3A_114 = vector.shape_cast %get3A_113 : vector<1x128xf32> to vector<128xf32>
    %broadcast_in_dim3A_115 = vector.shape_cast %get3A_114 : vector<128xf32> to vector<1x128xf32>
    %mul3A_116 = vector.broadcast %squeeze3A_86 : f32 to vector<1x128xf32>
    %mul3A_117 = arith.mulf %broadcast_in_dim3A_115, %mul3A_116 : vector<1x128xf32>
    %add3A_118 = arith.addf %add3A_82, %mul3A_117 : vector<1x128xf32>
    %slice3A_119 = vector.extract_strided_slice %reduce_sum3A_34 {offsets = [66], sizes = [1], strides = [1]} : vector<128xf32> to vector<1xf32>
    %squeeze3A_120 = vector.extract %slice3A_119[0] : f32 from vector<1xf32>
    %slice3A_121 = vector.extract_strided_slice %reduce_sum3A_34 {offsets = [2], sizes = [1], strides = [1]} : vector<128xf32> to vector<1xf32>
    %squeeze3A_122 = vector.extract %slice3A_121[0] : f32 from vector<1xf32>
    %get3A_123 = arith.constant 2 : index
    %get3A_124 = arith.constant 0 : index
    %get3A_125 = arith.constant 0 : index
    %get3A_126 = vector.load %arg12[%get3A_123, %get3A_124, %get3A_125] : memref<64x208x128xf32, #tpu.memory_space<vmem>>, vector<1x208x128xf32>
    %get3A_127 = vector.shape_cast %get3A_126 : vector<1x208x128xf32> to vector<208x128xf32>
    %mul3A_128 = vector.broadcast %squeeze3A_120 : f32 to vector<208x128xf32>
    %mul3A_129 = arith.mulf %get3A_127, %mul3A_128 : vector<208x128xf32>
    %add3A_130 = arith.addf %add3A_94, %mul3A_129 : vector<208x128xf32>
    %get3A_131 = arith.constant 2 : index
    %get3A_132 = arith.constant 0 : index
    %get3A_133 = vector.load %arg10[%get3A_131, %get3A_132] : memref<64x128xf32, #tpu.memory_space<vmem>>, vector<1x128xf32>
    %get3A_134 = vector.shape_cast %get3A_133 : vector<1x128xf32> to vector<128xf32>
    %broadcast_in_dim3A_135 = vector.shape_cast %get3A_134 : vector<128xf32> to vector<1x128xf32>
    %mul3A_136 = vector.broadcast %squeeze3A_120 : f32 to vector<1x128xf32>
    %mul3A_137 = arith.mulf %broadcast_in_dim3A_135, %mul3A_136 : vector<1x128xf32>
    %add3A_138 = arith.addf %add3A_102, %mul3A_137 : vector<1x128xf32>
    %get3A_139 = arith.constant 2 : index
    %get3A_140 = arith.constant 0 : index
    %get3A_141 = vector.load %arg13[%get3A_139, %get3A_140] : memref<64x128xf32, #tpu.memory_space<vmem>>, vector<1x128xf32>
    %get3A_142 = vector.shape_cast %get3A_141 : vector<1x128xf32> to vector<128xf32>
    %broadcast_in_dim3A_143 = vector.shape_cast %get3A_142 : vector<128xf32> to vector<1x128xf32>
    %mul3A_144 = vector.broadcast %squeeze3A_122 : f32 to vector<1x128xf32>
    %mul3A_145 = arith.mulf %broadcast_in_dim3A_143, %mul3A_144 : vector<1x128xf32>
    %add3A_146 = arith.addf %add3A_110, %mul3A_145 : vector<1x128xf32>
    %get3A_147 = arith.constant 2 : index
    %get3A_148 = arith.constant 0 : index
    %get3A_149 = vector.load %arg9[%get3A_147, %get3A_148] : memref<64x128xf32, #tpu.memory_space<vmem>>, vector<1x128xf32>
    %get3A_150 = vector.shape_cast %get3A_149 : vector<1x128xf32> to vector<128xf32>
    %broadcast_in_dim3A_151 = vector.shape_cast %get3A_150 : vector<128xf32> to vector<1x128xf32>
    %mul3A_152 = vector.broadcast %squeeze3A_122 : f32 to vector<1x128xf32>
    %mul3A_153 = arith.mulf %broadcast_in_dim3A_151, %mul3A_152 : vector<1x128xf32>
    %add3A_154 = arith.addf %add3A_118, %mul3A_153 : vector<1x128xf32>
    %slice3A_155 = vector.extract_strided_slice %reduce_sum3A_34 {offsets = [67], sizes = [1], strides = [1]} : vector<128xf32> to vector<1xf32>
    %squeeze3A_156 = vector.extract %slice3A_155[0] : f32 from vector<1xf32>
    %slice3A_157 = vector.extract_strided_slice %reduce_sum3A_34 {offsets = [3], sizes = [1], strides = [1]} : vector<128xf32> to vector<1xf32>
    %squeeze3A_158 = vector.extract %slice3A_157[0] : f32 from vector<1xf32>
    %get3A_159 = arith.constant 3 : index
    %get3A_160 = arith.constant 0 : index
    %get3A_161 = arith.constant 0 : index
    %get3A_162 = vector.load %arg12[%get3A_159, %get3A_160, %get3A_161] : memref<64x208x128xf32, #tpu.memory_space<vmem>>, vector<1x208x128xf32>
    %get3A_163 = vector.shape_cast %get3A_162 : vector<1x208x128xf32> to vector<208x128xf32>
    %mul3A_164 = vector.broadcast %squeeze3A_156 : f32 to vector<208x128xf32>
    %mul3A_165 = arith.mulf %get3A_163, %mul3A_164 : vector<208x128xf32>
    %add3A_166 = arith.addf %add3A_130, %mul3A_165 : vector<208x128xf32>
    %get3A_167 = arith.constant 3 : index
    %get3A_168 = arith.constant 0 : index
    %get3A_169 = vector.load %arg10[%get3A_167, %get3A_168] : memref<64x128xf32, #tpu.memory_space<vmem>>, vector<1x128xf32>
    %get3A_170 = vector.shape_cast %get3A_169 : vector<1x128xf32> to vector<128xf32>
    %broadcast_in_dim3A_171 = vector.shape_cast %get3A_170 : vector<128xf32> to vector<1x128xf32>
    %mul3A_172 = vector.broadcast %squeeze3A_156 : f32 to vector<1x128xf32>
    %mul3A_173 = arith.mulf %broadcast_in_dim3A_171, %mul3A_172 : vector<1x128xf32>
    %add3A_174 = arith.addf %add3A_138, %mul3A_173 : vector<1x128xf32>
    %get3A_175 = arith.constant 3 : index
    %get3A_176 = arith.constant 0 : index
    %get3A_177 = vector.load %arg13[%get3A_175, %get3A_176] : memref<64x128xf32, #tpu.memory_space<vmem>>, vector<1x128xf32>
    %get3A_178 = vector.shape_cast %get3A_177 : vector<1x128xf32> to vector<128xf32>
    %broadcast_in_dim3A_179 = vector.shape_cast %get3A_178 : vector<128xf32> to vector<1x128xf32>
    %mul3A_180 = vector.broadcast %squeeze3A_158 : f32 to vector<1x128xf32>
    %mul3A_181 = arith.mulf %broadcast_in_dim3A_179, %mul3A_180 : vector<1x128xf32>
    %add3A_182 = arith.addf %add3A_146, %mul3A_181 : vector<1x128xf32>
    %get3A_183 = arith.constant 3 : index
    %get3A_184 = arith.constant 0 : index
    %get3A_185 = vector.load %arg9[%get3A_183, %get3A_184] : memref<64x128xf32, #tpu.memory_space<vmem>>, vector<1x128xf32>
    %get3A_186 = vector.shape_cast %get3A_185 : vector<1x128xf32> to vector<128xf32>
    %broadcast_in_dim3A_187 = vector.shape_cast %get3A_186 : vector<128xf32> to vector<1x128xf32>
    %mul3A_188 = vector.broadcast %squeeze3A_158 : f32 to vector<1x128xf32>
    %mul3A_189 = arith.mulf %broadcast_in_dim3A_187, %mul3A_188 : vector<1x128xf32>
    %add3A_190 = arith.addf %add3A_154, %mul3A_189 : vector<1x128xf32>
    %slice3A_191 = vector.extract_strided_slice %reduce_sum3A_34 {offsets = [68], sizes = [1], strides = [1]} : vector<128xf32> to vector<1xf32>
    %squeeze3A_192 = vector.extract %slice3A_191[0] : f32 from vector<1xf32>
    %slice3A_193 = vector.extract_strided_slice %reduce_sum3A_34 {offsets = [4], sizes = [1], strides = [1]} : vector<128xf32> to vector<1xf32>
    %squeeze3A_194 = vector.extract %slice3A_193[0] : f32 from vector<1xf32>
    %get3A_195 = arith.constant 4 : index
    %get3A_196 = arith.constant 0 : index
    %get3A_197 = arith.constant 0 : index
    %get3A_198 = vector.load %arg12[%get3A_195, %get3A_196, %get3A_197] : memref<64x208x128xf32, #tpu.memory_space<vmem>>, vector<1x208x128xf32>
    %get3A_199 = vector.shape_cast %get3A_198 : vector<1x208x128xf32> to vector<208x128xf32>
    %mul3A_200 = vector.broadcast %squeeze3A_192 : f32 to vector<208x128xf32>
    %mul3A_201 = arith.mulf %get3A_199, %mul3A_200 : vector<208x128xf32>
    %add3A_202 = arith.addf %add3A_166, %mul3A_201 : vector<208x128xf32>
    %get3A_203 = arith.constant 4 : index
    %get3A_204 = arith.constant 0 : index
    %get3A_205 = vector.load %arg10[%get3A_203, %get3A_204] : memref<64x128xf32, #tpu.memory_space<vmem>>, vector<1x128xf32>
    %get3A_206 = vector.shape_cast %get3A_205 : vector<1x128xf32> to vector<128xf32>
    %broadcast_in_dim3A_207 = vector.shape_cast %get3A_206 : vector<128xf32> to vector<1x128xf32>
    %mul3A_208 = vector.broadcast %squeeze3A_192 : f32 to vector<1x128xf32>
    %mul3A_209 = arith.mulf %broadcast_in_dim3A_207, %mul3A_208 : vector<1x128xf32>
    %add3A_210 = arith.addf %add3A_174, %mul3A_209 : vector<1x128xf32>
    %get3A_211 = arith.constant 4 : index
    %get3A_212 = arith.constant 0 : index
    %get3A_213 = vector.load %arg13[%get3A_211, %get3A_212] : memref<64x128xf32, #tpu.memory_space<vmem>>, vector<1x128xf32>
    %get3A_214 = vector.shape_cast %get3A_213 : vector<1x128xf32> to vector<128xf32>
    %broadcast_in_dim3A_215 = vector.shape_cast %get3A_214 : vector<128xf32> to vector<1x128xf32>
    %mul3A_216 = vector.broadcast %squeeze3A_194 : f32 to vector<1x128xf32>
    %mul3A_217 = arith.mulf %broadcast_in_dim3A_215, %mul3A_216 : vector<1x128xf32>
    %add3A_218 = arith.addf %add3A_182, %mul3A_217 : vector<1x128xf32>
    %get3A_219 = arith.constant 4 : index
    %get3A_220 = arith.constant 0 : index
    %get3A_221 = vector.load %arg9[%get3A_219, %get3A_220] : memref<64x128xf32, #tpu.memory_space<vmem>>, vector<1x128xf32>
    %get3A_222 = vector.shape_cast %get3A_221 : vector<1x128xf32> to vector<128xf32>
    %broadcast_in_dim3A_223 = vector.shape_cast %get3A_222 : vector<128xf32> to vector<1x128xf32>
    %mul3A_224 = vector.broadcast %squeeze3A_194 : f32 to vector<1x128xf32>
    %mul3A_225 = arith.mulf %broadcast_in_dim3A_223, %mul3A_224 : vector<1x128xf32>
    %add3A_226 = arith.addf %add3A_190, %mul3A_225 : vector<1x128xf32>
    %slice3A_227 = vector.extract_strided_slice %reduce_sum3A_34 {offsets = [69], sizes = [1], strides = [1]} : vector<128xf32> to vector<1xf32>
    %squeeze3A_228 = vector.extract %slice3A_227[0] : f32 from vector<1xf32>
    %slice3A_229 = vector.extract_strided_slice %reduce_sum3A_34 {offsets = [5], sizes = [1], strides = [1]} : vector<128xf32> to vector<1xf32>
    %squeeze3A_230 = vector.extract %slice3A_229[0] : f32 from vector<1xf32>
    %get3A_231 = arith.constant 5 : index
    %get3A_232 = arith.constant 0 : index
    %get3A_233 = arith.constant 0 : index
    %get3A_234 = vector.load %arg12[%get3A_231, %get3A_232, %get3A_233] : memref<64x208x128xf32, #tpu.memory_space<vmem>>, vector<1x208x128xf32>
    %get3A_235 = vector.shape_cast %get3A_234 : vector<1x208x128xf32> to vector<208x128xf32>
    %mul3A_236 = vector.broadcast %squeeze3A_228 : f32 to vector<208x128xf32>
    %mul3A_237 = arith.mulf %get3A_235, %mul3A_236 : vector<208x128xf32>
    %add3A_238 = arith.addf %add3A_202, %mul3A_237 : vector<208x128xf32>
    %get3A_239 = arith.constant 5 : index
    %get3A_240 = arith.constant 0 : index
    %get3A_241 = vector.load %arg10[%get3A_239, %get3A_240] : memref<64x128xf32, #tpu.memory_space<vmem>>, vector<1x128xf32>
    %get3A_242 = vector.shape_cast %get3A_241 : vector<1x128xf32> to vector<128xf32>
    %broadcast_in_dim3A_243 = vector.shape_cast %get3A_242 : vector<128xf32> to vector<1x128xf32>
    %mul3A_244 = vector.broadcast %squeeze3A_228 : f32 to vector<1x128xf32>
    %mul3A_245 = arith.mulf %broadcast_in_dim3A_243, %mul3A_244 : vector<1x128xf32>
    %add3A_246 = arith.addf %add3A_210, %mul3A_245 : vector<1x128xf32>
    %get3A_247 = arith.constant 5 : index
    %get3A_248 = arith.constant 0 : index
    %get3A_249 = vector.load %arg13[%get3A_247, %get3A_248] : memref<64x128xf32, #tpu.memory_space<vmem>>, vector<1x128xf32>
    %get3A_250 = vector.shape_cast %get3A_249 : vector<1x128xf32> to vector<128xf32>
    %broadcast_in_dim3A_251 = vector.shape_cast %get3A_250 : vector<128xf32> to vector<1x128xf32>
    %mul3A_252 = vector.broadcast %squeeze3A_230 : f32 to vector<1x128xf32>
    %mul3A_253 = arith.mulf %broadcast_in_dim3A_251, %mul3A_252 : vector<1x128xf32>
    %add3A_254 = arith.addf %add3A_218, %mul3A_253 : vector<1x128xf32>
    %get3A_255 = arith.constant 5 : index
    %get3A_256 = arith.constant 0 : index
    %get3A_257 = vector.load %arg9[%get3A_255, %get3A_256] : memref<64x128xf32, #tpu.memory_space<vmem>>, vector<1x128xf32>
    %get3A_258 = vector.shape_cast %get3A_257 : vector<1x128xf32> to vector<128xf32>
    %broadcast_in_dim3A_259 = vector.shape_cast %get3A_258 : vector<128xf32> to vector<1x128xf32>
    %mul3A_260 = vector.broadcast %squeeze3A_230 : f32 to vector<1x128xf32>
    %mul3A_261 = arith.mulf %broadcast_in_dim3A_259, %mul3A_260 : vector<1x128xf32>
    %add3A_262 = arith.addf %add3A_226, %mul3A_261 : vector<1x128xf32>
    %slice3A_263 = vector.extract_strided_slice %reduce_sum3A_34 {offsets = [70], sizes = [1], strides = [1]} : vector<128xf32> to vector<1xf32>
    %squeeze3A_264 = vector.extract %slice3A_263[0] : f32 from vector<1xf32>
    %slice3A_265 = vector.extract_strided_slice %reduce_sum3A_34 {offsets = [6], sizes = [1], strides = [1]} : vector<128xf32> to vector<1xf32>
    %squeeze3A_266 = vector.extract %slice3A_265[0] : f32 from vector<1xf32>
    %get3A_267 = arith.constant 6 : index
    %get3A_268 = arith.constant 0 : index
    %get3A_269 = arith.constant 0 : index
    %get3A_270 = vector.load %arg12[%get3A_267, %get3A_268, %get3A_269] : memref<64x208x128xf32, #tpu.memory_space<vmem>>, vector<1x208x128xf32>
    %get3A_271 = vector.shape_cast %get3A_270 : vector<1x208x128xf32> to vector<208x128xf32>
    %mul3A_272 = vector.broadcast %squeeze3A_264 : f32 to vector<208x128xf32>
    %mul3A_273 = arith.mulf %get3A_271, %mul3A_272 : vector<208x128xf32>
    %add3A_274 = arith.addf %add3A_238, %mul3A_273 : vector<208x128xf32>
    %get3A_275 = arith.constant 6 : index
    %get3A_276 = arith.constant 0 : index
    %get3A_277 = vector.load %arg10[%get3A_275, %get3A_276] : memref<64x128xf32, #tpu.memory_space<vmem>>, vector<1x128xf32>
    %get3A_278 = vector.shape_cast %get3A_277 : vector<1x128xf32> to vector<128xf32>
    %broadcast_in_dim3A_279 = vector.shape_cast %get3A_278 : vector<128xf32> to vector<1x128xf32>
    %mul3A_280 = vector.broadcast %squeeze3A_264 : f32 to vector<1x128xf32>
    %mul3A_281 = arith.mulf %broadcast_in_dim3A_279, %mul3A_280 : vector<1x128xf32>
    %add3A_282 = arith.addf %add3A_246, %mul3A_281 : vector<1x128xf32>
    %get3A_283 = arith.constant 6 : index
    %get3A_284 = arith.constant 0 : index
    %get3A_285 = vector.load %arg13[%get3A_283, %get3A_284] : memref<64x128xf32, #tpu.memory_space<vmem>>, vector<1x128xf32>
    %get3A_286 = vector.shape_cast %get3A_285 : vector<1x128xf32> to vector<128xf32>
    %broadcast_in_dim3A_287 = vector.shape_cast %get3A_286 : vector<128xf32> to vector<1x128xf32>
    %mul3A_288 = vector.broadcast %squeeze3A_266 : f32 to vector<1x128xf32>
    %mul3A_289 = arith.mulf %broadcast_in_dim3A_287, %mul3A_288 : vector<1x128xf32>
    %add3A_290 = arith.addf %add3A_254, %mul3A_289 : vector<1x128xf32>
    %get3A_291 = arith.constant 6 : index
    %get3A_292 = arith.constant 0 : index
    %get3A_293 = vector.load %arg9[%get3A_291, %get3A_292] : memref<64x128xf32, #tpu.memory_space<vmem>>, vector<1x128xf32>
    %get3A_294 = vector.shape_cast %get3A_293 : vector<1x128xf32> to vector<128xf32>
    %broadcast_in_dim3A_295 = vector.shape_cast %get3A_294 : vector<128xf32> to vector<1x128xf32>
    %mul3A_296 = vector.broadcast %squeeze3A_266 : f32 to vector<1x128xf32>
    %mul3A_297 = arith.mulf %broadcast_in_dim3A_295, %mul3A_296 : vector<1x128xf32>
    %add3A_298 = arith.addf %add3A_262, %mul3A_297 : vector<1x128xf32>
    %slice3A_299 = vector.extract_strided_slice %reduce_sum3A_34 {offsets = [71], sizes = [1], strides = [1]} : vector<128xf32> to vector<1xf32>
    %squeeze3A_300 = vector.extract %slice3A_299[0] : f32 from vector<1xf32>
    %slice3A_301 = vector.extract_strided_slice %reduce_sum3A_34 {offsets = [7], sizes = [1], strides = [1]} : vector<128xf32> to vector<1xf32>
    %squeeze3A_302 = vector.extract %slice3A_301[0] : f32 from vector<1xf32>
    %get3A_303 = arith.constant 7 : index
    %get3A_304 = arith.constant 0 : index
    %get3A_305 = arith.constant 0 : index
    %get3A_306 = vector.load %arg12[%get3A_303, %get3A_304, %get3A_305] : memref<64x208x128xf32, #tpu.memory_space<vmem>>, vector<1x208x128xf32>
    %get3A_307 = vector.shape_cast %get3A_306 : vector<1x208x128xf32> to vector<208x128xf32>
    %mul3A_308 = vector.broadcast %squeeze3A_300 : f32 to vector<208x128xf32>
    %mul3A_309 = arith.mulf %get3A_307, %mul3A_308 : vector<208x128xf32>
    %add3A_310 = arith.addf %add3A_274, %mul3A_309 : vector<208x128xf32>
    %get3A_311 = arith.constant 7 : index
    %get3A_312 = arith.constant 0 : index
    %get3A_313 = vector.load %arg10[%get3A_311, %get3A_312] : memref<64x128xf32, #tpu.memory_space<vmem>>, vector<1x128xf32>
    %get3A_314 = vector.shape_cast %get3A_313 : vector<1x128xf32> to vector<128xf32>
    %broadcast_in_dim3A_315 = vector.shape_cast %get3A_314 : vector<128xf32> to vector<1x128xf32>
    %mul3A_316 = vector.broadcast %squeeze3A_300 : f32 to vector<1x128xf32>
    %mul3A_317 = arith.mulf %broadcast_in_dim3A_315, %mul3A_316 : vector<1x128xf32>
    %add3A_318 = arith.addf %add3A_282, %mul3A_317 : vector<1x128xf32>
    %get3A_319 = arith.constant 7 : index
    %get3A_320 = arith.constant 0 : index
    %get3A_321 = vector.load %arg13[%get3A_319, %get3A_320] : memref<64x128xf32, #tpu.memory_space<vmem>>, vector<1x128xf32>
    %get3A_322 = vector.shape_cast %get3A_321 : vector<1x128xf32> to vector<128xf32>
    %broadcast_in_dim3A_323 = vector.shape_cast %get3A_322 : vector<128xf32> to vector<1x128xf32>
    %mul3A_324 = vector.broadcast %squeeze3A_302 : f32 to vector<1x128xf32>
    %mul3A_325 = arith.mulf %broadcast_in_dim3A_323, %mul3A_324 : vector<1x128xf32>
    %add3A_326 = arith.addf %add3A_290, %mul3A_325 : vector<1x128xf32>
    %get3A_327 = arith.constant 7 : index
    %get3A_328 = arith.constant 0 : index
    %get3A_329 = vector.load %arg9[%get3A_327, %get3A_328] : memref<64x128xf32, #tpu.memory_space<vmem>>, vector<1x128xf32>
    %get3A_330 = vector.shape_cast %get3A_329 : vector<1x128xf32> to vector<128xf32>
    %broadcast_in_dim3A_331 = vector.shape_cast %get3A_330 : vector<128xf32> to vector<1x128xf32>
    %mul3A_332 = vector.broadcast %squeeze3A_302 : f32 to vector<1x128xf32>
    %mul3A_333 = arith.mulf %broadcast_in_dim3A_331, %mul3A_332 : vector<1x128xf32>
    %add3A_334 = arith.addf %add3A_298, %mul3A_333 : vector<1x128xf32>
    %slice3A_335 = vector.extract_strided_slice %reduce_sum3A_34 {offsets = [72], sizes = [1], strides = [1]} : vector<128xf32> to vector<1xf32>
    %squeeze3A_336 = vector.extract %slice3A_335[0] : f32 from vector<1xf32>
    %slice3A_337 = vector.extract_strided_slice %reduce_sum3A_34 {offsets = [8], sizes = [1], strides = [1]} : vector<128xf32> to vector<1xf32>
    %squeeze3A_338 = vector.extract %slice3A_337[0] : f32 from vector<1xf32>
    %get3A_339 = arith.constant 8 : index
    %get3A_340 = arith.constant 0 : index
    %get3A_341 = arith.constant 0 : index
    %get3A_342 = vector.load %arg12[%get3A_339, %get3A_340, %get3A_341] : memref<64x208x128xf32, #tpu.memory_space<vmem>>, vector<1x208x128xf32>
    %get3A_343 = vector.shape_cast %get3A_342 : vector<1x208x128xf32> to vector<208x128xf32>
    %mul3A_344 = vector.broadcast %squeeze3A_336 : f32 to vector<208x128xf32>
    %mul3A_345 = arith.mulf %get3A_343, %mul3A_344 : vector<208x128xf32>
    %add3A_346 = arith.addf %add3A_310, %mul3A_345 : vector<208x128xf32>
    %get3A_347 = arith.constant 8 : index
    %get3A_348 = arith.constant 0 : index
    %get3A_349 = vector.load %arg10[%get3A_347, %get3A_348] : memref<64x128xf32, #tpu.memory_space<vmem>>, vector<1x128xf32>
    %get3A_350 = vector.shape_cast %get3A_349 : vector<1x128xf32> to vector<128xf32>
    %broadcast_in_dim3A_351 = vector.shape_cast %get3A_350 : vector<128xf32> to vector<1x128xf32>
    %mul3A_352 = vector.broadcast %squeeze3A_336 : f32 to vector<1x128xf32>
    %mul3A_353 = arith.mulf %broadcast_in_dim3A_351, %mul3A_352 : vector<1x128xf32>
    %add3A_354 = arith.addf %add3A_318, %mul3A_353 : vector<1x128xf32>
    %get3A_355 = arith.constant 8 : index
    %get3A_356 = arith.constant 0 : index
    %get3A_357 = vector.load %arg13[%get3A_355, %get3A_356] : memref<64x128xf32, #tpu.memory_space<vmem>>, vector<1x128xf32>
    %get3A_358 = vector.shape_cast %get3A_357 : vector<1x128xf32> to vector<128xf32>
    %broadcast_in_dim3A_359 = vector.shape_cast %get3A_358 : vector<128xf32> to vector<1x128xf32>
    %mul3A_360 = vector.broadcast %squeeze3A_338 : f32 to vector<1x128xf32>
    %mul3A_361 = arith.mulf %broadcast_in_dim3A_359, %mul3A_360 : vector<1x128xf32>
    %add3A_362 = arith.addf %add3A_326, %mul3A_361 : vector<1x128xf32>
    %get3A_363 = arith.constant 8 : index
    %get3A_364 = arith.constant 0 : index
    %get3A_365 = vector.load %arg9[%get3A_363, %get3A_364] : memref<64x128xf32, #tpu.memory_space<vmem>>, vector<1x128xf32>
    %get3A_366 = vector.shape_cast %get3A_365 : vector<1x128xf32> to vector<128xf32>
    %broadcast_in_dim3A_367 = vector.shape_cast %get3A_366 : vector<128xf32> to vector<1x128xf32>
    %mul3A_368 = vector.broadcast %squeeze3A_338 : f32 to vector<1x128xf32>
    %mul3A_369 = arith.mulf %broadcast_in_dim3A_367, %mul3A_368 : vector<1x128xf32>
    %add3A_370 = arith.addf %add3A_334, %mul3A_369 : vector<1x128xf32>
    %slice3A_371 = vector.extract_strided_slice %reduce_sum3A_34 {offsets = [73], sizes = [1], strides = [1]} : vector<128xf32> to vector<1xf32>
    %squeeze3A_372 = vector.extract %slice3A_371[0] : f32 from vector<1xf32>
    %slice3A_373 = vector.extract_strided_slice %reduce_sum3A_34 {offsets = [9], sizes = [1], strides = [1]} : vector<128xf32> to vector<1xf32>
    %squeeze3A_374 = vector.extract %slice3A_373[0] : f32 from vector<1xf32>
    %get3A_375 = arith.constant 9 : index
    %get3A_376 = arith.constant 0 : index
    %get3A_377 = arith.constant 0 : index
    %get3A_378 = vector.load %arg12[%get3A_375, %get3A_376, %get3A_377] : memref<64x208x128xf32, #tpu.memory_space<vmem>>, vector<1x208x128xf32>
    %get3A_379 = vector.shape_cast %get3A_378 : vector<1x208x128xf32> to vector<208x128xf32>
    %mul3A_380 = vector.broadcast %squeeze3A_372 : f32 to vector<208x128xf32>
    %mul3A_381 = arith.mulf %get3A_379, %mul3A_380 : vector<208x128xf32>
    %add3A_382 = arith.addf %add3A_346, %mul3A_381 : vector<208x128xf32>
    %get3A_383 = arith.constant 9 : index
    %get3A_384 = arith.constant 0 : index
    %get3A_385 = vector.load %arg10[%get3A_383, %get3A_384] : memref<64x128xf32, #tpu.memory_space<vmem>>, vector<1x128xf32>
    %get3A_386 = vector.shape_cast %get3A_385 : vector<1x128xf32> to vector<128xf32>
    %broadcast_in_dim3A_387 = vector.shape_cast %get3A_386 : vector<128xf32> to vector<1x128xf32>
    %mul3A_388 = vector.broadcast %squeeze3A_372 : f32 to vector<1x128xf32>
    %mul3A_389 = arith.mulf %broadcast_in_dim3A_387, %mul3A_388 : vector<1x128xf32>
    %add3A_390 = arith.addf %add3A_354, %mul3A_389 : vector<1x128xf32>
    %get3A_391 = arith.constant 9 : index
    %get3A_392 = arith.constant 0 : index
    %get3A_393 = vector.load %arg13[%get3A_391, %get3A_392] : memref<64x128xf32, #tpu.memory_space<vmem>>, vector<1x128xf32>
    %get3A_394 = vector.shape_cast %get3A_393 : vector<1x128xf32> to vector<128xf32>
    %broadcast_in_dim3A_395 = vector.shape_cast %get3A_394 : vector<128xf32> to vector<1x128xf32>
    %mul3A_396 = vector.broadcast %squeeze3A_374 : f32 to vector<1x128xf32>
    %mul3A_397 = arith.mulf %broadcast_in_dim3A_395, %mul3A_396 : vector<1x128xf32>
    %add3A_398 = arith.addf %add3A_362, %mul3A_397 : vector<1x128xf32>
    %get3A_399 = arith.constant 9 : index
    %get3A_400 = arith.constant 0 : index
    %get3A_401 = vector.load %arg9[%get3A_399, %get3A_400] : memref<64x128xf32, #tpu.memory_space<vmem>>, vector<1x128xf32>
    %get3A_402 = vector.shape_cast %get3A_401 : vector<1x128xf32> to vector<128xf32>
    %broadcast_in_dim3A_403 = vector.shape_cast %get3A_402 : vector<128xf32> to vector<1x128xf32>
    %mul3A_404 = vector.broadcast %squeeze3A_374 : f32 to vector<1x128xf32>
    %mul3A_405 = arith.mulf %broadcast_in_dim3A_403, %mul3A_404 : vector<1x128xf32>
    %add3A_406 = arith.addf %add3A_370, %mul3A_405 : vector<1x128xf32>
    %slice3A_407 = vector.extract_strided_slice %reduce_sum3A_34 {offsets = [74], sizes = [1], strides = [1]} : vector<128xf32> to vector<1xf32>
    %squeeze3A_408 = vector.extract %slice3A_407[0] : f32 from vector<1xf32>
    %slice3A_409 = vector.extract_strided_slice %reduce_sum3A_34 {offsets = [10], sizes = [1], strides = [1]} : vector<128xf32> to vector<1xf32>
    %squeeze3A_410 = vector.extract %slice3A_409[0] : f32 from vector<1xf32>
    %get3A_411 = arith.constant 10 : index
    %get3A_412 = arith.constant 0 : index
    %get3A_413 = arith.constant 0 : index
    %get3A_414 = vector.load %arg12[%get3A_411, %get3A_412, %get3A_413] : memref<64x208x128xf32, #tpu.memory_space<vmem>>, vector<1x208x128xf32>
    %get3A_415 = vector.shape_cast %get3A_414 : vector<1x208x128xf32> to vector<208x128xf32>
    %mul3A_416 = vector.broadcast %squeeze3A_408 : f32 to vector<208x128xf32>
    %mul3A_417 = arith.mulf %get3A_415, %mul3A_416 : vector<208x128xf32>
    %add3A_418 = arith.addf %add3A_382, %mul3A_417 : vector<208x128xf32>
    %get3A_419 = arith.constant 10 : index
    %get3A_420 = arith.constant 0 : index
    %get3A_421 = vector.load %arg10[%get3A_419, %get3A_420] : memref<64x128xf32, #tpu.memory_space<vmem>>, vector<1x128xf32>
    %get3A_422 = vector.shape_cast %get3A_421 : vector<1x128xf32> to vector<128xf32>
    %broadcast_in_dim3A_423 = vector.shape_cast %get3A_422 : vector<128xf32> to vector<1x128xf32>
    %mul3A_424 = vector.broadcast %squeeze3A_408 : f32 to vector<1x128xf32>
    %mul3A_425 = arith.mulf %broadcast_in_dim3A_423, %mul3A_424 : vector<1x128xf32>
    %add3A_426 = arith.addf %add3A_390, %mul3A_425 : vector<1x128xf32>
    %get3A_427 = arith.constant 10 : index
    %get3A_428 = arith.constant 0 : index
    %get3A_429 = vector.load %arg13[%get3A_427, %get3A_428] : memref<64x128xf32, #tpu.memory_space<vmem>>, vector<1x128xf32>
    %get3A_430 = vector.shape_cast %get3A_429 : vector<1x128xf32> to vector<128xf32>
    %broadcast_in_dim3A_431 = vector.shape_cast %get3A_430 : vector<128xf32> to vector<1x128xf32>
    %mul3A_432 = vector.broadcast %squeeze3A_410 : f32 to vector<1x128xf32>
    %mul3A_433 = arith.mulf %broadcast_in_dim3A_431, %mul3A_432 : vector<1x128xf32>
    %add3A_434 = arith.addf %add3A_398, %mul3A_433 : vector<1x128xf32>
    %get3A_435 = arith.constant 10 : index
    %get3A_436 = arith.constant 0 : index
    %get3A_437 = vector.load %arg9[%get3A_435, %get3A_436] : memref<64x128xf32, #tpu.memory_space<vmem>>, vector<1x128xf32>
    %get3A_438 = vector.shape_cast %get3A_437 : vector<1x128xf32> to vector<128xf32>
    %broadcast_in_dim3A_439 = vector.shape_cast %get3A_438 : vector<128xf32> to vector<1x128xf32>
    %mul3A_440 = vector.broadcast %squeeze3A_410 : f32 to vector<1x128xf32>
    %mul3A_441 = arith.mulf %broadcast_in_dim3A_439, %mul3A_440 : vector<1x128xf32>
    %add3A_442 = arith.addf %add3A_406, %mul3A_441 : vector<1x128xf32>
    %slice3A_443 = vector.extract_strided_slice %reduce_sum3A_34 {offsets = [75], sizes = [1], strides = [1]} : vector<128xf32> to vector<1xf32>
    %squeeze3A_444 = vector.extract %slice3A_443[0] : f32 from vector<1xf32>
    %slice3A_445 = vector.extract_strided_slice %reduce_sum3A_34 {offsets = [11], sizes = [1], strides = [1]} : vector<128xf32> to vector<1xf32>
    %squeeze3A_446 = vector.extract %slice3A_445[0] : f32 from vector<1xf32>
    %get3A_447 = arith.constant 11 : index
    %get3A_448 = arith.constant 0 : index
    %get3A_449 = arith.constant 0 : index
    %get3A_450 = vector.load %arg12[%get3A_447, %get3A_448, %get3A_449] : memref<64x208x128xf32, #tpu.memory_space<vmem>>, vector<1x208x128xf32>
    %get3A_451 = vector.shape_cast %get3A_450 : vector<1x208x128xf32> to vector<208x128xf32>
    %mul3A_452 = vector.broadcast %squeeze3A_444 : f32 to vector<208x128xf32>
    %mul3A_453 = arith.mulf %get3A_451, %mul3A_452 : vector<208x128xf32>
    %add3A_454 = arith.addf %add3A_418, %mul3A_453 : vector<208x128xf32>
    %get3A_455 = arith.constant 11 : index
    %get3A_456 = arith.constant 0 : index
    %get3A_457 = vector.load %arg10[%get3A_455, %get3A_456] : memref<64x128xf32, #tpu.memory_space<vmem>>, vector<1x128xf32>
    %get3A_458 = vector.shape_cast %get3A_457 : vector<1x128xf32> to vector<128xf32>
    %broadcast_in_dim3A_459 = vector.shape_cast %get3A_458 : vector<128xf32> to vector<1x128xf32>
    %mul3A_460 = vector.broadcast %squeeze3A_444 : f32 to vector<1x128xf32>
    %mul3A_461 = arith.mulf %broadcast_in_dim3A_459, %mul3A_460 : vector<1x128xf32>
    %add3A_462 = arith.addf %add3A_426, %mul3A_461 : vector<1x128xf32>
    %get3A_463 = arith.constant 11 : index
    %get3A_464 = arith.constant 0 : index
    %get3A_465 = vector.load %arg13[%get3A_463, %get3A_464] : memref<64x128xf32, #tpu.memory_space<vmem>>, vector<1x128xf32>
    %get3A_466 = vector.shape_cast %get3A_465 : vector<1x128xf32> to vector<128xf32>
    %broadcast_in_dim3A_467 = vector.shape_cast %get3A_466 : vector<128xf32> to vector<1x128xf32>
    %mul3A_468 = vector.broadcast %squeeze3A_446 : f32 to vector<1x128xf32>
    %mul3A_469 = arith.mulf %broadcast_in_dim3A_467, %mul3A_468 : vector<1x128xf32>
    %add3A_470 = arith.addf %add3A_434, %mul3A_469 : vector<1x128xf32>
    %get3A_471 = arith.constant 11 : index
    %get3A_472 = arith.constant 0 : index
    %get3A_473 = vector.load %arg9[%get3A_471, %get3A_472] : memref<64x128xf32, #tpu.memory_space<vmem>>, vector<1x128xf32>
    %get3A_474 = vector.shape_cast %get3A_473 : vector<1x128xf32> to vector<128xf32>
    %broadcast_in_dim3A_475 = vector.shape_cast %get3A_474 : vector<128xf32> to vector<1x128xf32>
    %mul3A_476 = vector.broadcast %squeeze3A_446 : f32 to vector<1x128xf32>
    %mul3A_477 = arith.mulf %broadcast_in_dim3A_475, %mul3A_476 : vector<1x128xf32>
    %add3A_478 = arith.addf %add3A_442, %mul3A_477 : vector<1x128xf32>
    %slice3A_479 = vector.extract_strided_slice %reduce_sum3A_34 {offsets = [76], sizes = [1], strides = [1]} : vector<128xf32> to vector<1xf32>
    %squeeze3A_480 = vector.extract %slice3A_479[0] : f32 from vector<1xf32>
    %slice3A_481 = vector.extract_strided_slice %reduce_sum3A_34 {offsets = [12], sizes = [1], strides = [1]} : vector<128xf32> to vector<1xf32>
    %squeeze3A_482 = vector.extract %slice3A_481[0] : f32 from vector<1xf32>
    %get3A_483 = arith.constant 12 : index
    %get3A_484 = arith.constant 0 : index
    %get3A_485 = arith.constant 0 : index
    %get3A_486 = vector.load %arg12[%get3A_483, %get3A_484, %get3A_485] : memref<64x208x128xf32, #tpu.memory_space<vmem>>, vector<1x208x128xf32>
    %get3A_487 = vector.shape_cast %get3A_486 : vector<1x208x128xf32> to vector<208x128xf32>
    %mul3A_488 = vector.broadcast %squeeze3A_480 : f32 to vector<208x128xf32>
    %mul3A_489 = arith.mulf %get3A_487, %mul3A_488 : vector<208x128xf32>
    %add3A_490 = arith.addf %add3A_454, %mul3A_489 : vector<208x128xf32>
    %get3A_491 = arith.constant 12 : index
    %get3A_492 = arith.constant 0 : index
    %get3A_493 = vector.load %arg10[%get3A_491, %get3A_492] : memref<64x128xf32, #tpu.memory_space<vmem>>, vector<1x128xf32>
    %get3A_494 = vector.shape_cast %get3A_493 : vector<1x128xf32> to vector<128xf32>
    %broadcast_in_dim3A_495 = vector.shape_cast %get3A_494 : vector<128xf32> to vector<1x128xf32>
    %mul3A_496 = vector.broadcast %squeeze3A_480 : f32 to vector<1x128xf32>
    %mul3A_497 = arith.mulf %broadcast_in_dim3A_495, %mul3A_496 : vector<1x128xf32>
    %add3A_498 = arith.addf %add3A_462, %mul3A_497 : vector<1x128xf32>
    %get3A_499 = arith.constant 12 : index
    %get3A_500 = arith.constant 0 : index
    %get3A_501 = vector.load %arg13[%get3A_499, %get3A_500] : memref<64x128xf32, #tpu.memory_space<vmem>>, vector<1x128xf32>
    %get3A_502 = vector.shape_cast %get3A_501 : vector<1x128xf32> to vector<128xf32>
    %broadcast_in_dim3A_503 = vector.shape_cast %get3A_502 : vector<128xf32> to vector<1x128xf32>
    %mul3A_504 = vector.broadcast %squeeze3A_482 : f32 to vector<1x128xf32>
    %mul3A_505 = arith.mulf %broadcast_in_dim3A_503, %mul3A_504 : vector<1x128xf32>
    %add3A_506 = arith.addf %add3A_470, %mul3A_505 : vector<1x128xf32>
    %get3A_507 = arith.constant 12 : index
    %get3A_508 = arith.constant 0 : index
    %get3A_509 = vector.load %arg9[%get3A_507, %get3A_508] : memref<64x128xf32, #tpu.memory_space<vmem>>, vector<1x128xf32>
    %get3A_510 = vector.shape_cast %get3A_509 : vector<1x128xf32> to vector<128xf32>
    %broadcast_in_dim3A_511 = vector.shape_cast %get3A_510 : vector<128xf32> to vector<1x128xf32>
    %mul3A_512 = vector.broadcast %squeeze3A_482 : f32 to vector<1x128xf32>
    %mul3A_513 = arith.mulf %broadcast_in_dim3A_511, %mul3A_512 : vector<1x128xf32>
    %add3A_514 = arith.addf %add3A_478, %mul3A_513 : vector<1x128xf32>
    %slice3A_515 = vector.extract_strided_slice %reduce_sum3A_34 {offsets = [77], sizes = [1], strides = [1]} : vector<128xf32> to vector<1xf32>
    %squeeze3A_516 = vector.extract %slice3A_515[0] : f32 from vector<1xf32>
    %slice3A_517 = vector.extract_strided_slice %reduce_sum3A_34 {offsets = [13], sizes = [1], strides = [1]} : vector<128xf32> to vector<1xf32>
    %squeeze3A_518 = vector.extract %slice3A_517[0] : f32 from vector<1xf32>
    %get3A_519 = arith.constant 13 : index
    %get3A_520 = arith.constant 0 : index
    %get3A_521 = arith.constant 0 : index
    %get3A_522 = vector.load %arg12[%get3A_519, %get3A_520, %get3A_521] : memref<64x208x128xf32, #tpu.memory_space<vmem>>, vector<1x208x128xf32>
    %get3A_523 = vector.shape_cast %get3A_522 : vector<1x208x128xf32> to vector<208x128xf32>
    %mul3A_524 = vector.broadcast %squeeze3A_516 : f32 to vector<208x128xf32>
    %mul3A_525 = arith.mulf %get3A_523, %mul3A_524 : vector<208x128xf32>
    %add3A_526 = arith.addf %add3A_490, %mul3A_525 : vector<208x128xf32>
    %get3A_527 = arith.constant 13 : index
    %get3A_528 = arith.constant 0 : index
    %get3A_529 = vector.load %arg10[%get3A_527, %get3A_528] : memref<64x128xf32, #tpu.memory_space<vmem>>, vector<1x128xf32>
    %get3A_530 = vector.shape_cast %get3A_529 : vector<1x128xf32> to vector<128xf32>
    %broadcast_in_dim3A_531 = vector.shape_cast %get3A_530 : vector<128xf32> to vector<1x128xf32>
    %mul3A_532 = vector.broadcast %squeeze3A_516 : f32 to vector<1x128xf32>
    %mul3A_533 = arith.mulf %broadcast_in_dim3A_531, %mul3A_532 : vector<1x128xf32>
    %add3A_534 = arith.addf %add3A_498, %mul3A_533 : vector<1x128xf32>
    %get3A_535 = arith.constant 13 : index
    %get3A_536 = arith.constant 0 : index
    %get3A_537 = vector.load %arg13[%get3A_535, %get3A_536] : memref<64x128xf32, #tpu.memory_space<vmem>>, vector<1x128xf32>
    %get3A_538 = vector.shape_cast %get3A_537 : vector<1x128xf32> to vector<128xf32>
    %broadcast_in_dim3A_539 = vector.shape_cast %get3A_538 : vector<128xf32> to vector<1x128xf32>
    %mul3A_540 = vector.broadcast %squeeze3A_518 : f32 to vector<1x128xf32>
    %mul3A_541 = arith.mulf %broadcast_in_dim3A_539, %mul3A_540 : vector<1x128xf32>
    %add3A_542 = arith.addf %add3A_506, %mul3A_541 : vector<1x128xf32>
    %get3A_543 = arith.constant 13 : index
    %get3A_544 = arith.constant 0 : index
    %get3A_545 = vector.load %arg9[%get3A_543, %get3A_544] : memref<64x128xf32, #tpu.memory_space<vmem>>, vector<1x128xf32>
    %get3A_546 = vector.shape_cast %get3A_545 : vector<1x128xf32> to vector<128xf32>
    %broadcast_in_dim3A_547 = vector.shape_cast %get3A_546 : vector<128xf32> to vector<1x128xf32>
    %mul3A_548 = vector.broadcast %squeeze3A_518 : f32 to vector<1x128xf32>
    %mul3A_549 = arith.mulf %broadcast_in_dim3A_547, %mul3A_548 : vector<1x128xf32>
    %add3A_550 = arith.addf %add3A_514, %mul3A_549 : vector<1x128xf32>
    %slice3A_551 = vector.extract_strided_slice %reduce_sum3A_34 {offsets = [78], sizes = [1], strides = [1]} : vector<128xf32> to vector<1xf32>
    %squeeze3A_552 = vector.extract %slice3A_551[0] : f32 from vector<1xf32>
    %slice3A_553 = vector.extract_strided_slice %reduce_sum3A_34 {offsets = [14], sizes = [1], strides = [1]} : vector<128xf32> to vector<1xf32>
    %squeeze3A_554 = vector.extract %slice3A_553[0] : f32 from vector<1xf32>
    %get3A_555 = arith.constant 14 : index
    %get3A_556 = arith.constant 0 : index
    %get3A_557 = arith.constant 0 : index
    %get3A_558 = vector.load %arg12[%get3A_555, %get3A_556, %get3A_557] : memref<64x208x128xf32, #tpu.memory_space<vmem>>, vector<1x208x128xf32>
    %get3A_559 = vector.shape_cast %get3A_558 : vector<1x208x128xf32> to vector<208x128xf32>
    %mul3A_560 = vector.broadcast %squeeze3A_552 : f32 to vector<208x128xf32>
    %mul3A_561 = arith.mulf %get3A_559, %mul3A_560 : vector<208x128xf32>
    %add3A_562 = arith.addf %add3A_526, %mul3A_561 : vector<208x128xf32>
    %get3A_563 = arith.constant 14 : index
    %get3A_564 = arith.constant 0 : index
    %get3A_565 = vector.load %arg10[%get3A_563, %get3A_564] : memref<64x128xf32, #tpu.memory_space<vmem>>, vector<1x128xf32>
    %get3A_566 = vector.shape_cast %get3A_565 : vector<1x128xf32> to vector<128xf32>
    %broadcast_in_dim3A_567 = vector.shape_cast %get3A_566 : vector<128xf32> to vector<1x128xf32>
    %mul3A_568 = vector.broadcast %squeeze3A_552 : f32 to vector<1x128xf32>
    %mul3A_569 = arith.mulf %broadcast_in_dim3A_567, %mul3A_568 : vector<1x128xf32>
    %add3A_570 = arith.addf %add3A_534, %mul3A_569 : vector<1x128xf32>
    %get3A_571 = arith.constant 14 : index
    %get3A_572 = arith.constant 0 : index
    %get3A_573 = vector.load %arg13[%get3A_571, %get3A_572] : memref<64x128xf32, #tpu.memory_space<vmem>>, vector<1x128xf32>
    %get3A_574 = vector.shape_cast %get3A_573 : vector<1x128xf32> to vector<128xf32>
    %broadcast_in_dim3A_575 = vector.shape_cast %get3A_574 : vector<128xf32> to vector<1x128xf32>
    %mul3A_576 = vector.broadcast %squeeze3A_554 : f32 to vector<1x128xf32>
    %mul3A_577 = arith.mulf %broadcast_in_dim3A_575, %mul3A_576 : vector<1x128xf32>
    %add3A_578 = arith.addf %add3A_542, %mul3A_577 : vector<1x128xf32>
    %get3A_579 = arith.constant 14 : index
    %get3A_580 = arith.constant 0 : index
    %get3A_581 = vector.load %arg9[%get3A_579, %get3A_580] : memref<64x128xf32, #tpu.memory_space<vmem>>, vector<1x128xf32>
    %get3A_582 = vector.shape_cast %get3A_581 : vector<1x128xf32> to vector<128xf32>
    %broadcast_in_dim3A_583 = vector.shape_cast %get3A_582 : vector<128xf32> to vector<1x128xf32>
    %mul3A_584 = vector.broadcast %squeeze3A_554 : f32 to vector<1x128xf32>
    %mul3A_585 = arith.mulf %broadcast_in_dim3A_583, %mul3A_584 : vector<1x128xf32>
    %add3A_586 = arith.addf %add3A_550, %mul3A_585 : vector<1x128xf32>
    %slice3A_587 = vector.extract_strided_slice %reduce_sum3A_34 {offsets = [79], sizes = [1], strides = [1]} : vector<128xf32> to vector<1xf32>
    %squeeze3A_588 = vector.extract %slice3A_587[0] : f32 from vector<1xf32>
    %slice3A_589 = vector.extract_strided_slice %reduce_sum3A_34 {offsets = [15], sizes = [1], strides = [1]} : vector<128xf32> to vector<1xf32>
    %squeeze3A_590 = vector.extract %slice3A_589[0] : f32 from vector<1xf32>
    %get3A_591 = arith.constant 15 : index
    %get3A_592 = arith.constant 0 : index
    %get3A_593 = arith.constant 0 : index
    %get3A_594 = vector.load %arg12[%get3A_591, %get3A_592, %get3A_593] : memref<64x208x128xf32, #tpu.memory_space<vmem>>, vector<1x208x128xf32>
    %get3A_595 = vector.shape_cast %get3A_594 : vector<1x208x128xf32> to vector<208x128xf32>
    %mul3A_596 = vector.broadcast %squeeze3A_588 : f32 to vector<208x128xf32>
    %mul3A_597 = arith.mulf %get3A_595, %mul3A_596 : vector<208x128xf32>
    %add3A_598 = arith.addf %add3A_562, %mul3A_597 : vector<208x128xf32>
    %get3A_599 = arith.constant 15 : index
    %get3A_600 = arith.constant 0 : index
    %get3A_601 = vector.load %arg10[%get3A_599, %get3A_600] : memref<64x128xf32, #tpu.memory_space<vmem>>, vector<1x128xf32>
    %get3A_602 = vector.shape_cast %get3A_601 : vector<1x128xf32> to vector<128xf32>
    %broadcast_in_dim3A_603 = vector.shape_cast %get3A_602 : vector<128xf32> to vector<1x128xf32>
    %mul3A_604 = vector.broadcast %squeeze3A_588 : f32 to vector<1x128xf32>
    %mul3A_605 = arith.mulf %broadcast_in_dim3A_603, %mul3A_604 : vector<1x128xf32>
    %add3A_606 = arith.addf %add3A_570, %mul3A_605 : vector<1x128xf32>
    %get3A_607 = arith.constant 15 : index
    %get3A_608 = arith.constant 0 : index
    %get3A_609 = vector.load %arg13[%get3A_607, %get3A_608] : memref<64x128xf32, #tpu.memory_space<vmem>>, vector<1x128xf32>
    %get3A_610 = vector.shape_cast %get3A_609 : vector<1x128xf32> to vector<128xf32>
    %broadcast_in_dim3A_611 = vector.shape_cast %get3A_610 : vector<128xf32> to vector<1x128xf32>
    %mul3A_612 = vector.broadcast %squeeze3A_590 : f32 to vector<1x128xf32>
    %mul3A_613 = arith.mulf %broadcast_in_dim3A_611, %mul3A_612 : vector<1x128xf32>
    %add3A_614 = arith.addf %add3A_578, %mul3A_613 : vector<1x128xf32>
    %get3A_615 = arith.constant 15 : index
    %get3A_616 = arith.constant 0 : index
    %get3A_617 = vector.load %arg9[%get3A_615, %get3A_616] : memref<64x128xf32, #tpu.memory_space<vmem>>, vector<1x128xf32>
    %get3A_618 = vector.shape_cast %get3A_617 : vector<1x128xf32> to vector<128xf32>
    %broadcast_in_dim3A_619 = vector.shape_cast %get3A_618 : vector<128xf32> to vector<1x128xf32>
    %mul3A_620 = vector.broadcast %squeeze3A_590 : f32 to vector<1x128xf32>
    %mul3A_621 = arith.mulf %broadcast_in_dim3A_619, %mul3A_620 : vector<1x128xf32>
    %add3A_622 = arith.addf %add3A_586, %mul3A_621 : vector<1x128xf32>
    %slice3A_623 = vector.extract_strided_slice %reduce_sum3A_34 {offsets = [80], sizes = [1], strides = [1]} : vector<128xf32> to vector<1xf32>
    %squeeze3A_624 = vector.extract %slice3A_623[0] : f32 from vector<1xf32>
    %slice3A_625 = vector.extract_strided_slice %reduce_sum3A_34 {offsets = [16], sizes = [1], strides = [1]} : vector<128xf32> to vector<1xf32>
    %squeeze3A_626 = vector.extract %slice3A_625[0] : f32 from vector<1xf32>
    %get3A_627 = arith.constant 16 : index
    %get3A_628 = arith.constant 0 : index
    %get3A_629 = arith.constant 0 : index
    %get3A_630 = vector.load %arg12[%get3A_627, %get3A_628, %get3A_629] : memref<64x208x128xf32, #tpu.memory_space<vmem>>, vector<1x208x128xf32>
    %get3A_631 = vector.shape_cast %get3A_630 : vector<1x208x128xf32> to vector<208x128xf32>
    %mul3A_632 = vector.broadcast %squeeze3A_624 : f32 to vector<208x128xf32>
    %mul3A_633 = arith.mulf %get3A_631, %mul3A_632 : vector<208x128xf32>
    %add3A_634 = arith.addf %add3A_598, %mul3A_633 : vector<208x128xf32>
    %get3A_635 = arith.constant 16 : index
    %get3A_636 = arith.constant 0 : index
    %get3A_637 = vector.load %arg10[%get3A_635, %get3A_636] : memref<64x128xf32, #tpu.memory_space<vmem>>, vector<1x128xf32>
    %get3A_638 = vector.shape_cast %get3A_637 : vector<1x128xf32> to vector<128xf32>
    %broadcast_in_dim3A_639 = vector.shape_cast %get3A_638 : vector<128xf32> to vector<1x128xf32>
    %mul3A_640 = vector.broadcast %squeeze3A_624 : f32 to vector<1x128xf32>
    %mul3A_641 = arith.mulf %broadcast_in_dim3A_639, %mul3A_640 : vector<1x128xf32>
    %add3A_642 = arith.addf %add3A_606, %mul3A_641 : vector<1x128xf32>
    %get3A_643 = arith.constant 16 : index
    %get3A_644 = arith.constant 0 : index
    %get3A_645 = vector.load %arg13[%get3A_643, %get3A_644] : memref<64x128xf32, #tpu.memory_space<vmem>>, vector<1x128xf32>
    %get3A_646 = vector.shape_cast %get3A_645 : vector<1x128xf32> to vector<128xf32>
    %broadcast_in_dim3A_647 = vector.shape_cast %get3A_646 : vector<128xf32> to vector<1x128xf32>
    %mul3A_648 = vector.broadcast %squeeze3A_626 : f32 to vector<1x128xf32>
    %mul3A_649 = arith.mulf %broadcast_in_dim3A_647, %mul3A_648 : vector<1x128xf32>
    %add3A_650 = arith.addf %add3A_614, %mul3A_649 : vector<1x128xf32>
    %get3A_651 = arith.constant 16 : index
    %get3A_652 = arith.constant 0 : index
    %get3A_653 = vector.load %arg9[%get3A_651, %get3A_652] : memref<64x128xf32, #tpu.memory_space<vmem>>, vector<1x128xf32>
    %get3A_654 = vector.shape_cast %get3A_653 : vector<1x128xf32> to vector<128xf32>
    %broadcast_in_dim3A_655 = vector.shape_cast %get3A_654 : vector<128xf32> to vector<1x128xf32>
    %mul3A_656 = vector.broadcast %squeeze3A_626 : f32 to vector<1x128xf32>
    %mul3A_657 = arith.mulf %broadcast_in_dim3A_655, %mul3A_656 : vector<1x128xf32>
    %add3A_658 = arith.addf %add3A_622, %mul3A_657 : vector<1x128xf32>
    %slice3A_659 = vector.extract_strided_slice %reduce_sum3A_34 {offsets = [81], sizes = [1], strides = [1]} : vector<128xf32> to vector<1xf32>
    %squeeze3A_660 = vector.extract %slice3A_659[0] : f32 from vector<1xf32>
    %slice3A_661 = vector.extract_strided_slice %reduce_sum3A_34 {offsets = [17], sizes = [1], strides = [1]} : vector<128xf32> to vector<1xf32>
    %squeeze3A_662 = vector.extract %slice3A_661[0] : f32 from vector<1xf32>
    %get3A_663 = arith.constant 17 : index
    %get3A_664 = arith.constant 0 : index
    %get3A_665 = arith.constant 0 : index
    %get3A_666 = vector.load %arg12[%get3A_663, %get3A_664, %get3A_665] : memref<64x208x128xf32, #tpu.memory_space<vmem>>, vector<1x208x128xf32>
    %get3A_667 = vector.shape_cast %get3A_666 : vector<1x208x128xf32> to vector<208x128xf32>
    %mul3A_668 = vector.broadcast %squeeze3A_660 : f32 to vector<208x128xf32>
    %mul3A_669 = arith.mulf %get3A_667, %mul3A_668 : vector<208x128xf32>
    %add3A_670 = arith.addf %add3A_634, %mul3A_669 : vector<208x128xf32>
    %get3A_671 = arith.constant 17 : index
    %get3A_672 = arith.constant 0 : index
    %get3A_673 = vector.load %arg10[%get3A_671, %get3A_672] : memref<64x128xf32, #tpu.memory_space<vmem>>, vector<1x128xf32>
    %get3A_674 = vector.shape_cast %get3A_673 : vector<1x128xf32> to vector<128xf32>
    %broadcast_in_dim3A_675 = vector.shape_cast %get3A_674 : vector<128xf32> to vector<1x128xf32>
    %mul3A_676 = vector.broadcast %squeeze3A_660 : f32 to vector<1x128xf32>
    %mul3A_677 = arith.mulf %broadcast_in_dim3A_675, %mul3A_676 : vector<1x128xf32>
    %add3A_678 = arith.addf %add3A_642, %mul3A_677 : vector<1x128xf32>
    %get3A_679 = arith.constant 17 : index
    %get3A_680 = arith.constant 0 : index
    %get3A_681 = vector.load %arg13[%get3A_679, %get3A_680] : memref<64x128xf32, #tpu.memory_space<vmem>>, vector<1x128xf32>
    %get3A_682 = vector.shape_cast %get3A_681 : vector<1x128xf32> to vector<128xf32>
    %broadcast_in_dim3A_683 = vector.shape_cast %get3A_682 : vector<128xf32> to vector<1x128xf32>
    %mul3A_684 = vector.broadcast %squeeze3A_662 : f32 to vector<1x128xf32>
    %mul3A_685 = arith.mulf %broadcast_in_dim3A_683, %mul3A_684 : vector<1x128xf32>
    %add3A_686 = arith.addf %add3A_650, %mul3A_685 : vector<1x128xf32>
    %get3A_687 = arith.constant 17 : index
    %get3A_688 = arith.constant 0 : index
    %get3A_689 = vector.load %arg9[%get3A_687, %get3A_688] : memref<64x128xf32, #tpu.memory_space<vmem>>, vector<1x128xf32>
    %get3A_690 = vector.shape_cast %get3A_689 : vector<1x128xf32> to vector<128xf32>
    %broadcast_in_dim3A_691 = vector.shape_cast %get3A_690 : vector<128xf32> to vector<1x128xf32>
    %mul3A_692 = vector.broadcast %squeeze3A_662 : f32 to vector<1x128xf32>
    %mul3A_693 = arith.mulf %broadcast_in_dim3A_691, %mul3A_692 : vector<1x128xf32>
    %add3A_694 = arith.addf %add3A_658, %mul3A_693 : vector<1x128xf32>
    %slice3A_695 = vector.extract_strided_slice %reduce_sum3A_34 {offsets = [82], sizes = [1], strides = [1]} : vector<128xf32> to vector<1xf32>
    %squeeze3A_696 = vector.extract %slice3A_695[0] : f32 from vector<1xf32>
    %slice3A_697 = vector.extract_strided_slice %reduce_sum3A_34 {offsets = [18], sizes = [1], strides = [1]} : vector<128xf32> to vector<1xf32>
    %squeeze3A_698 = vector.extract %slice3A_697[0] : f32 from vector<1xf32>
    %get3A_699 = arith.constant 18 : index
    %get3A_700 = arith.constant 0 : index
    %get3A_701 = arith.constant 0 : index
    %get3A_702 = vector.load %arg12[%get3A_699, %get3A_700, %get3A_701] : memref<64x208x128xf32, #tpu.memory_space<vmem>>, vector<1x208x128xf32>
    %get3A_703 = vector.shape_cast %get3A_702 : vector<1x208x128xf32> to vector<208x128xf32>
    %mul3A_704 = vector.broadcast %squeeze3A_696 : f32 to vector<208x128xf32>
    %mul3A_705 = arith.mulf %get3A_703, %mul3A_704 : vector<208x128xf32>
    %add3A_706 = arith.addf %add3A_670, %mul3A_705 : vector<208x128xf32>
    %get3A_707 = arith.constant 18 : index
    %get3A_708 = arith.constant 0 : index
    %get3A_709 = vector.load %arg10[%get3A_707, %get3A_708] : memref<64x128xf32, #tpu.memory_space<vmem>>, vector<1x128xf32>
    %get3A_710 = vector.shape_cast %get3A_709 : vector<1x128xf32> to vector<128xf32>
    %broadcast_in_dim3A_711 = vector.shape_cast %get3A_710 : vector<128xf32> to vector<1x128xf32>
    %mul3A_712 = vector.broadcast %squeeze3A_696 : f32 to vector<1x128xf32>
    %mul3A_713 = arith.mulf %broadcast_in_dim3A_711, %mul3A_712 : vector<1x128xf32>
    %add3A_714 = arith.addf %add3A_678, %mul3A_713 : vector<1x128xf32>
    %get3A_715 = arith.constant 18 : index
    %get3A_716 = arith.constant 0 : index
    %get3A_717 = vector.load %arg13[%get3A_715, %get3A_716] : memref<64x128xf32, #tpu.memory_space<vmem>>, vector<1x128xf32>
    %get3A_718 = vector.shape_cast %get3A_717 : vector<1x128xf32> to vector<128xf32>
    %broadcast_in_dim3A_719 = vector.shape_cast %get3A_718 : vector<128xf32> to vector<1x128xf32>
    %mul3A_720 = vector.broadcast %squeeze3A_698 : f32 to vector<1x128xf32>
    %mul3A_721 = arith.mulf %broadcast_in_dim3A_719, %mul3A_720 : vector<1x128xf32>
    %add3A_722 = arith.addf %add3A_686, %mul3A_721 : vector<1x128xf32>
    %get3A_723 = arith.constant 18 : index
    %get3A_724 = arith.constant 0 : index
    %get3A_725 = vector.load %arg9[%get3A_723, %get3A_724] : memref<64x128xf32, #tpu.memory_space<vmem>>, vector<1x128xf32>
    %get3A_726 = vector.shape_cast %get3A_725 : vector<1x128xf32> to vector<128xf32>
    %broadcast_in_dim3A_727 = vector.shape_cast %get3A_726 : vector<128xf32> to vector<1x128xf32>
    %mul3A_728 = vector.broadcast %squeeze3A_698 : f32 to vector<1x128xf32>
    %mul3A_729 = arith.mulf %broadcast_in_dim3A_727, %mul3A_728 : vector<1x128xf32>
    %add3A_730 = arith.addf %add3A_694, %mul3A_729 : vector<1x128xf32>
    %slice3A_731 = vector.extract_strided_slice %reduce_sum3A_34 {offsets = [83], sizes = [1], strides = [1]} : vector<128xf32> to vector<1xf32>
    %squeeze3A_732 = vector.extract %slice3A_731[0] : f32 from vector<1xf32>
    %slice3A_733 = vector.extract_strided_slice %reduce_sum3A_34 {offsets = [19], sizes = [1], strides = [1]} : vector<128xf32> to vector<1xf32>
    %squeeze3A_734 = vector.extract %slice3A_733[0] : f32 from vector<1xf32>
    %get3A_735 = arith.constant 19 : index
    %get3A_736 = arith.constant 0 : index
    %get3A_737 = arith.constant 0 : index
    %get3A_738 = vector.load %arg12[%get3A_735, %get3A_736, %get3A_737] : memref<64x208x128xf32, #tpu.memory_space<vmem>>, vector<1x208x128xf32>
    %get3A_739 = vector.shape_cast %get3A_738 : vector<1x208x128xf32> to vector<208x128xf32>
    %mul3A_740 = vector.broadcast %squeeze3A_732 : f32 to vector<208x128xf32>
    %mul3A_741 = arith.mulf %get3A_739, %mul3A_740 : vector<208x128xf32>
    %add3A_742 = arith.addf %add3A_706, %mul3A_741 : vector<208x128xf32>
    %get3A_743 = arith.constant 19 : index
    %get3A_744 = arith.constant 0 : index
    %get3A_745 = vector.load %arg10[%get3A_743, %get3A_744] : memref<64x128xf32, #tpu.memory_space<vmem>>, vector<1x128xf32>
    %get3A_746 = vector.shape_cast %get3A_745 : vector<1x128xf32> to vector<128xf32>
    %broadcast_in_dim3A_747 = vector.shape_cast %get3A_746 : vector<128xf32> to vector<1x128xf32>
    %mul3A_748 = vector.broadcast %squeeze3A_732 : f32 to vector<1x128xf32>
    %mul3A_749 = arith.mulf %broadcast_in_dim3A_747, %mul3A_748 : vector<1x128xf32>
    %add3A_750 = arith.addf %add3A_714, %mul3A_749 : vector<1x128xf32>
    %get3A_751 = arith.constant 19 : index
    %get3A_752 = arith.constant 0 : index
    %get3A_753 = vector.load %arg13[%get3A_751, %get3A_752] : memref<64x128xf32, #tpu.memory_space<vmem>>, vector<1x128xf32>
    %get3A_754 = vector.shape_cast %get3A_753 : vector<1x128xf32> to vector<128xf32>
    %broadcast_in_dim3A_755 = vector.shape_cast %get3A_754 : vector<128xf32> to vector<1x128xf32>
    %mul3A_756 = vector.broadcast %squeeze3A_734 : f32 to vector<1x128xf32>
    %mul3A_757 = arith.mulf %broadcast_in_dim3A_755, %mul3A_756 : vector<1x128xf32>
    %add3A_758 = arith.addf %add3A_722, %mul3A_757 : vector<1x128xf32>
    %get3A_759 = arith.constant 19 : index
    %get3A_760 = arith.constant 0 : index
    %get3A_761 = vector.load %arg9[%get3A_759, %get3A_760] : memref<64x128xf32, #tpu.memory_space<vmem>>, vector<1x128xf32>
    %get3A_762 = vector.shape_cast %get3A_761 : vector<1x128xf32> to vector<128xf32>
    %broadcast_in_dim3A_763 = vector.shape_cast %get3A_762 : vector<128xf32> to vector<1x128xf32>
    %mul3A_764 = vector.broadcast %squeeze3A_734 : f32 to vector<1x128xf32>
    %mul3A_765 = arith.mulf %broadcast_in_dim3A_763, %mul3A_764 : vector<1x128xf32>
    %add3A_766 = arith.addf %add3A_730, %mul3A_765 : vector<1x128xf32>
    %slice3A_767 = vector.extract_strided_slice %reduce_sum3A_34 {offsets = [84], sizes = [1], strides = [1]} : vector<128xf32> to vector<1xf32>
    %squeeze3A_768 = vector.extract %slice3A_767[0] : f32 from vector<1xf32>
    %slice3A_769 = vector.extract_strided_slice %reduce_sum3A_34 {offsets = [20], sizes = [1], strides = [1]} : vector<128xf32> to vector<1xf32>
    %squeeze3A_770 = vector.extract %slice3A_769[0] : f32 from vector<1xf32>
    %get3A_771 = arith.constant 20 : index
    %get3A_772 = arith.constant 0 : index
    %get3A_773 = arith.constant 0 : index
    %get3A_774 = vector.load %arg12[%get3A_771, %get3A_772, %get3A_773] : memref<64x208x128xf32, #tpu.memory_space<vmem>>, vector<1x208x128xf32>
    %get3A_775 = vector.shape_cast %get3A_774 : vector<1x208x128xf32> to vector<208x128xf32>
    %mul3A_776 = vector.broadcast %squeeze3A_768 : f32 to vector<208x128xf32>
    %mul3A_777 = arith.mulf %get3A_775, %mul3A_776 : vector<208x128xf32>
    %add3A_778 = arith.addf %add3A_742, %mul3A_777 : vector<208x128xf32>
    %get3A_779 = arith.constant 20 : index
    %get3A_780 = arith.constant 0 : index
    %get3A_781 = vector.load %arg10[%get3A_779, %get3A_780] : memref<64x128xf32, #tpu.memory_space<vmem>>, vector<1x128xf32>
    %get3A_782 = vector.shape_cast %get3A_781 : vector<1x128xf32> to vector<128xf32>
    %broadcast_in_dim3A_783 = vector.shape_cast %get3A_782 : vector<128xf32> to vector<1x128xf32>
    %mul3A_784 = vector.broadcast %squeeze3A_768 : f32 to vector<1x128xf32>
    %mul3A_785 = arith.mulf %broadcast_in_dim3A_783, %mul3A_784 : vector<1x128xf32>
    %add3A_786 = arith.addf %add3A_750, %mul3A_785 : vector<1x128xf32>
    %get3A_787 = arith.constant 20 : index
    %get3A_788 = arith.constant 0 : index
    %get3A_789 = vector.load %arg13[%get3A_787, %get3A_788] : memref<64x128xf32, #tpu.memory_space<vmem>>, vector<1x128xf32>
    %get3A_790 = vector.shape_cast %get3A_789 : vector<1x128xf32> to vector<128xf32>
    %broadcast_in_dim3A_791 = vector.shape_cast %get3A_790 : vector<128xf32> to vector<1x128xf32>
    %mul3A_792 = vector.broadcast %squeeze3A_770 : f32 to vector<1x128xf32>
    %mul3A_793 = arith.mulf %broadcast_in_dim3A_791, %mul3A_792 : vector<1x128xf32>
    %add3A_794 = arith.addf %add3A_758, %mul3A_793 : vector<1x128xf32>
    %get3A_795 = arith.constant 20 : index
    %get3A_796 = arith.constant 0 : index
    %get3A_797 = vector.load %arg9[%get3A_795, %get3A_796] : memref<64x128xf32, #tpu.memory_space<vmem>>, vector<1x128xf32>
    %get3A_798 = vector.shape_cast %get3A_797 : vector<1x128xf32> to vector<128xf32>
    %broadcast_in_dim3A_799 = vector.shape_cast %get3A_798 : vector<128xf32> to vector<1x128xf32>
    %mul3A_800 = vector.broadcast %squeeze3A_770 : f32 to vector<1x128xf32>
    %mul3A_801 = arith.mulf %broadcast_in_dim3A_799, %mul3A_800 : vector<1x128xf32>
    %add3A_802 = arith.addf %add3A_766, %mul3A_801 : vector<1x128xf32>
    %slice3A_803 = vector.extract_strided_slice %reduce_sum3A_34 {offsets = [85], sizes = [1], strides = [1]} : vector<128xf32> to vector<1xf32>
    %squeeze3A_804 = vector.extract %slice3A_803[0] : f32 from vector<1xf32>
    %slice3A_805 = vector.extract_strided_slice %reduce_sum3A_34 {offsets = [21], sizes = [1], strides = [1]} : vector<128xf32> to vector<1xf32>
    %squeeze3A_806 = vector.extract %slice3A_805[0] : f32 from vector<1xf32>
    %get3A_807 = arith.constant 21 : index
    %get3A_808 = arith.constant 0 : index
    %get3A_809 = arith.constant 0 : index
    %get3A_810 = vector.load %arg12[%get3A_807, %get3A_808, %get3A_809] : memref<64x208x128xf32, #tpu.memory_space<vmem>>, vector<1x208x128xf32>
    %get3A_811 = vector.shape_cast %get3A_810 : vector<1x208x128xf32> to vector<208x128xf32>
    %mul3A_812 = vector.broadcast %squeeze3A_804 : f32 to vector<208x128xf32>
    %mul3A_813 = arith.mulf %get3A_811, %mul3A_812 : vector<208x128xf32>
    %add3A_814 = arith.addf %add3A_778, %mul3A_813 : vector<208x128xf32>
    %get3A_815 = arith.constant 21 : index
    %get3A_816 = arith.constant 0 : index
    %get3A_817 = vector.load %arg10[%get3A_815, %get3A_816] : memref<64x128xf32, #tpu.memory_space<vmem>>, vector<1x128xf32>
    %get3A_818 = vector.shape_cast %get3A_817 : vector<1x128xf32> to vector<128xf32>
    %broadcast_in_dim3A_819 = vector.shape_cast %get3A_818 : vector<128xf32> to vector<1x128xf32>
    %mul3A_820 = vector.broadcast %squeeze3A_804 : f32 to vector<1x128xf32>
    %mul3A_821 = arith.mulf %broadcast_in_dim3A_819, %mul3A_820 : vector<1x128xf32>
    %add3A_822 = arith.addf %add3A_786, %mul3A_821 : vector<1x128xf32>
    %get3A_823 = arith.constant 21 : index
    %get3A_824 = arith.constant 0 : index
    %get3A_825 = vector.load %arg13[%get3A_823, %get3A_824] : memref<64x128xf32, #tpu.memory_space<vmem>>, vector<1x128xf32>
    %get3A_826 = vector.shape_cast %get3A_825 : vector<1x128xf32> to vector<128xf32>
    %broadcast_in_dim3A_827 = vector.shape_cast %get3A_826 : vector<128xf32> to vector<1x128xf32>
    %mul3A_828 = vector.broadcast %squeeze3A_806 : f32 to vector<1x128xf32>
    %mul3A_829 = arith.mulf %broadcast_in_dim3A_827, %mul3A_828 : vector<1x128xf32>
    %add3A_830 = arith.addf %add3A_794, %mul3A_829 : vector<1x128xf32>
    %get3A_831 = arith.constant 21 : index
    %get3A_832 = arith.constant 0 : index
    %get3A_833 = vector.load %arg9[%get3A_831, %get3A_832] : memref<64x128xf32, #tpu.memory_space<vmem>>, vector<1x128xf32>
    %get3A_834 = vector.shape_cast %get3A_833 : vector<1x128xf32> to vector<128xf32>
    %broadcast_in_dim3A_835 = vector.shape_cast %get3A_834 : vector<128xf32> to vector<1x128xf32>
    %mul3A_836 = vector.broadcast %squeeze3A_806 : f32 to vector<1x128xf32>
    %mul3A_837 = arith.mulf %broadcast_in_dim3A_835, %mul3A_836 : vector<1x128xf32>
    %add3A_838 = arith.addf %add3A_802, %mul3A_837 : vector<1x128xf32>
    %slice3A_839 = vector.extract_strided_slice %reduce_sum3A_34 {offsets = [86], sizes = [1], strides = [1]} : vector<128xf32> to vector<1xf32>
    %squeeze3A_840 = vector.extract %slice3A_839[0] : f32 from vector<1xf32>
    %slice3A_841 = vector.extract_strided_slice %reduce_sum3A_34 {offsets = [22], sizes = [1], strides = [1]} : vector<128xf32> to vector<1xf32>
    %squeeze3A_842 = vector.extract %slice3A_841[0] : f32 from vector<1xf32>
    %get3A_843 = arith.constant 22 : index
    %get3A_844 = arith.constant 0 : index
    %get3A_845 = arith.constant 0 : index
    %get3A_846 = vector.load %arg12[%get3A_843, %get3A_844, %get3A_845] : memref<64x208x128xf32, #tpu.memory_space<vmem>>, vector<1x208x128xf32>
    %get3A_847 = vector.shape_cast %get3A_846 : vector<1x208x128xf32> to vector<208x128xf32>
    %mul3A_848 = vector.broadcast %squeeze3A_840 : f32 to vector<208x128xf32>
    %mul3A_849 = arith.mulf %get3A_847, %mul3A_848 : vector<208x128xf32>
    %add3A_850 = arith.addf %add3A_814, %mul3A_849 : vector<208x128xf32>
    %get3A_851 = arith.constant 22 : index
    %get3A_852 = arith.constant 0 : index
    %get3A_853 = vector.load %arg10[%get3A_851, %get3A_852] : memref<64x128xf32, #tpu.memory_space<vmem>>, vector<1x128xf32>
    %get3A_854 = vector.shape_cast %get3A_853 : vector<1x128xf32> to vector<128xf32>
    %broadcast_in_dim3A_855 = vector.shape_cast %get3A_854 : vector<128xf32> to vector<1x128xf32>
    %mul3A_856 = vector.broadcast %squeeze3A_840 : f32 to vector<1x128xf32>
    %mul3A_857 = arith.mulf %broadcast_in_dim3A_855, %mul3A_856 : vector<1x128xf32>
    %add3A_858 = arith.addf %add3A_822, %mul3A_857 : vector<1x128xf32>
    %get3A_859 = arith.constant 22 : index
    %get3A_860 = arith.constant 0 : index
    %get3A_861 = vector.load %arg13[%get3A_859, %get3A_860] : memref<64x128xf32, #tpu.memory_space<vmem>>, vector<1x128xf32>
    %get3A_862 = vector.shape_cast %get3A_861 : vector<1x128xf32> to vector<128xf32>
    %broadcast_in_dim3A_863 = vector.shape_cast %get3A_862 : vector<128xf32> to vector<1x128xf32>
    %mul3A_864 = vector.broadcast %squeeze3A_842 : f32 to vector<1x128xf32>
    %mul3A_865 = arith.mulf %broadcast_in_dim3A_863, %mul3A_864 : vector<1x128xf32>
    %add3A_866 = arith.addf %add3A_830, %mul3A_865 : vector<1x128xf32>
    %get3A_867 = arith.constant 22 : index
    %get3A_868 = arith.constant 0 : index
    %get3A_869 = vector.load %arg9[%get3A_867, %get3A_868] : memref<64x128xf32, #tpu.memory_space<vmem>>, vector<1x128xf32>
    %get3A_870 = vector.shape_cast %get3A_869 : vector<1x128xf32> to vector<128xf32>
    %broadcast_in_dim3A_871 = vector.shape_cast %get3A_870 : vector<128xf32> to vector<1x128xf32>
    %mul3A_872 = vector.broadcast %squeeze3A_842 : f32 to vector<1x128xf32>
    %mul3A_873 = arith.mulf %broadcast_in_dim3A_871, %mul3A_872 : vector<1x128xf32>
    %add3A_874 = arith.addf %add3A_838, %mul3A_873 : vector<1x128xf32>
    %slice3A_875 = vector.extract_strided_slice %reduce_sum3A_34 {offsets = [87], sizes = [1], strides = [1]} : vector<128xf32> to vector<1xf32>
    %squeeze3A_876 = vector.extract %slice3A_875[0] : f32 from vector<1xf32>
    %slice3A_877 = vector.extract_strided_slice %reduce_sum3A_34 {offsets = [23], sizes = [1], strides = [1]} : vector<128xf32> to vector<1xf32>
    %squeeze3A_878 = vector.extract %slice3A_877[0] : f32 from vector<1xf32>
    %get3A_879 = arith.constant 23 : index
    %get3A_880 = arith.constant 0 : index
    %get3A_881 = arith.constant 0 : index
    %get3A_882 = vector.load %arg12[%get3A_879, %get3A_880, %get3A_881] : memref<64x208x128xf32, #tpu.memory_space<vmem>>, vector<1x208x128xf32>
    %get3A_883 = vector.shape_cast %get3A_882 : vector<1x208x128xf32> to vector<208x128xf32>
    %mul3A_884 = vector.broadcast %squeeze3A_876 : f32 to vector<208x128xf32>
    %mul3A_885 = arith.mulf %get3A_883, %mul3A_884 : vector<208x128xf32>
    %add3A_886 = arith.addf %add3A_850, %mul3A_885 : vector<208x128xf32>
    %get3A_887 = arith.constant 23 : index
    %get3A_888 = arith.constant 0 : index
    %get3A_889 = vector.load %arg10[%get3A_887, %get3A_888] : memref<64x128xf32, #tpu.memory_space<vmem>>, vector<1x128xf32>
    %get3A_890 = vector.shape_cast %get3A_889 : vector<1x128xf32> to vector<128xf32>
    %broadcast_in_dim3A_891 = vector.shape_cast %get3A_890 : vector<128xf32> to vector<1x128xf32>
    %mul3A_892 = vector.broadcast %squeeze3A_876 : f32 to vector<1x128xf32>
    %mul3A_893 = arith.mulf %broadcast_in_dim3A_891, %mul3A_892 : vector<1x128xf32>
    %add3A_894 = arith.addf %add3A_858, %mul3A_893 : vector<1x128xf32>
    %get3A_895 = arith.constant 23 : index
    %get3A_896 = arith.constant 0 : index
    %get3A_897 = vector.load %arg13[%get3A_895, %get3A_896] : memref<64x128xf32, #tpu.memory_space<vmem>>, vector<1x128xf32>
    %get3A_898 = vector.shape_cast %get3A_897 : vector<1x128xf32> to vector<128xf32>
    %broadcast_in_dim3A_899 = vector.shape_cast %get3A_898 : vector<128xf32> to vector<1x128xf32>
    %mul3A_900 = vector.broadcast %squeeze3A_878 : f32 to vector<1x128xf32>
    %mul3A_901 = arith.mulf %broadcast_in_dim3A_899, %mul3A_900 : vector<1x128xf32>
    %add3A_902 = arith.addf %add3A_866, %mul3A_901 : vector<1x128xf32>
    %get3A_903 = arith.constant 23 : index
    %get3A_904 = arith.constant 0 : index
    %get3A_905 = vector.load %arg9[%get3A_903, %get3A_904] : memref<64x128xf32, #tpu.memory_space<vmem>>, vector<1x128xf32>
    %get3A_906 = vector.shape_cast %get3A_905 : vector<1x128xf32> to vector<128xf32>
    %broadcast_in_dim3A_907 = vector.shape_cast %get3A_906 : vector<128xf32> to vector<1x128xf32>
    %mul3A_908 = vector.broadcast %squeeze3A_878 : f32 to vector<1x128xf32>
    %mul3A_909 = arith.mulf %broadcast_in_dim3A_907, %mul3A_908 : vector<1x128xf32>
    %add3A_910 = arith.addf %add3A_874, %mul3A_909 : vector<1x128xf32>
    %slice3A_911 = vector.extract_strided_slice %reduce_sum3A_34 {offsets = [88], sizes = [1], strides = [1]} : vector<128xf32> to vector<1xf32>
    %squeeze3A_912 = vector.extract %slice3A_911[0] : f32 from vector<1xf32>
    %slice3A_913 = vector.extract_strided_slice %reduce_sum3A_34 {offsets = [24], sizes = [1], strides = [1]} : vector<128xf32> to vector<1xf32>
    %squeeze3A_914 = vector.extract %slice3A_913[0] : f32 from vector<1xf32>
    %get3A_915 = arith.constant 24 : index
    %get3A_916 = arith.constant 0 : index
    %get3A_917 = arith.constant 0 : index
    %get3A_918 = vector.load %arg12[%get3A_915, %get3A_916, %get3A_917] : memref<64x208x128xf32, #tpu.memory_space<vmem>>, vector<1x208x128xf32>
    %get3A_919 = vector.shape_cast %get3A_918 : vector<1x208x128xf32> to vector<208x128xf32>
    %mul3A_920 = vector.broadcast %squeeze3A_912 : f32 to vector<208x128xf32>
    %mul3A_921 = arith.mulf %get3A_919, %mul3A_920 : vector<208x128xf32>
    %add3A_922 = arith.addf %add3A_886, %mul3A_921 : vector<208x128xf32>
    %get3A_923 = arith.constant 24 : index
    %get3A_924 = arith.constant 0 : index
    %get3A_925 = vector.load %arg10[%get3A_923, %get3A_924] : memref<64x128xf32, #tpu.memory_space<vmem>>, vector<1x128xf32>
    %get3A_926 = vector.shape_cast %get3A_925 : vector<1x128xf32> to vector<128xf32>
    %broadcast_in_dim3A_927 = vector.shape_cast %get3A_926 : vector<128xf32> to vector<1x128xf32>
    %mul3A_928 = vector.broadcast %squeeze3A_912 : f32 to vector<1x128xf32>
    %mul3A_929 = arith.mulf %broadcast_in_dim3A_927, %mul3A_928 : vector<1x128xf32>
    %add3A_930 = arith.addf %add3A_894, %mul3A_929 : vector<1x128xf32>
    %get3A_931 = arith.constant 24 : index
    %get3A_932 = arith.constant 0 : index
    %get3A_933 = vector.load %arg13[%get3A_931, %get3A_932] : memref<64x128xf32, #tpu.memory_space<vmem>>, vector<1x128xf32>
    %get3A_934 = vector.shape_cast %get3A_933 : vector<1x128xf32> to vector<128xf32>
    %broadcast_in_dim3A_935 = vector.shape_cast %get3A_934 : vector<128xf32> to vector<1x128xf32>
    %mul3A_936 = vector.broadcast %squeeze3A_914 : f32 to vector<1x128xf32>
    %mul3A_937 = arith.mulf %broadcast_in_dim3A_935, %mul3A_936 : vector<1x128xf32>
    %add3A_938 = arith.addf %add3A_902, %mul3A_937 : vector<1x128xf32>
    %get3A_939 = arith.constant 24 : index
    %get3A_940 = arith.constant 0 : index
    %get3A_941 = vector.load %arg9[%get3A_939, %get3A_940] : memref<64x128xf32, #tpu.memory_space<vmem>>, vector<1x128xf32>
    %get3A_942 = vector.shape_cast %get3A_941 : vector<1x128xf32> to vector<128xf32>
    %broadcast_in_dim3A_943 = vector.shape_cast %get3A_942 : vector<128xf32> to vector<1x128xf32>
    %mul3A_944 = vector.broadcast %squeeze3A_914 : f32 to vector<1x128xf32>
    %mul3A_945 = arith.mulf %broadcast_in_dim3A_943, %mul3A_944 : vector<1x128xf32>
    %add3A_946 = arith.addf %add3A_910, %mul3A_945 : vector<1x128xf32>
    %slice3A_947 = vector.extract_strided_slice %reduce_sum3A_34 {offsets = [89], sizes = [1], strides = [1]} : vector<128xf32> to vector<1xf32>
    %squeeze3A_948 = vector.extract %slice3A_947[0] : f32 from vector<1xf32>
    %slice3A_949 = vector.extract_strided_slice %reduce_sum3A_34 {offsets = [25], sizes = [1], strides = [1]} : vector<128xf32> to vector<1xf32>
    %squeeze3A_950 = vector.extract %slice3A_949[0] : f32 from vector<1xf32>
    %get3A_951 = arith.constant 25 : index
    %get3A_952 = arith.constant 0 : index
    %get3A_953 = arith.constant 0 : index
    %get3A_954 = vector.load %arg12[%get3A_951, %get3A_952, %get3A_953] : memref<64x208x128xf32, #tpu.memory_space<vmem>>, vector<1x208x128xf32>
    %get3A_955 = vector.shape_cast %get3A_954 : vector<1x208x128xf32> to vector<208x128xf32>
    %mul3A_956 = vector.broadcast %squeeze3A_948 : f32 to vector<208x128xf32>
    %mul3A_957 = arith.mulf %get3A_955, %mul3A_956 : vector<208x128xf32>
    %add3A_958 = arith.addf %add3A_922, %mul3A_957 : vector<208x128xf32>
    %get3A_959 = arith.constant 25 : index
    %get3A_960 = arith.constant 0 : index
    %get3A_961 = vector.load %arg10[%get3A_959, %get3A_960] : memref<64x128xf32, #tpu.memory_space<vmem>>, vector<1x128xf32>
    %get3A_962 = vector.shape_cast %get3A_961 : vector<1x128xf32> to vector<128xf32>
    %broadcast_in_dim3A_963 = vector.shape_cast %get3A_962 : vector<128xf32> to vector<1x128xf32>
    %mul3A_964 = vector.broadcast %squeeze3A_948 : f32 to vector<1x128xf32>
    %mul3A_965 = arith.mulf %broadcast_in_dim3A_963, %mul3A_964 : vector<1x128xf32>
    %add3A_966 = arith.addf %add3A_930, %mul3A_965 : vector<1x128xf32>
    %get3A_967 = arith.constant 25 : index
    %get3A_968 = arith.constant 0 : index
    %get3A_969 = vector.load %arg13[%get3A_967, %get3A_968] : memref<64x128xf32, #tpu.memory_space<vmem>>, vector<1x128xf32>
    %get3A_970 = vector.shape_cast %get3A_969 : vector<1x128xf32> to vector<128xf32>
    %broadcast_in_dim3A_971 = vector.shape_cast %get3A_970 : vector<128xf32> to vector<1x128xf32>
    %mul3A_972 = vector.broadcast %squeeze3A_950 : f32 to vector<1x128xf32>
    %mul3A_973 = arith.mulf %broadcast_in_dim3A_971, %mul3A_972 : vector<1x128xf32>
    %add3A_974 = arith.addf %add3A_938, %mul3A_973 : vector<1x128xf32>
    %get3A_975 = arith.constant 25 : index
    %get3A_976 = arith.constant 0 : index
    %get3A_977 = vector.load %arg9[%get3A_975, %get3A_976] : memref<64x128xf32, #tpu.memory_space<vmem>>, vector<1x128xf32>
    %get3A_978 = vector.shape_cast %get3A_977 : vector<1x128xf32> to vector<128xf32>
    %broadcast_in_dim3A_979 = vector.shape_cast %get3A_978 : vector<128xf32> to vector<1x128xf32>
    %mul3A_980 = vector.broadcast %squeeze3A_950 : f32 to vector<1x128xf32>
    %mul3A_981 = arith.mulf %broadcast_in_dim3A_979, %mul3A_980 : vector<1x128xf32>
    %add3A_982 = arith.addf %add3A_946, %mul3A_981 : vector<1x128xf32>
    %slice3A_983 = vector.extract_strided_slice %reduce_sum3A_34 {offsets = [90], sizes = [1], strides = [1]} : vector<128xf32> to vector<1xf32>
    %squeeze3A_984 = vector.extract %slice3A_983[0] : f32 from vector<1xf32>
    %slice3A_985 = vector.extract_strided_slice %reduce_sum3A_34 {offsets = [26], sizes = [1], strides = [1]} : vector<128xf32> to vector<1xf32>
    %squeeze3A_986 = vector.extract %slice3A_985[0] : f32 from vector<1xf32>
    %get3A_987 = arith.constant 26 : index
    %get3A_988 = arith.constant 0 : index
    %get3A_989 = arith.constant 0 : index
    %get3A_990 = vector.load %arg12[%get3A_987, %get3A_988, %get3A_989] : memref<64x208x128xf32, #tpu.memory_space<vmem>>, vector<1x208x128xf32>
    %get3A_991 = vector.shape_cast %get3A_990 : vector<1x208x128xf32> to vector<208x128xf32>
    %mul3A_992 = vector.broadcast %squeeze3A_984 : f32 to vector<208x128xf32>
    %mul3A_993 = arith.mulf %get3A_991, %mul3A_992 : vector<208x128xf32>
    %add3A_994 = arith.addf %add3A_958, %mul3A_993 : vector<208x128xf32>
    %get3A_995 = arith.constant 26 : index
    %get3A_996 = arith.constant 0 : index
    %get3A_997 = vector.load %arg10[%get3A_995, %get3A_996] : memref<64x128xf32, #tpu.memory_space<vmem>>, vector<1x128xf32>
    %get3A_998 = vector.shape_cast %get3A_997 : vector<1x128xf32> to vector<128xf32>
    %broadcast_in_dim3A_999 = vector.shape_cast %get3A_998 : vector<128xf32> to vector<1x128xf32>
    %mul3A_1000 = vector.broadcast %squeeze3A_984 : f32 to vector<1x128xf32>
    %mul3A_1001 = arith.mulf %broadcast_in_dim3A_999, %mul3A_1000 : vector<1x128xf32>
    %add3A_1002 = arith.addf %add3A_966, %mul3A_1001 : vector<1x128xf32>
    %get3A_1003 = arith.constant 26 : index
    %get3A_1004 = arith.constant 0 : index
    %get3A_1005 = vector.load %arg13[%get3A_1003, %get3A_1004] : memref<64x128xf32, #tpu.memory_space<vmem>>, vector<1x128xf32>
    %get3A_1006 = vector.shape_cast %get3A_1005 : vector<1x128xf32> to vector<128xf32>
    %broadcast_in_dim3A_1007 = vector.shape_cast %get3A_1006 : vector<128xf32> to vector<1x128xf32>
    %mul3A_1008 = vector.broadcast %squeeze3A_986 : f32 to vector<1x128xf32>
    %mul3A_1009 = arith.mulf %broadcast_in_dim3A_1007, %mul3A_1008 : vector<1x128xf32>
    %add3A_1010 = arith.addf %add3A_974, %mul3A_1009 : vector<1x128xf32>
    %get3A_1011 = arith.constant 26 : index
    %get3A_1012 = arith.constant 0 : index
    %get3A_1013 = vector.load %arg9[%get3A_1011, %get3A_1012] : memref<64x128xf32, #tpu.memory_space<vmem>>, vector<1x128xf32>
    %get3A_1014 = vector.shape_cast %get3A_1013 : vector<1x128xf32> to vector<128xf32>
    %broadcast_in_dim3A_1015 = vector.shape_cast %get3A_1014 : vector<128xf32> to vector<1x128xf32>
    %mul3A_1016 = vector.broadcast %squeeze3A_986 : f32 to vector<1x128xf32>
    %mul3A_1017 = arith.mulf %broadcast_in_dim3A_1015, %mul3A_1016 : vector<1x128xf32>
    %add3A_1018 = arith.addf %add3A_982, %mul3A_1017 : vector<1x128xf32>
    %slice3A_1019 = vector.extract_strided_slice %reduce_sum3A_34 {offsets = [91], sizes = [1], strides = [1]} : vector<128xf32> to vector<1xf32>
    %squeeze3A_1020 = vector.extract %slice3A_1019[0] : f32 from vector<1xf32>
    %slice3A_1021 = vector.extract_strided_slice %reduce_sum3A_34 {offsets = [27], sizes = [1], strides = [1]} : vector<128xf32> to vector<1xf32>
    %squeeze3A_1022 = vector.extract %slice3A_1021[0] : f32 from vector<1xf32>
    %get3A_1023 = arith.constant 27 : index
    %get3A_1024 = arith.constant 0 : index
    %get3A_1025 = arith.constant 0 : index
    %get3A_1026 = vector.load %arg12[%get3A_1023, %get3A_1024, %get3A_1025] : memref<64x208x128xf32, #tpu.memory_space<vmem>>, vector<1x208x128xf32>
    %get3A_1027 = vector.shape_cast %get3A_1026 : vector<1x208x128xf32> to vector<208x128xf32>
    %mul3A_1028 = vector.broadcast %squeeze3A_1020 : f32 to vector<208x128xf32>
    %mul3A_1029 = arith.mulf %get3A_1027, %mul3A_1028 : vector<208x128xf32>
    %add3A_1030 = arith.addf %add3A_994, %mul3A_1029 : vector<208x128xf32>
    %get3A_1031 = arith.constant 27 : index
    %get3A_1032 = arith.constant 0 : index
    %get3A_1033 = vector.load %arg10[%get3A_1031, %get3A_1032] : memref<64x128xf32, #tpu.memory_space<vmem>>, vector<1x128xf32>
    %get3A_1034 = vector.shape_cast %get3A_1033 : vector<1x128xf32> to vector<128xf32>
    %broadcast_in_dim3A_1035 = vector.shape_cast %get3A_1034 : vector<128xf32> to vector<1x128xf32>
    %mul3A_1036 = vector.broadcast %squeeze3A_1020 : f32 to vector<1x128xf32>
    %mul3A_1037 = arith.mulf %broadcast_in_dim3A_1035, %mul3A_1036 : vector<1x128xf32>
    %add3A_1038 = arith.addf %add3A_1002, %mul3A_1037 : vector<1x128xf32>
    %get3A_1039 = arith.constant 27 : index
    %get3A_1040 = arith.constant 0 : index
    %get3A_1041 = vector.load %arg13[%get3A_1039, %get3A_1040] : memref<64x128xf32, #tpu.memory_space<vmem>>, vector<1x128xf32>
    %get3A_1042 = vector.shape_cast %get3A_1041 : vector<1x128xf32> to vector<128xf32>
    %broadcast_in_dim3A_1043 = vector.shape_cast %get3A_1042 : vector<128xf32> to vector<1x128xf32>
    %mul3A_1044 = vector.broadcast %squeeze3A_1022 : f32 to vector<1x128xf32>
    %mul3A_1045 = arith.mulf %broadcast_in_dim3A_1043, %mul3A_1044 : vector<1x128xf32>
    %add3A_1046 = arith.addf %add3A_1010, %mul3A_1045 : vector<1x128xf32>
    %get3A_1047 = arith.constant 27 : index
    %get3A_1048 = arith.constant 0 : index
    %get3A_1049 = vector.load %arg9[%get3A_1047, %get3A_1048] : memref<64x128xf32, #tpu.memory_space<vmem>>, vector<1x128xf32>
    %get3A_1050 = vector.shape_cast %get3A_1049 : vector<1x128xf32> to vector<128xf32>
    %broadcast_in_dim3A_1051 = vector.shape_cast %get3A_1050 : vector<128xf32> to vector<1x128xf32>
    %mul3A_1052 = vector.broadcast %squeeze3A_1022 : f32 to vector<1x128xf32>
    %mul3A_1053 = arith.mulf %broadcast_in_dim3A_1051, %mul3A_1052 : vector<1x128xf32>
    %add3A_1054 = arith.addf %add3A_1018, %mul3A_1053 : vector<1x128xf32>
    %slice3A_1055 = vector.extract_strided_slice %reduce_sum3A_34 {offsets = [92], sizes = [1], strides = [1]} : vector<128xf32> to vector<1xf32>
    %squeeze3A_1056 = vector.extract %slice3A_1055[0] : f32 from vector<1xf32>
    %slice3A_1057 = vector.extract_strided_slice %reduce_sum3A_34 {offsets = [28], sizes = [1], strides = [1]} : vector<128xf32> to vector<1xf32>
    %squeeze3A_1058 = vector.extract %slice3A_1057[0] : f32 from vector<1xf32>
    %get3A_1059 = arith.constant 28 : index
    %get3A_1060 = arith.constant 0 : index
    %get3A_1061 = arith.constant 0 : index
    %get3A_1062 = vector.load %arg12[%get3A_1059, %get3A_1060, %get3A_1061] : memref<64x208x128xf32, #tpu.memory_space<vmem>>, vector<1x208x128xf32>
    %get3A_1063 = vector.shape_cast %get3A_1062 : vector<1x208x128xf32> to vector<208x128xf32>
    %mul3A_1064 = vector.broadcast %squeeze3A_1056 : f32 to vector<208x128xf32>
    %mul3A_1065 = arith.mulf %get3A_1063, %mul3A_1064 : vector<208x128xf32>
    %add3A_1066 = arith.addf %add3A_1030, %mul3A_1065 : vector<208x128xf32>
    %get3A_1067 = arith.constant 28 : index
    %get3A_1068 = arith.constant 0 : index
    %get3A_1069 = vector.load %arg10[%get3A_1067, %get3A_1068] : memref<64x128xf32, #tpu.memory_space<vmem>>, vector<1x128xf32>
    %get3A_1070 = vector.shape_cast %get3A_1069 : vector<1x128xf32> to vector<128xf32>
    %broadcast_in_dim3A_1071 = vector.shape_cast %get3A_1070 : vector<128xf32> to vector<1x128xf32>
    %mul3A_1072 = vector.broadcast %squeeze3A_1056 : f32 to vector<1x128xf32>
    %mul3A_1073 = arith.mulf %broadcast_in_dim3A_1071, %mul3A_1072 : vector<1x128xf32>
    %add3A_1074 = arith.addf %add3A_1038, %mul3A_1073 : vector<1x128xf32>
    %get3A_1075 = arith.constant 28 : index
    %get3A_1076 = arith.constant 0 : index
    %get3A_1077 = vector.load %arg13[%get3A_1075, %get3A_1076] : memref<64x128xf32, #tpu.memory_space<vmem>>, vector<1x128xf32>
    %get3A_1078 = vector.shape_cast %get3A_1077 : vector<1x128xf32> to vector<128xf32>
    %broadcast_in_dim3A_1079 = vector.shape_cast %get3A_1078 : vector<128xf32> to vector<1x128xf32>
    %mul3A_1080 = vector.broadcast %squeeze3A_1058 : f32 to vector<1x128xf32>
    %mul3A_1081 = arith.mulf %broadcast_in_dim3A_1079, %mul3A_1080 : vector<1x128xf32>
    %add3A_1082 = arith.addf %add3A_1046, %mul3A_1081 : vector<1x128xf32>
    %get3A_1083 = arith.constant 28 : index
    %get3A_1084 = arith.constant 0 : index
    %get3A_1085 = vector.load %arg9[%get3A_1083, %get3A_1084] : memref<64x128xf32, #tpu.memory_space<vmem>>, vector<1x128xf32>
    %get3A_1086 = vector.shape_cast %get3A_1085 : vector<1x128xf32> to vector<128xf32>
    %broadcast_in_dim3A_1087 = vector.shape_cast %get3A_1086 : vector<128xf32> to vector<1x128xf32>
    %mul3A_1088 = vector.broadcast %squeeze3A_1058 : f32 to vector<1x128xf32>
    %mul3A_1089 = arith.mulf %broadcast_in_dim3A_1087, %mul3A_1088 : vector<1x128xf32>
    %add3A_1090 = arith.addf %add3A_1054, %mul3A_1089 : vector<1x128xf32>
    %slice3A_1091 = vector.extract_strided_slice %reduce_sum3A_34 {offsets = [93], sizes = [1], strides = [1]} : vector<128xf32> to vector<1xf32>
    %squeeze3A_1092 = vector.extract %slice3A_1091[0] : f32 from vector<1xf32>
    %slice3A_1093 = vector.extract_strided_slice %reduce_sum3A_34 {offsets = [29], sizes = [1], strides = [1]} : vector<128xf32> to vector<1xf32>
    %squeeze3A_1094 = vector.extract %slice3A_1093[0] : f32 from vector<1xf32>
    %get3A_1095 = arith.constant 29 : index
    %get3A_1096 = arith.constant 0 : index
    %get3A_1097 = arith.constant 0 : index
    %get3A_1098 = vector.load %arg12[%get3A_1095, %get3A_1096, %get3A_1097] : memref<64x208x128xf32, #tpu.memory_space<vmem>>, vector<1x208x128xf32>
    %get3A_1099 = vector.shape_cast %get3A_1098 : vector<1x208x128xf32> to vector<208x128xf32>
    %mul3A_1100 = vector.broadcast %squeeze3A_1092 : f32 to vector<208x128xf32>
    %mul3A_1101 = arith.mulf %get3A_1099, %mul3A_1100 : vector<208x128xf32>
    %add3A_1102 = arith.addf %add3A_1066, %mul3A_1101 : vector<208x128xf32>
    %get3A_1103 = arith.constant 29 : index
    %get3A_1104 = arith.constant 0 : index
    %get3A_1105 = vector.load %arg10[%get3A_1103, %get3A_1104] : memref<64x128xf32, #tpu.memory_space<vmem>>, vector<1x128xf32>
    %get3A_1106 = vector.shape_cast %get3A_1105 : vector<1x128xf32> to vector<128xf32>
    %broadcast_in_dim3A_1107 = vector.shape_cast %get3A_1106 : vector<128xf32> to vector<1x128xf32>
    %mul3A_1108 = vector.broadcast %squeeze3A_1092 : f32 to vector<1x128xf32>
    %mul3A_1109 = arith.mulf %broadcast_in_dim3A_1107, %mul3A_1108 : vector<1x128xf32>
    %add3A_1110 = arith.addf %add3A_1074, %mul3A_1109 : vector<1x128xf32>
    %get3A_1111 = arith.constant 29 : index
    %get3A_1112 = arith.constant 0 : index
    %get3A_1113 = vector.load %arg13[%get3A_1111, %get3A_1112] : memref<64x128xf32, #tpu.memory_space<vmem>>, vector<1x128xf32>
    %get3A_1114 = vector.shape_cast %get3A_1113 : vector<1x128xf32> to vector<128xf32>
    %broadcast_in_dim3A_1115 = vector.shape_cast %get3A_1114 : vector<128xf32> to vector<1x128xf32>
    %mul3A_1116 = vector.broadcast %squeeze3A_1094 : f32 to vector<1x128xf32>
    %mul3A_1117 = arith.mulf %broadcast_in_dim3A_1115, %mul3A_1116 : vector<1x128xf32>
    %add3A_1118 = arith.addf %add3A_1082, %mul3A_1117 : vector<1x128xf32>
    %get3A_1119 = arith.constant 29 : index
    %get3A_1120 = arith.constant 0 : index
    %get3A_1121 = vector.load %arg9[%get3A_1119, %get3A_1120] : memref<64x128xf32, #tpu.memory_space<vmem>>, vector<1x128xf32>
    %get3A_1122 = vector.shape_cast %get3A_1121 : vector<1x128xf32> to vector<128xf32>
    %broadcast_in_dim3A_1123 = vector.shape_cast %get3A_1122 : vector<128xf32> to vector<1x128xf32>
    %mul3A_1124 = vector.broadcast %squeeze3A_1094 : f32 to vector<1x128xf32>
    %mul3A_1125 = arith.mulf %broadcast_in_dim3A_1123, %mul3A_1124 : vector<1x128xf32>
    %add3A_1126 = arith.addf %add3A_1090, %mul3A_1125 : vector<1x128xf32>
    %slice3A_1127 = vector.extract_strided_slice %reduce_sum3A_34 {offsets = [94], sizes = [1], strides = [1]} : vector<128xf32> to vector<1xf32>
    %squeeze3A_1128 = vector.extract %slice3A_1127[0] : f32 from vector<1xf32>
    %slice3A_1129 = vector.extract_strided_slice %reduce_sum3A_34 {offsets = [30], sizes = [1], strides = [1]} : vector<128xf32> to vector<1xf32>
    %squeeze3A_1130 = vector.extract %slice3A_1129[0] : f32 from vector<1xf32>
    %get3A_1131 = arith.constant 30 : index
    %get3A_1132 = arith.constant 0 : index
    %get3A_1133 = arith.constant 0 : index
    %get3A_1134 = vector.load %arg12[%get3A_1131, %get3A_1132, %get3A_1133] : memref<64x208x128xf32, #tpu.memory_space<vmem>>, vector<1x208x128xf32>
    %get3A_1135 = vector.shape_cast %get3A_1134 : vector<1x208x128xf32> to vector<208x128xf32>
    %mul3A_1136 = vector.broadcast %squeeze3A_1128 : f32 to vector<208x128xf32>
    %mul3A_1137 = arith.mulf %get3A_1135, %mul3A_1136 : vector<208x128xf32>
    %add3A_1138 = arith.addf %add3A_1102, %mul3A_1137 : vector<208x128xf32>
    %get3A_1139 = arith.constant 30 : index
    %get3A_1140 = arith.constant 0 : index
    %get3A_1141 = vector.load %arg10[%get3A_1139, %get3A_1140] : memref<64x128xf32, #tpu.memory_space<vmem>>, vector<1x128xf32>
    %get3A_1142 = vector.shape_cast %get3A_1141 : vector<1x128xf32> to vector<128xf32>
    %broadcast_in_dim3A_1143 = vector.shape_cast %get3A_1142 : vector<128xf32> to vector<1x128xf32>
    %mul3A_1144 = vector.broadcast %squeeze3A_1128 : f32 to vector<1x128xf32>
    %mul3A_1145 = arith.mulf %broadcast_in_dim3A_1143, %mul3A_1144 : vector<1x128xf32>
    %add3A_1146 = arith.addf %add3A_1110, %mul3A_1145 : vector<1x128xf32>
    %get3A_1147 = arith.constant 30 : index
    %get3A_1148 = arith.constant 0 : index
    %get3A_1149 = vector.load %arg13[%get3A_1147, %get3A_1148] : memref<64x128xf32, #tpu.memory_space<vmem>>, vector<1x128xf32>
    %get3A_1150 = vector.shape_cast %get3A_1149 : vector<1x128xf32> to vector<128xf32>
    %broadcast_in_dim3A_1151 = vector.shape_cast %get3A_1150 : vector<128xf32> to vector<1x128xf32>
    %mul3A_1152 = vector.broadcast %squeeze3A_1130 : f32 to vector<1x128xf32>
    %mul3A_1153 = arith.mulf %broadcast_in_dim3A_1151, %mul3A_1152 : vector<1x128xf32>
    %add3A_1154 = arith.addf %add3A_1118, %mul3A_1153 : vector<1x128xf32>
    %get3A_1155 = arith.constant 30 : index
    %get3A_1156 = arith.constant 0 : index
    %get3A_1157 = vector.load %arg9[%get3A_1155, %get3A_1156] : memref<64x128xf32, #tpu.memory_space<vmem>>, vector<1x128xf32>
    %get3A_1158 = vector.shape_cast %get3A_1157 : vector<1x128xf32> to vector<128xf32>
    %broadcast_in_dim3A_1159 = vector.shape_cast %get3A_1158 : vector<128xf32> to vector<1x128xf32>
    %mul3A_1160 = vector.broadcast %squeeze3A_1130 : f32 to vector<1x128xf32>
    %mul3A_1161 = arith.mulf %broadcast_in_dim3A_1159, %mul3A_1160 : vector<1x128xf32>
    %add3A_1162 = arith.addf %add3A_1126, %mul3A_1161 : vector<1x128xf32>
    %slice3A_1163 = vector.extract_strided_slice %reduce_sum3A_34 {offsets = [95], sizes = [1], strides = [1]} : vector<128xf32> to vector<1xf32>
    %squeeze3A_1164 = vector.extract %slice3A_1163[0] : f32 from vector<1xf32>
    %slice3A_1165 = vector.extract_strided_slice %reduce_sum3A_34 {offsets = [31], sizes = [1], strides = [1]} : vector<128xf32> to vector<1xf32>
    %squeeze3A_1166 = vector.extract %slice3A_1165[0] : f32 from vector<1xf32>
    %get3A_1167 = arith.constant 31 : index
    %get3A_1168 = arith.constant 0 : index
    %get3A_1169 = arith.constant 0 : index
    %get3A_1170 = vector.load %arg12[%get3A_1167, %get3A_1168, %get3A_1169] : memref<64x208x128xf32, #tpu.memory_space<vmem>>, vector<1x208x128xf32>
    %get3A_1171 = vector.shape_cast %get3A_1170 : vector<1x208x128xf32> to vector<208x128xf32>
    %mul3A_1172 = vector.broadcast %squeeze3A_1164 : f32 to vector<208x128xf32>
    %mul3A_1173 = arith.mulf %get3A_1171, %mul3A_1172 : vector<208x128xf32>
    %add3A_1174 = arith.addf %add3A_1138, %mul3A_1173 : vector<208x128xf32>
    %get3A_1175 = arith.constant 31 : index
    %get3A_1176 = arith.constant 0 : index
    %get3A_1177 = vector.load %arg10[%get3A_1175, %get3A_1176] : memref<64x128xf32, #tpu.memory_space<vmem>>, vector<1x128xf32>
    %get3A_1178 = vector.shape_cast %get3A_1177 : vector<1x128xf32> to vector<128xf32>
    %broadcast_in_dim3A_1179 = vector.shape_cast %get3A_1178 : vector<128xf32> to vector<1x128xf32>
    %mul3A_1180 = vector.broadcast %squeeze3A_1164 : f32 to vector<1x128xf32>
    %mul3A_1181 = arith.mulf %broadcast_in_dim3A_1179, %mul3A_1180 : vector<1x128xf32>
    %add3A_1182 = arith.addf %add3A_1146, %mul3A_1181 : vector<1x128xf32>
    %get3A_1183 = arith.constant 31 : index
    %get3A_1184 = arith.constant 0 : index
    %get3A_1185 = vector.load %arg13[%get3A_1183, %get3A_1184] : memref<64x128xf32, #tpu.memory_space<vmem>>, vector<1x128xf32>
    %get3A_1186 = vector.shape_cast %get3A_1185 : vector<1x128xf32> to vector<128xf32>
    %broadcast_in_dim3A_1187 = vector.shape_cast %get3A_1186 : vector<128xf32> to vector<1x128xf32>
    %mul3A_1188 = vector.broadcast %squeeze3A_1166 : f32 to vector<1x128xf32>
    %mul3A_1189 = arith.mulf %broadcast_in_dim3A_1187, %mul3A_1188 : vector<1x128xf32>
    %add3A_1190 = arith.addf %add3A_1154, %mul3A_1189 : vector<1x128xf32>
    %get3A_1191 = arith.constant 31 : index
    %get3A_1192 = arith.constant 0 : index
    %get3A_1193 = vector.load %arg9[%get3A_1191, %get3A_1192] : memref<64x128xf32, #tpu.memory_space<vmem>>, vector<1x128xf32>
    %get3A_1194 = vector.shape_cast %get3A_1193 : vector<1x128xf32> to vector<128xf32>
    %broadcast_in_dim3A_1195 = vector.shape_cast %get3A_1194 : vector<128xf32> to vector<1x128xf32>
    %mul3A_1196 = vector.broadcast %squeeze3A_1166 : f32 to vector<1x128xf32>
    %mul3A_1197 = arith.mulf %broadcast_in_dim3A_1195, %mul3A_1196 : vector<1x128xf32>
    %add3A_1198 = arith.addf %add3A_1162, %mul3A_1197 : vector<1x128xf32>
    %slice3A_1199 = vector.extract_strided_slice %reduce_sum3A_34 {offsets = [96], sizes = [1], strides = [1]} : vector<128xf32> to vector<1xf32>
    %squeeze3A_1200 = vector.extract %slice3A_1199[0] : f32 from vector<1xf32>
    %slice3A_1201 = vector.extract_strided_slice %reduce_sum3A_34 {offsets = [32], sizes = [1], strides = [1]} : vector<128xf32> to vector<1xf32>
    %squeeze3A_1202 = vector.extract %slice3A_1201[0] : f32 from vector<1xf32>
    %get3A_1203 = arith.constant 32 : index
    %get3A_1204 = arith.constant 0 : index
    %get3A_1205 = arith.constant 0 : index
    %get3A_1206 = vector.load %arg12[%get3A_1203, %get3A_1204, %get3A_1205] : memref<64x208x128xf32, #tpu.memory_space<vmem>>, vector<1x208x128xf32>
    %get3A_1207 = vector.shape_cast %get3A_1206 : vector<1x208x128xf32> to vector<208x128xf32>
    %mul3A_1208 = vector.broadcast %squeeze3A_1200 : f32 to vector<208x128xf32>
    %mul3A_1209 = arith.mulf %get3A_1207, %mul3A_1208 : vector<208x128xf32>
    %add3A_1210 = arith.addf %add3A_1174, %mul3A_1209 : vector<208x128xf32>
    %get3A_1211 = arith.constant 32 : index
    %get3A_1212 = arith.constant 0 : index
    %get3A_1213 = vector.load %arg10[%get3A_1211, %get3A_1212] : memref<64x128xf32, #tpu.memory_space<vmem>>, vector<1x128xf32>
    %get3A_1214 = vector.shape_cast %get3A_1213 : vector<1x128xf32> to vector<128xf32>
    %broadcast_in_dim3A_1215 = vector.shape_cast %get3A_1214 : vector<128xf32> to vector<1x128xf32>
    %mul3A_1216 = vector.broadcast %squeeze3A_1200 : f32 to vector<1x128xf32>
    %mul3A_1217 = arith.mulf %broadcast_in_dim3A_1215, %mul3A_1216 : vector<1x128xf32>
    %add3A_1218 = arith.addf %add3A_1182, %mul3A_1217 : vector<1x128xf32>
    %get3A_1219 = arith.constant 32 : index
    %get3A_1220 = arith.constant 0 : index
    %get3A_1221 = vector.load %arg13[%get3A_1219, %get3A_1220] : memref<64x128xf32, #tpu.memory_space<vmem>>, vector<1x128xf32>
    %get3A_1222 = vector.shape_cast %get3A_1221 : vector<1x128xf32> to vector<128xf32>
    %broadcast_in_dim3A_1223 = vector.shape_cast %get3A_1222 : vector<128xf32> to vector<1x128xf32>
    %mul3A_1224 = vector.broadcast %squeeze3A_1202 : f32 to vector<1x128xf32>
    %mul3A_1225 = arith.mulf %broadcast_in_dim3A_1223, %mul3A_1224 : vector<1x128xf32>
    %add3A_1226 = arith.addf %add3A_1190, %mul3A_1225 : vector<1x128xf32>
    %get3A_1227 = arith.constant 32 : index
    %get3A_1228 = arith.constant 0 : index
    %get3A_1229 = vector.load %arg9[%get3A_1227, %get3A_1228] : memref<64x128xf32, #tpu.memory_space<vmem>>, vector<1x128xf32>
    %get3A_1230 = vector.shape_cast %get3A_1229 : vector<1x128xf32> to vector<128xf32>
    %broadcast_in_dim3A_1231 = vector.shape_cast %get3A_1230 : vector<128xf32> to vector<1x128xf32>
    %mul3A_1232 = vector.broadcast %squeeze3A_1202 : f32 to vector<1x128xf32>
    %mul3A_1233 = arith.mulf %broadcast_in_dim3A_1231, %mul3A_1232 : vector<1x128xf32>
    %add3A_1234 = arith.addf %add3A_1198, %mul3A_1233 : vector<1x128xf32>
    %slice3A_1235 = vector.extract_strided_slice %reduce_sum3A_34 {offsets = [97], sizes = [1], strides = [1]} : vector<128xf32> to vector<1xf32>
    %squeeze3A_1236 = vector.extract %slice3A_1235[0] : f32 from vector<1xf32>
    %slice3A_1237 = vector.extract_strided_slice %reduce_sum3A_34 {offsets = [33], sizes = [1], strides = [1]} : vector<128xf32> to vector<1xf32>
    %squeeze3A_1238 = vector.extract %slice3A_1237[0] : f32 from vector<1xf32>
    %get3A_1239 = arith.constant 33 : index
    %get3A_1240 = arith.constant 0 : index
    %get3A_1241 = arith.constant 0 : index
    %get3A_1242 = vector.load %arg12[%get3A_1239, %get3A_1240, %get3A_1241] : memref<64x208x128xf32, #tpu.memory_space<vmem>>, vector<1x208x128xf32>
    %get3A_1243 = vector.shape_cast %get3A_1242 : vector<1x208x128xf32> to vector<208x128xf32>
    %mul3A_1244 = vector.broadcast %squeeze3A_1236 : f32 to vector<208x128xf32>
    %mul3A_1245 = arith.mulf %get3A_1243, %mul3A_1244 : vector<208x128xf32>
    %add3A_1246 = arith.addf %add3A_1210, %mul3A_1245 : vector<208x128xf32>
    %get3A_1247 = arith.constant 33 : index
    %get3A_1248 = arith.constant 0 : index
    %get3A_1249 = vector.load %arg10[%get3A_1247, %get3A_1248] : memref<64x128xf32, #tpu.memory_space<vmem>>, vector<1x128xf32>
    %get3A_1250 = vector.shape_cast %get3A_1249 : vector<1x128xf32> to vector<128xf32>
    %broadcast_in_dim3A_1251 = vector.shape_cast %get3A_1250 : vector<128xf32> to vector<1x128xf32>
    %mul3A_1252 = vector.broadcast %squeeze3A_1236 : f32 to vector<1x128xf32>
    %mul3A_1253 = arith.mulf %broadcast_in_dim3A_1251, %mul3A_1252 : vector<1x128xf32>
    %add3A_1254 = arith.addf %add3A_1218, %mul3A_1253 : vector<1x128xf32>
    %get3A_1255 = arith.constant 33 : index
    %get3A_1256 = arith.constant 0 : index
    %get3A_1257 = vector.load %arg13[%get3A_1255, %get3A_1256] : memref<64x128xf32, #tpu.memory_space<vmem>>, vector<1x128xf32>
    %get3A_1258 = vector.shape_cast %get3A_1257 : vector<1x128xf32> to vector<128xf32>
    %broadcast_in_dim3A_1259 = vector.shape_cast %get3A_1258 : vector<128xf32> to vector<1x128xf32>
    %mul3A_1260 = vector.broadcast %squeeze3A_1238 : f32 to vector<1x128xf32>
    %mul3A_1261 = arith.mulf %broadcast_in_dim3A_1259, %mul3A_1260 : vector<1x128xf32>
    %add3A_1262 = arith.addf %add3A_1226, %mul3A_1261 : vector<1x128xf32>
    %get3A_1263 = arith.constant 33 : index
    %get3A_1264 = arith.constant 0 : index
    %get3A_1265 = vector.load %arg9[%get3A_1263, %get3A_1264] : memref<64x128xf32, #tpu.memory_space<vmem>>, vector<1x128xf32>
    %get3A_1266 = vector.shape_cast %get3A_1265 : vector<1x128xf32> to vector<128xf32>
    %broadcast_in_dim3A_1267 = vector.shape_cast %get3A_1266 : vector<128xf32> to vector<1x128xf32>
    %mul3A_1268 = vector.broadcast %squeeze3A_1238 : f32 to vector<1x128xf32>
    %mul3A_1269 = arith.mulf %broadcast_in_dim3A_1267, %mul3A_1268 : vector<1x128xf32>
    %add3A_1270 = arith.addf %add3A_1234, %mul3A_1269 : vector<1x128xf32>
    %slice3A_1271 = vector.extract_strided_slice %reduce_sum3A_34 {offsets = [98], sizes = [1], strides = [1]} : vector<128xf32> to vector<1xf32>
    %squeeze3A_1272 = vector.extract %slice3A_1271[0] : f32 from vector<1xf32>
    %slice3A_1273 = vector.extract_strided_slice %reduce_sum3A_34 {offsets = [34], sizes = [1], strides = [1]} : vector<128xf32> to vector<1xf32>
    %squeeze3A_1274 = vector.extract %slice3A_1273[0] : f32 from vector<1xf32>
    %get3A_1275 = arith.constant 34 : index
    %get3A_1276 = arith.constant 0 : index
    %get3A_1277 = arith.constant 0 : index
    %get3A_1278 = vector.load %arg12[%get3A_1275, %get3A_1276, %get3A_1277] : memref<64x208x128xf32, #tpu.memory_space<vmem>>, vector<1x208x128xf32>
    %get3A_1279 = vector.shape_cast %get3A_1278 : vector<1x208x128xf32> to vector<208x128xf32>
    %mul3A_1280 = vector.broadcast %squeeze3A_1272 : f32 to vector<208x128xf32>
    %mul3A_1281 = arith.mulf %get3A_1279, %mul3A_1280 : vector<208x128xf32>
    %add3A_1282 = arith.addf %add3A_1246, %mul3A_1281 : vector<208x128xf32>
    %get3A_1283 = arith.constant 34 : index
    %get3A_1284 = arith.constant 0 : index
    %get3A_1285 = vector.load %arg10[%get3A_1283, %get3A_1284] : memref<64x128xf32, #tpu.memory_space<vmem>>, vector<1x128xf32>
    %get3A_1286 = vector.shape_cast %get3A_1285 : vector<1x128xf32> to vector<128xf32>
    %broadcast_in_dim3A_1287 = vector.shape_cast %get3A_1286 : vector<128xf32> to vector<1x128xf32>
    %mul3A_1288 = vector.broadcast %squeeze3A_1272 : f32 to vector<1x128xf32>
    %mul3A_1289 = arith.mulf %broadcast_in_dim3A_1287, %mul3A_1288 : vector<1x128xf32>
    %add3A_1290 = arith.addf %add3A_1254, %mul3A_1289 : vector<1x128xf32>
    %get3A_1291 = arith.constant 34 : index
    %get3A_1292 = arith.constant 0 : index
    %get3A_1293 = vector.load %arg13[%get3A_1291, %get3A_1292] : memref<64x128xf32, #tpu.memory_space<vmem>>, vector<1x128xf32>
    %get3A_1294 = vector.shape_cast %get3A_1293 : vector<1x128xf32> to vector<128xf32>
    %broadcast_in_dim3A_1295 = vector.shape_cast %get3A_1294 : vector<128xf32> to vector<1x128xf32>
    %mul3A_1296 = vector.broadcast %squeeze3A_1274 : f32 to vector<1x128xf32>
    %mul3A_1297 = arith.mulf %broadcast_in_dim3A_1295, %mul3A_1296 : vector<1x128xf32>
    %add3A_1298 = arith.addf %add3A_1262, %mul3A_1297 : vector<1x128xf32>
    %get3A_1299 = arith.constant 34 : index
    %get3A_1300 = arith.constant 0 : index
    %get3A_1301 = vector.load %arg9[%get3A_1299, %get3A_1300] : memref<64x128xf32, #tpu.memory_space<vmem>>, vector<1x128xf32>
    %get3A_1302 = vector.shape_cast %get3A_1301 : vector<1x128xf32> to vector<128xf32>
    %broadcast_in_dim3A_1303 = vector.shape_cast %get3A_1302 : vector<128xf32> to vector<1x128xf32>
    %mul3A_1304 = vector.broadcast %squeeze3A_1274 : f32 to vector<1x128xf32>
    %mul3A_1305 = arith.mulf %broadcast_in_dim3A_1303, %mul3A_1304 : vector<1x128xf32>
    %add3A_1306 = arith.addf %add3A_1270, %mul3A_1305 : vector<1x128xf32>
    %slice3A_1307 = vector.extract_strided_slice %reduce_sum3A_34 {offsets = [99], sizes = [1], strides = [1]} : vector<128xf32> to vector<1xf32>
    %squeeze3A_1308 = vector.extract %slice3A_1307[0] : f32 from vector<1xf32>
    %slice3A_1309 = vector.extract_strided_slice %reduce_sum3A_34 {offsets = [35], sizes = [1], strides = [1]} : vector<128xf32> to vector<1xf32>
    %squeeze3A_1310 = vector.extract %slice3A_1309[0] : f32 from vector<1xf32>
    %get3A_1311 = arith.constant 35 : index
    %get3A_1312 = arith.constant 0 : index
    %get3A_1313 = arith.constant 0 : index
    %get3A_1314 = vector.load %arg12[%get3A_1311, %get3A_1312, %get3A_1313] : memref<64x208x128xf32, #tpu.memory_space<vmem>>, vector<1x208x128xf32>
    %get3A_1315 = vector.shape_cast %get3A_1314 : vector<1x208x128xf32> to vector<208x128xf32>
    %mul3A_1316 = vector.broadcast %squeeze3A_1308 : f32 to vector<208x128xf32>
    %mul3A_1317 = arith.mulf %get3A_1315, %mul3A_1316 : vector<208x128xf32>
    %add3A_1318 = arith.addf %add3A_1282, %mul3A_1317 : vector<208x128xf32>
    %get3A_1319 = arith.constant 35 : index
    %get3A_1320 = arith.constant 0 : index
    %get3A_1321 = vector.load %arg10[%get3A_1319, %get3A_1320] : memref<64x128xf32, #tpu.memory_space<vmem>>, vector<1x128xf32>
    %get3A_1322 = vector.shape_cast %get3A_1321 : vector<1x128xf32> to vector<128xf32>
    %broadcast_in_dim3A_1323 = vector.shape_cast %get3A_1322 : vector<128xf32> to vector<1x128xf32>
    %mul3A_1324 = vector.broadcast %squeeze3A_1308 : f32 to vector<1x128xf32>
    %mul3A_1325 = arith.mulf %broadcast_in_dim3A_1323, %mul3A_1324 : vector<1x128xf32>
    %add3A_1326 = arith.addf %add3A_1290, %mul3A_1325 : vector<1x128xf32>
    %get3A_1327 = arith.constant 35 : index
    %get3A_1328 = arith.constant 0 : index
    %get3A_1329 = vector.load %arg13[%get3A_1327, %get3A_1328] : memref<64x128xf32, #tpu.memory_space<vmem>>, vector<1x128xf32>
    %get3A_1330 = vector.shape_cast %get3A_1329 : vector<1x128xf32> to vector<128xf32>
    %broadcast_in_dim3A_1331 = vector.shape_cast %get3A_1330 : vector<128xf32> to vector<1x128xf32>
    %mul3A_1332 = vector.broadcast %squeeze3A_1310 : f32 to vector<1x128xf32>
    %mul3A_1333 = arith.mulf %broadcast_in_dim3A_1331, %mul3A_1332 : vector<1x128xf32>
    %add3A_1334 = arith.addf %add3A_1298, %mul3A_1333 : vector<1x128xf32>
    %get3A_1335 = arith.constant 35 : index
    %get3A_1336 = arith.constant 0 : index
    %get3A_1337 = vector.load %arg9[%get3A_1335, %get3A_1336] : memref<64x128xf32, #tpu.memory_space<vmem>>, vector<1x128xf32>
    %get3A_1338 = vector.shape_cast %get3A_1337 : vector<1x128xf32> to vector<128xf32>
    %broadcast_in_dim3A_1339 = vector.shape_cast %get3A_1338 : vector<128xf32> to vector<1x128xf32>
    %mul3A_1340 = vector.broadcast %squeeze3A_1310 : f32 to vector<1x128xf32>
    %mul3A_1341 = arith.mulf %broadcast_in_dim3A_1339, %mul3A_1340 : vector<1x128xf32>
    %add3A_1342 = arith.addf %add3A_1306, %mul3A_1341 : vector<1x128xf32>
    %slice3A_1343 = vector.extract_strided_slice %reduce_sum3A_34 {offsets = [100], sizes = [1], strides = [1]} : vector<128xf32> to vector<1xf32>
    %squeeze3A_1344 = vector.extract %slice3A_1343[0] : f32 from vector<1xf32>
    %slice3A_1345 = vector.extract_strided_slice %reduce_sum3A_34 {offsets = [36], sizes = [1], strides = [1]} : vector<128xf32> to vector<1xf32>
    %squeeze3A_1346 = vector.extract %slice3A_1345[0] : f32 from vector<1xf32>
    %get3A_1347 = arith.constant 36 : index
    %get3A_1348 = arith.constant 0 : index
    %get3A_1349 = arith.constant 0 : index
    %get3A_1350 = vector.load %arg12[%get3A_1347, %get3A_1348, %get3A_1349] : memref<64x208x128xf32, #tpu.memory_space<vmem>>, vector<1x208x128xf32>
    %get3A_1351 = vector.shape_cast %get3A_1350 : vector<1x208x128xf32> to vector<208x128xf32>
    %mul3A_1352 = vector.broadcast %squeeze3A_1344 : f32 to vector<208x128xf32>
    %mul3A_1353 = arith.mulf %get3A_1351, %mul3A_1352 : vector<208x128xf32>
    %add3A_1354 = arith.addf %add3A_1318, %mul3A_1353 : vector<208x128xf32>
    %get3A_1355 = arith.constant 36 : index
    %get3A_1356 = arith.constant 0 : index
    %get3A_1357 = vector.load %arg10[%get3A_1355, %get3A_1356] : memref<64x128xf32, #tpu.memory_space<vmem>>, vector<1x128xf32>
    %get3A_1358 = vector.shape_cast %get3A_1357 : vector<1x128xf32> to vector<128xf32>
    %broadcast_in_dim3A_1359 = vector.shape_cast %get3A_1358 : vector<128xf32> to vector<1x128xf32>
    %mul3A_1360 = vector.broadcast %squeeze3A_1344 : f32 to vector<1x128xf32>
    %mul3A_1361 = arith.mulf %broadcast_in_dim3A_1359, %mul3A_1360 : vector<1x128xf32>
    %add3A_1362 = arith.addf %add3A_1326, %mul3A_1361 : vector<1x128xf32>
    %get3A_1363 = arith.constant 36 : index
    %get3A_1364 = arith.constant 0 : index
    %get3A_1365 = vector.load %arg13[%get3A_1363, %get3A_1364] : memref<64x128xf32, #tpu.memory_space<vmem>>, vector<1x128xf32>
    %get3A_1366 = vector.shape_cast %get3A_1365 : vector<1x128xf32> to vector<128xf32>
    %broadcast_in_dim3A_1367 = vector.shape_cast %get3A_1366 : vector<128xf32> to vector<1x128xf32>
    %mul3A_1368 = vector.broadcast %squeeze3A_1346 : f32 to vector<1x128xf32>
    %mul3A_1369 = arith.mulf %broadcast_in_dim3A_1367, %mul3A_1368 : vector<1x128xf32>
    %add3A_1370 = arith.addf %add3A_1334, %mul3A_1369 : vector<1x128xf32>
    %get3A_1371 = arith.constant 36 : index
    %get3A_1372 = arith.constant 0 : index
    %get3A_1373 = vector.load %arg9[%get3A_1371, %get3A_1372] : memref<64x128xf32, #tpu.memory_space<vmem>>, vector<1x128xf32>
    %get3A_1374 = vector.shape_cast %get3A_1373 : vector<1x128xf32> to vector<128xf32>
    %broadcast_in_dim3A_1375 = vector.shape_cast %get3A_1374 : vector<128xf32> to vector<1x128xf32>
    %mul3A_1376 = vector.broadcast %squeeze3A_1346 : f32 to vector<1x128xf32>
    %mul3A_1377 = arith.mulf %broadcast_in_dim3A_1375, %mul3A_1376 : vector<1x128xf32>
    %add3A_1378 = arith.addf %add3A_1342, %mul3A_1377 : vector<1x128xf32>
    %slice3A_1379 = vector.extract_strided_slice %reduce_sum3A_34 {offsets = [101], sizes = [1], strides = [1]} : vector<128xf32> to vector<1xf32>
    %squeeze3A_1380 = vector.extract %slice3A_1379[0] : f32 from vector<1xf32>
    %slice3A_1381 = vector.extract_strided_slice %reduce_sum3A_34 {offsets = [37], sizes = [1], strides = [1]} : vector<128xf32> to vector<1xf32>
    %squeeze3A_1382 = vector.extract %slice3A_1381[0] : f32 from vector<1xf32>
    %get3A_1383 = arith.constant 37 : index
    %get3A_1384 = arith.constant 0 : index
    %get3A_1385 = arith.constant 0 : index
    %get3A_1386 = vector.load %arg12[%get3A_1383, %get3A_1384, %get3A_1385] : memref<64x208x128xf32, #tpu.memory_space<vmem>>, vector<1x208x128xf32>
    %get3A_1387 = vector.shape_cast %get3A_1386 : vector<1x208x128xf32> to vector<208x128xf32>
    %mul3A_1388 = vector.broadcast %squeeze3A_1380 : f32 to vector<208x128xf32>
    %mul3A_1389 = arith.mulf %get3A_1387, %mul3A_1388 : vector<208x128xf32>
    %add3A_1390 = arith.addf %add3A_1354, %mul3A_1389 : vector<208x128xf32>
    %get3A_1391 = arith.constant 37 : index
    %get3A_1392 = arith.constant 0 : index
    %get3A_1393 = vector.load %arg10[%get3A_1391, %get3A_1392] : memref<64x128xf32, #tpu.memory_space<vmem>>, vector<1x128xf32>
    %get3A_1394 = vector.shape_cast %get3A_1393 : vector<1x128xf32> to vector<128xf32>
    %broadcast_in_dim3A_1395 = vector.shape_cast %get3A_1394 : vector<128xf32> to vector<1x128xf32>
    %mul3A_1396 = vector.broadcast %squeeze3A_1380 : f32 to vector<1x128xf32>
    %mul3A_1397 = arith.mulf %broadcast_in_dim3A_1395, %mul3A_1396 : vector<1x128xf32>
    %add3A_1398 = arith.addf %add3A_1362, %mul3A_1397 : vector<1x128xf32>
    %get3A_1399 = arith.constant 37 : index
    %get3A_1400 = arith.constant 0 : index
    %get3A_1401 = vector.load %arg13[%get3A_1399, %get3A_1400] : memref<64x128xf32, #tpu.memory_space<vmem>>, vector<1x128xf32>
    %get3A_1402 = vector.shape_cast %get3A_1401 : vector<1x128xf32> to vector<128xf32>
    %broadcast_in_dim3A_1403 = vector.shape_cast %get3A_1402 : vector<128xf32> to vector<1x128xf32>
    %mul3A_1404 = vector.broadcast %squeeze3A_1382 : f32 to vector<1x128xf32>
    %mul3A_1405 = arith.mulf %broadcast_in_dim3A_1403, %mul3A_1404 : vector<1x128xf32>
    %add3A_1406 = arith.addf %add3A_1370, %mul3A_1405 : vector<1x128xf32>
    %get3A_1407 = arith.constant 37 : index
    %get3A_1408 = arith.constant 0 : index
    %get3A_1409 = vector.load %arg9[%get3A_1407, %get3A_1408] : memref<64x128xf32, #tpu.memory_space<vmem>>, vector<1x128xf32>
    %get3A_1410 = vector.shape_cast %get3A_1409 : vector<1x128xf32> to vector<128xf32>
    %broadcast_in_dim3A_1411 = vector.shape_cast %get3A_1410 : vector<128xf32> to vector<1x128xf32>
    %mul3A_1412 = vector.broadcast %squeeze3A_1382 : f32 to vector<1x128xf32>
    %mul3A_1413 = arith.mulf %broadcast_in_dim3A_1411, %mul3A_1412 : vector<1x128xf32>
    %add3A_1414 = arith.addf %add3A_1378, %mul3A_1413 : vector<1x128xf32>
    %slice3A_1415 = vector.extract_strided_slice %reduce_sum3A_34 {offsets = [102], sizes = [1], strides = [1]} : vector<128xf32> to vector<1xf32>
    %squeeze3A_1416 = vector.extract %slice3A_1415[0] : f32 from vector<1xf32>
    %slice3A_1417 = vector.extract_strided_slice %reduce_sum3A_34 {offsets = [38], sizes = [1], strides = [1]} : vector<128xf32> to vector<1xf32>
    %squeeze3A_1418 = vector.extract %slice3A_1417[0] : f32 from vector<1xf32>
    %get3A_1419 = arith.constant 38 : index
    %get3A_1420 = arith.constant 0 : index
    %get3A_1421 = arith.constant 0 : index
    %get3A_1422 = vector.load %arg12[%get3A_1419, %get3A_1420, %get3A_1421] : memref<64x208x128xf32, #tpu.memory_space<vmem>>, vector<1x208x128xf32>
    %get3A_1423 = vector.shape_cast %get3A_1422 : vector<1x208x128xf32> to vector<208x128xf32>
    %mul3A_1424 = vector.broadcast %squeeze3A_1416 : f32 to vector<208x128xf32>
    %mul3A_1425 = arith.mulf %get3A_1423, %mul3A_1424 : vector<208x128xf32>
    %add3A_1426 = arith.addf %add3A_1390, %mul3A_1425 : vector<208x128xf32>
    %get3A_1427 = arith.constant 38 : index
    %get3A_1428 = arith.constant 0 : index
    %get3A_1429 = vector.load %arg10[%get3A_1427, %get3A_1428] : memref<64x128xf32, #tpu.memory_space<vmem>>, vector<1x128xf32>
    %get3A_1430 = vector.shape_cast %get3A_1429 : vector<1x128xf32> to vector<128xf32>
    %broadcast_in_dim3A_1431 = vector.shape_cast %get3A_1430 : vector<128xf32> to vector<1x128xf32>
    %mul3A_1432 = vector.broadcast %squeeze3A_1416 : f32 to vector<1x128xf32>
    %mul3A_1433 = arith.mulf %broadcast_in_dim3A_1431, %mul3A_1432 : vector<1x128xf32>
    %add3A_1434 = arith.addf %add3A_1398, %mul3A_1433 : vector<1x128xf32>
    %get3A_1435 = arith.constant 38 : index
    %get3A_1436 = arith.constant 0 : index
    %get3A_1437 = vector.load %arg13[%get3A_1435, %get3A_1436] : memref<64x128xf32, #tpu.memory_space<vmem>>, vector<1x128xf32>
    %get3A_1438 = vector.shape_cast %get3A_1437 : vector<1x128xf32> to vector<128xf32>
    %broadcast_in_dim3A_1439 = vector.shape_cast %get3A_1438 : vector<128xf32> to vector<1x128xf32>
    %mul3A_1440 = vector.broadcast %squeeze3A_1418 : f32 to vector<1x128xf32>
    %mul3A_1441 = arith.mulf %broadcast_in_dim3A_1439, %mul3A_1440 : vector<1x128xf32>
    %add3A_1442 = arith.addf %add3A_1406, %mul3A_1441 : vector<1x128xf32>
    %get3A_1443 = arith.constant 38 : index
    %get3A_1444 = arith.constant 0 : index
    %get3A_1445 = vector.load %arg9[%get3A_1443, %get3A_1444] : memref<64x128xf32, #tpu.memory_space<vmem>>, vector<1x128xf32>
    %get3A_1446 = vector.shape_cast %get3A_1445 : vector<1x128xf32> to vector<128xf32>
    %broadcast_in_dim3A_1447 = vector.shape_cast %get3A_1446 : vector<128xf32> to vector<1x128xf32>
    %mul3A_1448 = vector.broadcast %squeeze3A_1418 : f32 to vector<1x128xf32>
    %mul3A_1449 = arith.mulf %broadcast_in_dim3A_1447, %mul3A_1448 : vector<1x128xf32>
    %add3A_1450 = arith.addf %add3A_1414, %mul3A_1449 : vector<1x128xf32>
    %slice3A_1451 = vector.extract_strided_slice %reduce_sum3A_34 {offsets = [103], sizes = [1], strides = [1]} : vector<128xf32> to vector<1xf32>
    %squeeze3A_1452 = vector.extract %slice3A_1451[0] : f32 from vector<1xf32>
    %slice3A_1453 = vector.extract_strided_slice %reduce_sum3A_34 {offsets = [39], sizes = [1], strides = [1]} : vector<128xf32> to vector<1xf32>
    %squeeze3A_1454 = vector.extract %slice3A_1453[0] : f32 from vector<1xf32>
    %get3A_1455 = arith.constant 39 : index
    %get3A_1456 = arith.constant 0 : index
    %get3A_1457 = arith.constant 0 : index
    %get3A_1458 = vector.load %arg12[%get3A_1455, %get3A_1456, %get3A_1457] : memref<64x208x128xf32, #tpu.memory_space<vmem>>, vector<1x208x128xf32>
    %get3A_1459 = vector.shape_cast %get3A_1458 : vector<1x208x128xf32> to vector<208x128xf32>
    %mul3A_1460 = vector.broadcast %squeeze3A_1452 : f32 to vector<208x128xf32>
    %mul3A_1461 = arith.mulf %get3A_1459, %mul3A_1460 : vector<208x128xf32>
    %add3A_1462 = arith.addf %add3A_1426, %mul3A_1461 : vector<208x128xf32>
    %get3A_1463 = arith.constant 39 : index
    %get3A_1464 = arith.constant 0 : index
    %get3A_1465 = vector.load %arg10[%get3A_1463, %get3A_1464] : memref<64x128xf32, #tpu.memory_space<vmem>>, vector<1x128xf32>
    %get3A_1466 = vector.shape_cast %get3A_1465 : vector<1x128xf32> to vector<128xf32>
    %broadcast_in_dim3A_1467 = vector.shape_cast %get3A_1466 : vector<128xf32> to vector<1x128xf32>
    %mul3A_1468 = vector.broadcast %squeeze3A_1452 : f32 to vector<1x128xf32>
    %mul3A_1469 = arith.mulf %broadcast_in_dim3A_1467, %mul3A_1468 : vector<1x128xf32>
    %add3A_1470 = arith.addf %add3A_1434, %mul3A_1469 : vector<1x128xf32>
    %get3A_1471 = arith.constant 39 : index
    %get3A_1472 = arith.constant 0 : index
    %get3A_1473 = vector.load %arg13[%get3A_1471, %get3A_1472] : memref<64x128xf32, #tpu.memory_space<vmem>>, vector<1x128xf32>
    %get3A_1474 = vector.shape_cast %get3A_1473 : vector<1x128xf32> to vector<128xf32>
    %broadcast_in_dim3A_1475 = vector.shape_cast %get3A_1474 : vector<128xf32> to vector<1x128xf32>
    %mul3A_1476 = vector.broadcast %squeeze3A_1454 : f32 to vector<1x128xf32>
    %mul3A_1477 = arith.mulf %broadcast_in_dim3A_1475, %mul3A_1476 : vector<1x128xf32>
    %add3A_1478 = arith.addf %add3A_1442, %mul3A_1477 : vector<1x128xf32>
    %get3A_1479 = arith.constant 39 : index
    %get3A_1480 = arith.constant 0 : index
    %get3A_1481 = vector.load %arg9[%get3A_1479, %get3A_1480] : memref<64x128xf32, #tpu.memory_space<vmem>>, vector<1x128xf32>
    %get3A_1482 = vector.shape_cast %get3A_1481 : vector<1x128xf32> to vector<128xf32>
    %broadcast_in_dim3A_1483 = vector.shape_cast %get3A_1482 : vector<128xf32> to vector<1x128xf32>
    %mul3A_1484 = vector.broadcast %squeeze3A_1454 : f32 to vector<1x128xf32>
    %mul3A_1485 = arith.mulf %broadcast_in_dim3A_1483, %mul3A_1484 : vector<1x128xf32>
    %add3A_1486 = arith.addf %add3A_1450, %mul3A_1485 : vector<1x128xf32>
    %slice3A_1487 = vector.extract_strided_slice %reduce_sum3A_34 {offsets = [104], sizes = [1], strides = [1]} : vector<128xf32> to vector<1xf32>
    %squeeze3A_1488 = vector.extract %slice3A_1487[0] : f32 from vector<1xf32>
    %slice3A_1489 = vector.extract_strided_slice %reduce_sum3A_34 {offsets = [40], sizes = [1], strides = [1]} : vector<128xf32> to vector<1xf32>
    %squeeze3A_1490 = vector.extract %slice3A_1489[0] : f32 from vector<1xf32>
    %get3A_1491 = arith.constant 40 : index
    %get3A_1492 = arith.constant 0 : index
    %get3A_1493 = arith.constant 0 : index
    %get3A_1494 = vector.load %arg12[%get3A_1491, %get3A_1492, %get3A_1493] : memref<64x208x128xf32, #tpu.memory_space<vmem>>, vector<1x208x128xf32>
    %get3A_1495 = vector.shape_cast %get3A_1494 : vector<1x208x128xf32> to vector<208x128xf32>
    %mul3A_1496 = vector.broadcast %squeeze3A_1488 : f32 to vector<208x128xf32>
    %mul3A_1497 = arith.mulf %get3A_1495, %mul3A_1496 : vector<208x128xf32>
    %add3A_1498 = arith.addf %add3A_1462, %mul3A_1497 : vector<208x128xf32>
    %get3A_1499 = arith.constant 40 : index
    %get3A_1500 = arith.constant 0 : index
    %get3A_1501 = vector.load %arg10[%get3A_1499, %get3A_1500] : memref<64x128xf32, #tpu.memory_space<vmem>>, vector<1x128xf32>
    %get3A_1502 = vector.shape_cast %get3A_1501 : vector<1x128xf32> to vector<128xf32>
    %broadcast_in_dim3A_1503 = vector.shape_cast %get3A_1502 : vector<128xf32> to vector<1x128xf32>
    %mul3A_1504 = vector.broadcast %squeeze3A_1488 : f32 to vector<1x128xf32>
    %mul3A_1505 = arith.mulf %broadcast_in_dim3A_1503, %mul3A_1504 : vector<1x128xf32>
    %add3A_1506 = arith.addf %add3A_1470, %mul3A_1505 : vector<1x128xf32>
    %get3A_1507 = arith.constant 40 : index
    %get3A_1508 = arith.constant 0 : index
    %get3A_1509 = vector.load %arg13[%get3A_1507, %get3A_1508] : memref<64x128xf32, #tpu.memory_space<vmem>>, vector<1x128xf32>
    %get3A_1510 = vector.shape_cast %get3A_1509 : vector<1x128xf32> to vector<128xf32>
    %broadcast_in_dim3A_1511 = vector.shape_cast %get3A_1510 : vector<128xf32> to vector<1x128xf32>
    %mul3A_1512 = vector.broadcast %squeeze3A_1490 : f32 to vector<1x128xf32>
    %mul3A_1513 = arith.mulf %broadcast_in_dim3A_1511, %mul3A_1512 : vector<1x128xf32>
    %add3A_1514 = arith.addf %add3A_1478, %mul3A_1513 : vector<1x128xf32>
    %get3A_1515 = arith.constant 40 : index
    %get3A_1516 = arith.constant 0 : index
    %get3A_1517 = vector.load %arg9[%get3A_1515, %get3A_1516] : memref<64x128xf32, #tpu.memory_space<vmem>>, vector<1x128xf32>
    %get3A_1518 = vector.shape_cast %get3A_1517 : vector<1x128xf32> to vector<128xf32>
    %broadcast_in_dim3A_1519 = vector.shape_cast %get3A_1518 : vector<128xf32> to vector<1x128xf32>
    %mul3A_1520 = vector.broadcast %squeeze3A_1490 : f32 to vector<1x128xf32>
    %mul3A_1521 = arith.mulf %broadcast_in_dim3A_1519, %mul3A_1520 : vector<1x128xf32>
    %add3A_1522 = arith.addf %add3A_1486, %mul3A_1521 : vector<1x128xf32>
    %slice3A_1523 = vector.extract_strided_slice %reduce_sum3A_34 {offsets = [105], sizes = [1], strides = [1]} : vector<128xf32> to vector<1xf32>
    %squeeze3A_1524 = vector.extract %slice3A_1523[0] : f32 from vector<1xf32>
    %slice3A_1525 = vector.extract_strided_slice %reduce_sum3A_34 {offsets = [41], sizes = [1], strides = [1]} : vector<128xf32> to vector<1xf32>
    %squeeze3A_1526 = vector.extract %slice3A_1525[0] : f32 from vector<1xf32>
    %get3A_1527 = arith.constant 41 : index
    %get3A_1528 = arith.constant 0 : index
    %get3A_1529 = arith.constant 0 : index
    %get3A_1530 = vector.load %arg12[%get3A_1527, %get3A_1528, %get3A_1529] : memref<64x208x128xf32, #tpu.memory_space<vmem>>, vector<1x208x128xf32>
    %get3A_1531 = vector.shape_cast %get3A_1530 : vector<1x208x128xf32> to vector<208x128xf32>
    %mul3A_1532 = vector.broadcast %squeeze3A_1524 : f32 to vector<208x128xf32>
    %mul3A_1533 = arith.mulf %get3A_1531, %mul3A_1532 : vector<208x128xf32>
    %add3A_1534 = arith.addf %add3A_1498, %mul3A_1533 : vector<208x128xf32>
    %get3A_1535 = arith.constant 41 : index
    %get3A_1536 = arith.constant 0 : index
    %get3A_1537 = vector.load %arg10[%get3A_1535, %get3A_1536] : memref<64x128xf32, #tpu.memory_space<vmem>>, vector<1x128xf32>
    %get3A_1538 = vector.shape_cast %get3A_1537 : vector<1x128xf32> to vector<128xf32>
    %broadcast_in_dim3A_1539 = vector.shape_cast %get3A_1538 : vector<128xf32> to vector<1x128xf32>
    %mul3A_1540 = vector.broadcast %squeeze3A_1524 : f32 to vector<1x128xf32>
    %mul3A_1541 = arith.mulf %broadcast_in_dim3A_1539, %mul3A_1540 : vector<1x128xf32>
    %add3A_1542 = arith.addf %add3A_1506, %mul3A_1541 : vector<1x128xf32>
    %get3A_1543 = arith.constant 41 : index
    %get3A_1544 = arith.constant 0 : index
    %get3A_1545 = vector.load %arg13[%get3A_1543, %get3A_1544] : memref<64x128xf32, #tpu.memory_space<vmem>>, vector<1x128xf32>
    %get3A_1546 = vector.shape_cast %get3A_1545 : vector<1x128xf32> to vector<128xf32>
    %broadcast_in_dim3A_1547 = vector.shape_cast %get3A_1546 : vector<128xf32> to vector<1x128xf32>
    %mul3A_1548 = vector.broadcast %squeeze3A_1526 : f32 to vector<1x128xf32>
    %mul3A_1549 = arith.mulf %broadcast_in_dim3A_1547, %mul3A_1548 : vector<1x128xf32>
    %add3A_1550 = arith.addf %add3A_1514, %mul3A_1549 : vector<1x128xf32>
    %get3A_1551 = arith.constant 41 : index
    %get3A_1552 = arith.constant 0 : index
    %get3A_1553 = vector.load %arg9[%get3A_1551, %get3A_1552] : memref<64x128xf32, #tpu.memory_space<vmem>>, vector<1x128xf32>
    %get3A_1554 = vector.shape_cast %get3A_1553 : vector<1x128xf32> to vector<128xf32>
    %broadcast_in_dim3A_1555 = vector.shape_cast %get3A_1554 : vector<128xf32> to vector<1x128xf32>
    %mul3A_1556 = vector.broadcast %squeeze3A_1526 : f32 to vector<1x128xf32>
    %mul3A_1557 = arith.mulf %broadcast_in_dim3A_1555, %mul3A_1556 : vector<1x128xf32>
    %add3A_1558 = arith.addf %add3A_1522, %mul3A_1557 : vector<1x128xf32>
    %slice3A_1559 = vector.extract_strided_slice %reduce_sum3A_34 {offsets = [106], sizes = [1], strides = [1]} : vector<128xf32> to vector<1xf32>
    %squeeze3A_1560 = vector.extract %slice3A_1559[0] : f32 from vector<1xf32>
    %slice3A_1561 = vector.extract_strided_slice %reduce_sum3A_34 {offsets = [42], sizes = [1], strides = [1]} : vector<128xf32> to vector<1xf32>
    %squeeze3A_1562 = vector.extract %slice3A_1561[0] : f32 from vector<1xf32>
    %get3A_1563 = arith.constant 42 : index
    %get3A_1564 = arith.constant 0 : index
    %get3A_1565 = arith.constant 0 : index
    %get3A_1566 = vector.load %arg12[%get3A_1563, %get3A_1564, %get3A_1565] : memref<64x208x128xf32, #tpu.memory_space<vmem>>, vector<1x208x128xf32>
    %get3A_1567 = vector.shape_cast %get3A_1566 : vector<1x208x128xf32> to vector<208x128xf32>
    %mul3A_1568 = vector.broadcast %squeeze3A_1560 : f32 to vector<208x128xf32>
    %mul3A_1569 = arith.mulf %get3A_1567, %mul3A_1568 : vector<208x128xf32>
    %add3A_1570 = arith.addf %add3A_1534, %mul3A_1569 : vector<208x128xf32>
    %get3A_1571 = arith.constant 42 : index
    %get3A_1572 = arith.constant 0 : index
    %get3A_1573 = vector.load %arg10[%get3A_1571, %get3A_1572] : memref<64x128xf32, #tpu.memory_space<vmem>>, vector<1x128xf32>
    %get3A_1574 = vector.shape_cast %get3A_1573 : vector<1x128xf32> to vector<128xf32>
    %broadcast_in_dim3A_1575 = vector.shape_cast %get3A_1574 : vector<128xf32> to vector<1x128xf32>
    %mul3A_1576 = vector.broadcast %squeeze3A_1560 : f32 to vector<1x128xf32>
    %mul3A_1577 = arith.mulf %broadcast_in_dim3A_1575, %mul3A_1576 : vector<1x128xf32>
    %add3A_1578 = arith.addf %add3A_1542, %mul3A_1577 : vector<1x128xf32>
    %get3A_1579 = arith.constant 42 : index
    %get3A_1580 = arith.constant 0 : index
    %get3A_1581 = vector.load %arg13[%get3A_1579, %get3A_1580] : memref<64x128xf32, #tpu.memory_space<vmem>>, vector<1x128xf32>
    %get3A_1582 = vector.shape_cast %get3A_1581 : vector<1x128xf32> to vector<128xf32>
    %broadcast_in_dim3A_1583 = vector.shape_cast %get3A_1582 : vector<128xf32> to vector<1x128xf32>
    %mul3A_1584 = vector.broadcast %squeeze3A_1562 : f32 to vector<1x128xf32>
    %mul3A_1585 = arith.mulf %broadcast_in_dim3A_1583, %mul3A_1584 : vector<1x128xf32>
    %add3A_1586 = arith.addf %add3A_1550, %mul3A_1585 : vector<1x128xf32>
    %get3A_1587 = arith.constant 42 : index
    %get3A_1588 = arith.constant 0 : index
    %get3A_1589 = vector.load %arg9[%get3A_1587, %get3A_1588] : memref<64x128xf32, #tpu.memory_space<vmem>>, vector<1x128xf32>
    %get3A_1590 = vector.shape_cast %get3A_1589 : vector<1x128xf32> to vector<128xf32>
    %broadcast_in_dim3A_1591 = vector.shape_cast %get3A_1590 : vector<128xf32> to vector<1x128xf32>
    %mul3A_1592 = vector.broadcast %squeeze3A_1562 : f32 to vector<1x128xf32>
    %mul3A_1593 = arith.mulf %broadcast_in_dim3A_1591, %mul3A_1592 : vector<1x128xf32>
    %add3A_1594 = arith.addf %add3A_1558, %mul3A_1593 : vector<1x128xf32>
    %slice3A_1595 = vector.extract_strided_slice %reduce_sum3A_34 {offsets = [107], sizes = [1], strides = [1]} : vector<128xf32> to vector<1xf32>
    %squeeze3A_1596 = vector.extract %slice3A_1595[0] : f32 from vector<1xf32>
    %slice3A_1597 = vector.extract_strided_slice %reduce_sum3A_34 {offsets = [43], sizes = [1], strides = [1]} : vector<128xf32> to vector<1xf32>
    %squeeze3A_1598 = vector.extract %slice3A_1597[0] : f32 from vector<1xf32>
    %get3A_1599 = arith.constant 43 : index
    %get3A_1600 = arith.constant 0 : index
    %get3A_1601 = arith.constant 0 : index
    %get3A_1602 = vector.load %arg12[%get3A_1599, %get3A_1600, %get3A_1601] : memref<64x208x128xf32, #tpu.memory_space<vmem>>, vector<1x208x128xf32>
    %get3A_1603 = vector.shape_cast %get3A_1602 : vector<1x208x128xf32> to vector<208x128xf32>
    %mul3A_1604 = vector.broadcast %squeeze3A_1596 : f32 to vector<208x128xf32>
    %mul3A_1605 = arith.mulf %get3A_1603, %mul3A_1604 : vector<208x128xf32>
    %add3A_1606 = arith.addf %add3A_1570, %mul3A_1605 : vector<208x128xf32>
    %get3A_1607 = arith.constant 43 : index
    %get3A_1608 = arith.constant 0 : index
    %get3A_1609 = vector.load %arg10[%get3A_1607, %get3A_1608] : memref<64x128xf32, #tpu.memory_space<vmem>>, vector<1x128xf32>
    %get3A_1610 = vector.shape_cast %get3A_1609 : vector<1x128xf32> to vector<128xf32>
    %broadcast_in_dim3A_1611 = vector.shape_cast %get3A_1610 : vector<128xf32> to vector<1x128xf32>
    %mul3A_1612 = vector.broadcast %squeeze3A_1596 : f32 to vector<1x128xf32>
    %mul3A_1613 = arith.mulf %broadcast_in_dim3A_1611, %mul3A_1612 : vector<1x128xf32>
    %add3A_1614 = arith.addf %add3A_1578, %mul3A_1613 : vector<1x128xf32>
    %get3A_1615 = arith.constant 43 : index
    %get3A_1616 = arith.constant 0 : index
    %get3A_1617 = vector.load %arg13[%get3A_1615, %get3A_1616] : memref<64x128xf32, #tpu.memory_space<vmem>>, vector<1x128xf32>
    %get3A_1618 = vector.shape_cast %get3A_1617 : vector<1x128xf32> to vector<128xf32>
    %broadcast_in_dim3A_1619 = vector.shape_cast %get3A_1618 : vector<128xf32> to vector<1x128xf32>
    %mul3A_1620 = vector.broadcast %squeeze3A_1598 : f32 to vector<1x128xf32>
    %mul3A_1621 = arith.mulf %broadcast_in_dim3A_1619, %mul3A_1620 : vector<1x128xf32>
    %add3A_1622 = arith.addf %add3A_1586, %mul3A_1621 : vector<1x128xf32>
    %get3A_1623 = arith.constant 43 : index
    %get3A_1624 = arith.constant 0 : index
    %get3A_1625 = vector.load %arg9[%get3A_1623, %get3A_1624] : memref<64x128xf32, #tpu.memory_space<vmem>>, vector<1x128xf32>
    %get3A_1626 = vector.shape_cast %get3A_1625 : vector<1x128xf32> to vector<128xf32>
    %broadcast_in_dim3A_1627 = vector.shape_cast %get3A_1626 : vector<128xf32> to vector<1x128xf32>
    %mul3A_1628 = vector.broadcast %squeeze3A_1598 : f32 to vector<1x128xf32>
    %mul3A_1629 = arith.mulf %broadcast_in_dim3A_1627, %mul3A_1628 : vector<1x128xf32>
    %add3A_1630 = arith.addf %add3A_1594, %mul3A_1629 : vector<1x128xf32>
    %slice3A_1631 = vector.extract_strided_slice %reduce_sum3A_34 {offsets = [108], sizes = [1], strides = [1]} : vector<128xf32> to vector<1xf32>
    %squeeze3A_1632 = vector.extract %slice3A_1631[0] : f32 from vector<1xf32>
    %slice3A_1633 = vector.extract_strided_slice %reduce_sum3A_34 {offsets = [44], sizes = [1], strides = [1]} : vector<128xf32> to vector<1xf32>
    %squeeze3A_1634 = vector.extract %slice3A_1633[0] : f32 from vector<1xf32>
    %get3A_1635 = arith.constant 44 : index
    %get3A_1636 = arith.constant 0 : index
    %get3A_1637 = arith.constant 0 : index
    %get3A_1638 = vector.load %arg12[%get3A_1635, %get3A_1636, %get3A_1637] : memref<64x208x128xf32, #tpu.memory_space<vmem>>, vector<1x208x128xf32>
    %get3A_1639 = vector.shape_cast %get3A_1638 : vector<1x208x128xf32> to vector<208x128xf32>
    %mul3A_1640 = vector.broadcast %squeeze3A_1632 : f32 to vector<208x128xf32>
    %mul3A_1641 = arith.mulf %get3A_1639, %mul3A_1640 : vector<208x128xf32>
    %add3A_1642 = arith.addf %add3A_1606, %mul3A_1641 : vector<208x128xf32>
    %get3A_1643 = arith.constant 44 : index
    %get3A_1644 = arith.constant 0 : index
    %get3A_1645 = vector.load %arg10[%get3A_1643, %get3A_1644] : memref<64x128xf32, #tpu.memory_space<vmem>>, vector<1x128xf32>
    %get3A_1646 = vector.shape_cast %get3A_1645 : vector<1x128xf32> to vector<128xf32>
    %broadcast_in_dim3A_1647 = vector.shape_cast %get3A_1646 : vector<128xf32> to vector<1x128xf32>
    %mul3A_1648 = vector.broadcast %squeeze3A_1632 : f32 to vector<1x128xf32>
    %mul3A_1649 = arith.mulf %broadcast_in_dim3A_1647, %mul3A_1648 : vector<1x128xf32>
    %add3A_1650 = arith.addf %add3A_1614, %mul3A_1649 : vector<1x128xf32>
    %get3A_1651 = arith.constant 44 : index
    %get3A_1652 = arith.constant 0 : index
    %get3A_1653 = vector.load %arg13[%get3A_1651, %get3A_1652] : memref<64x128xf32, #tpu.memory_space<vmem>>, vector<1x128xf32>
    %get3A_1654 = vector.shape_cast %get3A_1653 : vector<1x128xf32> to vector<128xf32>
    %broadcast_in_dim3A_1655 = vector.shape_cast %get3A_1654 : vector<128xf32> to vector<1x128xf32>
    %mul3A_1656 = vector.broadcast %squeeze3A_1634 : f32 to vector<1x128xf32>
    %mul3A_1657 = arith.mulf %broadcast_in_dim3A_1655, %mul3A_1656 : vector<1x128xf32>
    %add3A_1658 = arith.addf %add3A_1622, %mul3A_1657 : vector<1x128xf32>
    %get3A_1659 = arith.constant 44 : index
    %get3A_1660 = arith.constant 0 : index
    %get3A_1661 = vector.load %arg9[%get3A_1659, %get3A_1660] : memref<64x128xf32, #tpu.memory_space<vmem>>, vector<1x128xf32>
    %get3A_1662 = vector.shape_cast %get3A_1661 : vector<1x128xf32> to vector<128xf32>
    %broadcast_in_dim3A_1663 = vector.shape_cast %get3A_1662 : vector<128xf32> to vector<1x128xf32>
    %mul3A_1664 = vector.broadcast %squeeze3A_1634 : f32 to vector<1x128xf32>
    %mul3A_1665 = arith.mulf %broadcast_in_dim3A_1663, %mul3A_1664 : vector<1x128xf32>
    %add3A_1666 = arith.addf %add3A_1630, %mul3A_1665 : vector<1x128xf32>
    %slice3A_1667 = vector.extract_strided_slice %reduce_sum3A_34 {offsets = [109], sizes = [1], strides = [1]} : vector<128xf32> to vector<1xf32>
    %squeeze3A_1668 = vector.extract %slice3A_1667[0] : f32 from vector<1xf32>
    %slice3A_1669 = vector.extract_strided_slice %reduce_sum3A_34 {offsets = [45], sizes = [1], strides = [1]} : vector<128xf32> to vector<1xf32>
    %squeeze3A_1670 = vector.extract %slice3A_1669[0] : f32 from vector<1xf32>
    %get3A_1671 = arith.constant 45 : index
    %get3A_1672 = arith.constant 0 : index
    %get3A_1673 = arith.constant 0 : index
    %get3A_1674 = vector.load %arg12[%get3A_1671, %get3A_1672, %get3A_1673] : memref<64x208x128xf32, #tpu.memory_space<vmem>>, vector<1x208x128xf32>
    %get3A_1675 = vector.shape_cast %get3A_1674 : vector<1x208x128xf32> to vector<208x128xf32>
    %mul3A_1676 = vector.broadcast %squeeze3A_1668 : f32 to vector<208x128xf32>
    %mul3A_1677 = arith.mulf %get3A_1675, %mul3A_1676 : vector<208x128xf32>
    %add3A_1678 = arith.addf %add3A_1642, %mul3A_1677 : vector<208x128xf32>
    %get3A_1679 = arith.constant 45 : index
    %get3A_1680 = arith.constant 0 : index
    %get3A_1681 = vector.load %arg10[%get3A_1679, %get3A_1680] : memref<64x128xf32, #tpu.memory_space<vmem>>, vector<1x128xf32>
    %get3A_1682 = vector.shape_cast %get3A_1681 : vector<1x128xf32> to vector<128xf32>
    %broadcast_in_dim3A_1683 = vector.shape_cast %get3A_1682 : vector<128xf32> to vector<1x128xf32>
    %mul3A_1684 = vector.broadcast %squeeze3A_1668 : f32 to vector<1x128xf32>
    %mul3A_1685 = arith.mulf %broadcast_in_dim3A_1683, %mul3A_1684 : vector<1x128xf32>
    %add3A_1686 = arith.addf %add3A_1650, %mul3A_1685 : vector<1x128xf32>
    %get3A_1687 = arith.constant 45 : index
    %get3A_1688 = arith.constant 0 : index
    %get3A_1689 = vector.load %arg13[%get3A_1687, %get3A_1688] : memref<64x128xf32, #tpu.memory_space<vmem>>, vector<1x128xf32>
    %get3A_1690 = vector.shape_cast %get3A_1689 : vector<1x128xf32> to vector<128xf32>
    %broadcast_in_dim3A_1691 = vector.shape_cast %get3A_1690 : vector<128xf32> to vector<1x128xf32>
    %mul3A_1692 = vector.broadcast %squeeze3A_1670 : f32 to vector<1x128xf32>
    %mul3A_1693 = arith.mulf %broadcast_in_dim3A_1691, %mul3A_1692 : vector<1x128xf32>
    %add3A_1694 = arith.addf %add3A_1658, %mul3A_1693 : vector<1x128xf32>
    %get3A_1695 = arith.constant 45 : index
    %get3A_1696 = arith.constant 0 : index
    %get3A_1697 = vector.load %arg9[%get3A_1695, %get3A_1696] : memref<64x128xf32, #tpu.memory_space<vmem>>, vector<1x128xf32>
    %get3A_1698 = vector.shape_cast %get3A_1697 : vector<1x128xf32> to vector<128xf32>
    %broadcast_in_dim3A_1699 = vector.shape_cast %get3A_1698 : vector<128xf32> to vector<1x128xf32>
    %mul3A_1700 = vector.broadcast %squeeze3A_1670 : f32 to vector<1x128xf32>
    %mul3A_1701 = arith.mulf %broadcast_in_dim3A_1699, %mul3A_1700 : vector<1x128xf32>
    %add3A_1702 = arith.addf %add3A_1666, %mul3A_1701 : vector<1x128xf32>
    %slice3A_1703 = vector.extract_strided_slice %reduce_sum3A_34 {offsets = [110], sizes = [1], strides = [1]} : vector<128xf32> to vector<1xf32>
    %squeeze3A_1704 = vector.extract %slice3A_1703[0] : f32 from vector<1xf32>
    %slice3A_1705 = vector.extract_strided_slice %reduce_sum3A_34 {offsets = [46], sizes = [1], strides = [1]} : vector<128xf32> to vector<1xf32>
    %squeeze3A_1706 = vector.extract %slice3A_1705[0] : f32 from vector<1xf32>
    %get3A_1707 = arith.constant 46 : index
    %get3A_1708 = arith.constant 0 : index
    %get3A_1709 = arith.constant 0 : index
    %get3A_1710 = vector.load %arg12[%get3A_1707, %get3A_1708, %get3A_1709] : memref<64x208x128xf32, #tpu.memory_space<vmem>>, vector<1x208x128xf32>
    %get3A_1711 = vector.shape_cast %get3A_1710 : vector<1x208x128xf32> to vector<208x128xf32>
    %mul3A_1712 = vector.broadcast %squeeze3A_1704 : f32 to vector<208x128xf32>
    %mul3A_1713 = arith.mulf %get3A_1711, %mul3A_1712 : vector<208x128xf32>
    %add3A_1714 = arith.addf %add3A_1678, %mul3A_1713 : vector<208x128xf32>
    %get3A_1715 = arith.constant 46 : index
    %get3A_1716 = arith.constant 0 : index
    %get3A_1717 = vector.load %arg10[%get3A_1715, %get3A_1716] : memref<64x128xf32, #tpu.memory_space<vmem>>, vector<1x128xf32>
    %get3A_1718 = vector.shape_cast %get3A_1717 : vector<1x128xf32> to vector<128xf32>
    %broadcast_in_dim3A_1719 = vector.shape_cast %get3A_1718 : vector<128xf32> to vector<1x128xf32>
    %mul3A_1720 = vector.broadcast %squeeze3A_1704 : f32 to vector<1x128xf32>
    %mul3A_1721 = arith.mulf %broadcast_in_dim3A_1719, %mul3A_1720 : vector<1x128xf32>
    %add3A_1722 = arith.addf %add3A_1686, %mul3A_1721 : vector<1x128xf32>
    %get3A_1723 = arith.constant 46 : index
    %get3A_1724 = arith.constant 0 : index
    %get3A_1725 = vector.load %arg13[%get3A_1723, %get3A_1724] : memref<64x128xf32, #tpu.memory_space<vmem>>, vector<1x128xf32>
    %get3A_1726 = vector.shape_cast %get3A_1725 : vector<1x128xf32> to vector<128xf32>
    %broadcast_in_dim3A_1727 = vector.shape_cast %get3A_1726 : vector<128xf32> to vector<1x128xf32>
    %mul3A_1728 = vector.broadcast %squeeze3A_1706 : f32 to vector<1x128xf32>
    %mul3A_1729 = arith.mulf %broadcast_in_dim3A_1727, %mul3A_1728 : vector<1x128xf32>
    %add3A_1730 = arith.addf %add3A_1694, %mul3A_1729 : vector<1x128xf32>
    %get3A_1731 = arith.constant 46 : index
    %get3A_1732 = arith.constant 0 : index
    %get3A_1733 = vector.load %arg9[%get3A_1731, %get3A_1732] : memref<64x128xf32, #tpu.memory_space<vmem>>, vector<1x128xf32>
    %get3A_1734 = vector.shape_cast %get3A_1733 : vector<1x128xf32> to vector<128xf32>
    %broadcast_in_dim3A_1735 = vector.shape_cast %get3A_1734 : vector<128xf32> to vector<1x128xf32>
    %mul3A_1736 = vector.broadcast %squeeze3A_1706 : f32 to vector<1x128xf32>
    %mul3A_1737 = arith.mulf %broadcast_in_dim3A_1735, %mul3A_1736 : vector<1x128xf32>
    %add3A_1738 = arith.addf %add3A_1702, %mul3A_1737 : vector<1x128xf32>
    %slice3A_1739 = vector.extract_strided_slice %reduce_sum3A_34 {offsets = [111], sizes = [1], strides = [1]} : vector<128xf32> to vector<1xf32>
    %squeeze3A_1740 = vector.extract %slice3A_1739[0] : f32 from vector<1xf32>
    %slice3A_1741 = vector.extract_strided_slice %reduce_sum3A_34 {offsets = [47], sizes = [1], strides = [1]} : vector<128xf32> to vector<1xf32>
    %squeeze3A_1742 = vector.extract %slice3A_1741[0] : f32 from vector<1xf32>
    %get3A_1743 = arith.constant 47 : index
    %get3A_1744 = arith.constant 0 : index
    %get3A_1745 = arith.constant 0 : index
    %get3A_1746 = vector.load %arg12[%get3A_1743, %get3A_1744, %get3A_1745] : memref<64x208x128xf32, #tpu.memory_space<vmem>>, vector<1x208x128xf32>
    %get3A_1747 = vector.shape_cast %get3A_1746 : vector<1x208x128xf32> to vector<208x128xf32>
    %mul3A_1748 = vector.broadcast %squeeze3A_1740 : f32 to vector<208x128xf32>
    %mul3A_1749 = arith.mulf %get3A_1747, %mul3A_1748 : vector<208x128xf32>
    %add3A_1750 = arith.addf %add3A_1714, %mul3A_1749 : vector<208x128xf32>
    %get3A_1751 = arith.constant 47 : index
    %get3A_1752 = arith.constant 0 : index
    %get3A_1753 = vector.load %arg10[%get3A_1751, %get3A_1752] : memref<64x128xf32, #tpu.memory_space<vmem>>, vector<1x128xf32>
    %get3A_1754 = vector.shape_cast %get3A_1753 : vector<1x128xf32> to vector<128xf32>
    %broadcast_in_dim3A_1755 = vector.shape_cast %get3A_1754 : vector<128xf32> to vector<1x128xf32>
    %mul3A_1756 = vector.broadcast %squeeze3A_1740 : f32 to vector<1x128xf32>
    %mul3A_1757 = arith.mulf %broadcast_in_dim3A_1755, %mul3A_1756 : vector<1x128xf32>
    %add3A_1758 = arith.addf %add3A_1722, %mul3A_1757 : vector<1x128xf32>
    %get3A_1759 = arith.constant 47 : index
    %get3A_1760 = arith.constant 0 : index
    %get3A_1761 = vector.load %arg13[%get3A_1759, %get3A_1760] : memref<64x128xf32, #tpu.memory_space<vmem>>, vector<1x128xf32>
    %get3A_1762 = vector.shape_cast %get3A_1761 : vector<1x128xf32> to vector<128xf32>
    %broadcast_in_dim3A_1763 = vector.shape_cast %get3A_1762 : vector<128xf32> to vector<1x128xf32>
    %mul3A_1764 = vector.broadcast %squeeze3A_1742 : f32 to vector<1x128xf32>
    %mul3A_1765 = arith.mulf %broadcast_in_dim3A_1763, %mul3A_1764 : vector<1x128xf32>
    %add3A_1766 = arith.addf %add3A_1730, %mul3A_1765 : vector<1x128xf32>
    %get3A_1767 = arith.constant 47 : index
    %get3A_1768 = arith.constant 0 : index
    %get3A_1769 = vector.load %arg9[%get3A_1767, %get3A_1768] : memref<64x128xf32, #tpu.memory_space<vmem>>, vector<1x128xf32>
    %get3A_1770 = vector.shape_cast %get3A_1769 : vector<1x128xf32> to vector<128xf32>
    %broadcast_in_dim3A_1771 = vector.shape_cast %get3A_1770 : vector<128xf32> to vector<1x128xf32>
    %mul3A_1772 = vector.broadcast %squeeze3A_1742 : f32 to vector<1x128xf32>
    %mul3A_1773 = arith.mulf %broadcast_in_dim3A_1771, %mul3A_1772 : vector<1x128xf32>
    %add3A_1774 = arith.addf %add3A_1738, %mul3A_1773 : vector<1x128xf32>
    %slice3A_1775 = vector.extract_strided_slice %reduce_sum3A_34 {offsets = [112], sizes = [1], strides = [1]} : vector<128xf32> to vector<1xf32>
    %squeeze3A_1776 = vector.extract %slice3A_1775[0] : f32 from vector<1xf32>
    %slice3A_1777 = vector.extract_strided_slice %reduce_sum3A_34 {offsets = [48], sizes = [1], strides = [1]} : vector<128xf32> to vector<1xf32>
    %squeeze3A_1778 = vector.extract %slice3A_1777[0] : f32 from vector<1xf32>
    %get3A_1779 = arith.constant 48 : index
    %get3A_1780 = arith.constant 0 : index
    %get3A_1781 = arith.constant 0 : index
    %get3A_1782 = vector.load %arg12[%get3A_1779, %get3A_1780, %get3A_1781] : memref<64x208x128xf32, #tpu.memory_space<vmem>>, vector<1x208x128xf32>
    %get3A_1783 = vector.shape_cast %get3A_1782 : vector<1x208x128xf32> to vector<208x128xf32>
    %mul3A_1784 = vector.broadcast %squeeze3A_1776 : f32 to vector<208x128xf32>
    %mul3A_1785 = arith.mulf %get3A_1783, %mul3A_1784 : vector<208x128xf32>
    %add3A_1786 = arith.addf %add3A_1750, %mul3A_1785 : vector<208x128xf32>
    %get3A_1787 = arith.constant 48 : index
    %get3A_1788 = arith.constant 0 : index
    %get3A_1789 = vector.load %arg10[%get3A_1787, %get3A_1788] : memref<64x128xf32, #tpu.memory_space<vmem>>, vector<1x128xf32>
    %get3A_1790 = vector.shape_cast %get3A_1789 : vector<1x128xf32> to vector<128xf32>
    %broadcast_in_dim3A_1791 = vector.shape_cast %get3A_1790 : vector<128xf32> to vector<1x128xf32>
    %mul3A_1792 = vector.broadcast %squeeze3A_1776 : f32 to vector<1x128xf32>
    %mul3A_1793 = arith.mulf %broadcast_in_dim3A_1791, %mul3A_1792 : vector<1x128xf32>
    %add3A_1794 = arith.addf %add3A_1758, %mul3A_1793 : vector<1x128xf32>
    %get3A_1795 = arith.constant 48 : index
    %get3A_1796 = arith.constant 0 : index
    %get3A_1797 = vector.load %arg13[%get3A_1795, %get3A_1796] : memref<64x128xf32, #tpu.memory_space<vmem>>, vector<1x128xf32>
    %get3A_1798 = vector.shape_cast %get3A_1797 : vector<1x128xf32> to vector<128xf32>
    %broadcast_in_dim3A_1799 = vector.shape_cast %get3A_1798 : vector<128xf32> to vector<1x128xf32>
    %mul3A_1800 = vector.broadcast %squeeze3A_1778 : f32 to vector<1x128xf32>
    %mul3A_1801 = arith.mulf %broadcast_in_dim3A_1799, %mul3A_1800 : vector<1x128xf32>
    %add3A_1802 = arith.addf %add3A_1766, %mul3A_1801 : vector<1x128xf32>
    %get3A_1803 = arith.constant 48 : index
    %get3A_1804 = arith.constant 0 : index
    %get3A_1805 = vector.load %arg9[%get3A_1803, %get3A_1804] : memref<64x128xf32, #tpu.memory_space<vmem>>, vector<1x128xf32>
    %get3A_1806 = vector.shape_cast %get3A_1805 : vector<1x128xf32> to vector<128xf32>
    %broadcast_in_dim3A_1807 = vector.shape_cast %get3A_1806 : vector<128xf32> to vector<1x128xf32>
    %mul3A_1808 = vector.broadcast %squeeze3A_1778 : f32 to vector<1x128xf32>
    %mul3A_1809 = arith.mulf %broadcast_in_dim3A_1807, %mul3A_1808 : vector<1x128xf32>
    %add3A_1810 = arith.addf %add3A_1774, %mul3A_1809 : vector<1x128xf32>
    %slice3A_1811 = vector.extract_strided_slice %reduce_sum3A_34 {offsets = [113], sizes = [1], strides = [1]} : vector<128xf32> to vector<1xf32>
    %squeeze3A_1812 = vector.extract %slice3A_1811[0] : f32 from vector<1xf32>
    %slice3A_1813 = vector.extract_strided_slice %reduce_sum3A_34 {offsets = [49], sizes = [1], strides = [1]} : vector<128xf32> to vector<1xf32>
    %squeeze3A_1814 = vector.extract %slice3A_1813[0] : f32 from vector<1xf32>
    %get3A_1815 = arith.constant 49 : index
    %get3A_1816 = arith.constant 0 : index
    %get3A_1817 = arith.constant 0 : index
    %get3A_1818 = vector.load %arg12[%get3A_1815, %get3A_1816, %get3A_1817] : memref<64x208x128xf32, #tpu.memory_space<vmem>>, vector<1x208x128xf32>
    %get3A_1819 = vector.shape_cast %get3A_1818 : vector<1x208x128xf32> to vector<208x128xf32>
    %mul3A_1820 = vector.broadcast %squeeze3A_1812 : f32 to vector<208x128xf32>
    %mul3A_1821 = arith.mulf %get3A_1819, %mul3A_1820 : vector<208x128xf32>
    %add3A_1822 = arith.addf %add3A_1786, %mul3A_1821 : vector<208x128xf32>
    %get3A_1823 = arith.constant 49 : index
    %get3A_1824 = arith.constant 0 : index
    %get3A_1825 = vector.load %arg10[%get3A_1823, %get3A_1824] : memref<64x128xf32, #tpu.memory_space<vmem>>, vector<1x128xf32>
    %get3A_1826 = vector.shape_cast %get3A_1825 : vector<1x128xf32> to vector<128xf32>
    %broadcast_in_dim3A_1827 = vector.shape_cast %get3A_1826 : vector<128xf32> to vector<1x128xf32>
    %mul3A_1828 = vector.broadcast %squeeze3A_1812 : f32 to vector<1x128xf32>
    %mul3A_1829 = arith.mulf %broadcast_in_dim3A_1827, %mul3A_1828 : vector<1x128xf32>
    %add3A_1830 = arith.addf %add3A_1794, %mul3A_1829 : vector<1x128xf32>
    %get3A_1831 = arith.constant 49 : index
    %get3A_1832 = arith.constant 0 : index
    %get3A_1833 = vector.load %arg13[%get3A_1831, %get3A_1832] : memref<64x128xf32, #tpu.memory_space<vmem>>, vector<1x128xf32>
    %get3A_1834 = vector.shape_cast %get3A_1833 : vector<1x128xf32> to vector<128xf32>
    %broadcast_in_dim3A_1835 = vector.shape_cast %get3A_1834 : vector<128xf32> to vector<1x128xf32>
    %mul3A_1836 = vector.broadcast %squeeze3A_1814 : f32 to vector<1x128xf32>
    %mul3A_1837 = arith.mulf %broadcast_in_dim3A_1835, %mul3A_1836 : vector<1x128xf32>
    %add3A_1838 = arith.addf %add3A_1802, %mul3A_1837 : vector<1x128xf32>
    %get3A_1839 = arith.constant 49 : index
    %get3A_1840 = arith.constant 0 : index
    %get3A_1841 = vector.load %arg9[%get3A_1839, %get3A_1840] : memref<64x128xf32, #tpu.memory_space<vmem>>, vector<1x128xf32>
    %get3A_1842 = vector.shape_cast %get3A_1841 : vector<1x128xf32> to vector<128xf32>
    %broadcast_in_dim3A_1843 = vector.shape_cast %get3A_1842 : vector<128xf32> to vector<1x128xf32>
    %mul3A_1844 = vector.broadcast %squeeze3A_1814 : f32 to vector<1x128xf32>
    %mul3A_1845 = arith.mulf %broadcast_in_dim3A_1843, %mul3A_1844 : vector<1x128xf32>
    %add3A_1846 = arith.addf %add3A_1810, %mul3A_1845 : vector<1x128xf32>
    %slice3A_1847 = vector.extract_strided_slice %reduce_sum3A_34 {offsets = [114], sizes = [1], strides = [1]} : vector<128xf32> to vector<1xf32>
    %squeeze3A_1848 = vector.extract %slice3A_1847[0] : f32 from vector<1xf32>
    %slice3A_1849 = vector.extract_strided_slice %reduce_sum3A_34 {offsets = [50], sizes = [1], strides = [1]} : vector<128xf32> to vector<1xf32>
    %squeeze3A_1850 = vector.extract %slice3A_1849[0] : f32 from vector<1xf32>
    %get3A_1851 = arith.constant 50 : index
    %get3A_1852 = arith.constant 0 : index
    %get3A_1853 = arith.constant 0 : index
    %get3A_1854 = vector.load %arg12[%get3A_1851, %get3A_1852, %get3A_1853] : memref<64x208x128xf32, #tpu.memory_space<vmem>>, vector<1x208x128xf32>
    %get3A_1855 = vector.shape_cast %get3A_1854 : vector<1x208x128xf32> to vector<208x128xf32>
    %mul3A_1856 = vector.broadcast %squeeze3A_1848 : f32 to vector<208x128xf32>
    %mul3A_1857 = arith.mulf %get3A_1855, %mul3A_1856 : vector<208x128xf32>
    %add3A_1858 = arith.addf %add3A_1822, %mul3A_1857 : vector<208x128xf32>
    %get3A_1859 = arith.constant 50 : index
    %get3A_1860 = arith.constant 0 : index
    %get3A_1861 = vector.load %arg10[%get3A_1859, %get3A_1860] : memref<64x128xf32, #tpu.memory_space<vmem>>, vector<1x128xf32>
    %get3A_1862 = vector.shape_cast %get3A_1861 : vector<1x128xf32> to vector<128xf32>
    %broadcast_in_dim3A_1863 = vector.shape_cast %get3A_1862 : vector<128xf32> to vector<1x128xf32>
    %mul3A_1864 = vector.broadcast %squeeze3A_1848 : f32 to vector<1x128xf32>
    %mul3A_1865 = arith.mulf %broadcast_in_dim3A_1863, %mul3A_1864 : vector<1x128xf32>
    %add3A_1866 = arith.addf %add3A_1830, %mul3A_1865 : vector<1x128xf32>
    %get3A_1867 = arith.constant 50 : index
    %get3A_1868 = arith.constant 0 : index
    %get3A_1869 = vector.load %arg13[%get3A_1867, %get3A_1868] : memref<64x128xf32, #tpu.memory_space<vmem>>, vector<1x128xf32>
    %get3A_1870 = vector.shape_cast %get3A_1869 : vector<1x128xf32> to vector<128xf32>
    %broadcast_in_dim3A_1871 = vector.shape_cast %get3A_1870 : vector<128xf32> to vector<1x128xf32>
    %mul3A_1872 = vector.broadcast %squeeze3A_1850 : f32 to vector<1x128xf32>
    %mul3A_1873 = arith.mulf %broadcast_in_dim3A_1871, %mul3A_1872 : vector<1x128xf32>
    %add3A_1874 = arith.addf %add3A_1838, %mul3A_1873 : vector<1x128xf32>
    %get3A_1875 = arith.constant 50 : index
    %get3A_1876 = arith.constant 0 : index
    %get3A_1877 = vector.load %arg9[%get3A_1875, %get3A_1876] : memref<64x128xf32, #tpu.memory_space<vmem>>, vector<1x128xf32>
    %get3A_1878 = vector.shape_cast %get3A_1877 : vector<1x128xf32> to vector<128xf32>
    %broadcast_in_dim3A_1879 = vector.shape_cast %get3A_1878 : vector<128xf32> to vector<1x128xf32>
    %mul3A_1880 = vector.broadcast %squeeze3A_1850 : f32 to vector<1x128xf32>
    %mul3A_1881 = arith.mulf %broadcast_in_dim3A_1879, %mul3A_1880 : vector<1x128xf32>
    %add3A_1882 = arith.addf %add3A_1846, %mul3A_1881 : vector<1x128xf32>
    %slice3A_1883 = vector.extract_strided_slice %reduce_sum3A_34 {offsets = [115], sizes = [1], strides = [1]} : vector<128xf32> to vector<1xf32>
    %squeeze3A_1884 = vector.extract %slice3A_1883[0] : f32 from vector<1xf32>
    %slice3A_1885 = vector.extract_strided_slice %reduce_sum3A_34 {offsets = [51], sizes = [1], strides = [1]} : vector<128xf32> to vector<1xf32>
    %squeeze3A_1886 = vector.extract %slice3A_1885[0] : f32 from vector<1xf32>
    %get3A_1887 = arith.constant 51 : index
    %get3A_1888 = arith.constant 0 : index
    %get3A_1889 = arith.constant 0 : index
    %get3A_1890 = vector.load %arg12[%get3A_1887, %get3A_1888, %get3A_1889] : memref<64x208x128xf32, #tpu.memory_space<vmem>>, vector<1x208x128xf32>
    %get3A_1891 = vector.shape_cast %get3A_1890 : vector<1x208x128xf32> to vector<208x128xf32>
    %mul3A_1892 = vector.broadcast %squeeze3A_1884 : f32 to vector<208x128xf32>
    %mul3A_1893 = arith.mulf %get3A_1891, %mul3A_1892 : vector<208x128xf32>
    %add3A_1894 = arith.addf %add3A_1858, %mul3A_1893 : vector<208x128xf32>
    %get3A_1895 = arith.constant 51 : index
    %get3A_1896 = arith.constant 0 : index
    %get3A_1897 = vector.load %arg10[%get3A_1895, %get3A_1896] : memref<64x128xf32, #tpu.memory_space<vmem>>, vector<1x128xf32>
    %get3A_1898 = vector.shape_cast %get3A_1897 : vector<1x128xf32> to vector<128xf32>
    %broadcast_in_dim3A_1899 = vector.shape_cast %get3A_1898 : vector<128xf32> to vector<1x128xf32>
    %mul3A_1900 = vector.broadcast %squeeze3A_1884 : f32 to vector<1x128xf32>
    %mul3A_1901 = arith.mulf %broadcast_in_dim3A_1899, %mul3A_1900 : vector<1x128xf32>
    %add3A_1902 = arith.addf %add3A_1866, %mul3A_1901 : vector<1x128xf32>
    %get3A_1903 = arith.constant 51 : index
    %get3A_1904 = arith.constant 0 : index
    %get3A_1905 = vector.load %arg13[%get3A_1903, %get3A_1904] : memref<64x128xf32, #tpu.memory_space<vmem>>, vector<1x128xf32>
    %get3A_1906 = vector.shape_cast %get3A_1905 : vector<1x128xf32> to vector<128xf32>
    %broadcast_in_dim3A_1907 = vector.shape_cast %get3A_1906 : vector<128xf32> to vector<1x128xf32>
    %mul3A_1908 = vector.broadcast %squeeze3A_1886 : f32 to vector<1x128xf32>
    %mul3A_1909 = arith.mulf %broadcast_in_dim3A_1907, %mul3A_1908 : vector<1x128xf32>
    %add3A_1910 = arith.addf %add3A_1874, %mul3A_1909 : vector<1x128xf32>
    %get3A_1911 = arith.constant 51 : index
    %get3A_1912 = arith.constant 0 : index
    %get3A_1913 = vector.load %arg9[%get3A_1911, %get3A_1912] : memref<64x128xf32, #tpu.memory_space<vmem>>, vector<1x128xf32>
    %get3A_1914 = vector.shape_cast %get3A_1913 : vector<1x128xf32> to vector<128xf32>
    %broadcast_in_dim3A_1915 = vector.shape_cast %get3A_1914 : vector<128xf32> to vector<1x128xf32>
    %mul3A_1916 = vector.broadcast %squeeze3A_1886 : f32 to vector<1x128xf32>
    %mul3A_1917 = arith.mulf %broadcast_in_dim3A_1915, %mul3A_1916 : vector<1x128xf32>
    %add3A_1918 = arith.addf %add3A_1882, %mul3A_1917 : vector<1x128xf32>
    %slice3A_1919 = vector.extract_strided_slice %reduce_sum3A_34 {offsets = [116], sizes = [1], strides = [1]} : vector<128xf32> to vector<1xf32>
    %squeeze3A_1920 = vector.extract %slice3A_1919[0] : f32 from vector<1xf32>
    %slice3A_1921 = vector.extract_strided_slice %reduce_sum3A_34 {offsets = [52], sizes = [1], strides = [1]} : vector<128xf32> to vector<1xf32>
    %squeeze3A_1922 = vector.extract %slice3A_1921[0] : f32 from vector<1xf32>
    %get3A_1923 = arith.constant 52 : index
    %get3A_1924 = arith.constant 0 : index
    %get3A_1925 = arith.constant 0 : index
    %get3A_1926 = vector.load %arg12[%get3A_1923, %get3A_1924, %get3A_1925] : memref<64x208x128xf32, #tpu.memory_space<vmem>>, vector<1x208x128xf32>
    %get3A_1927 = vector.shape_cast %get3A_1926 : vector<1x208x128xf32> to vector<208x128xf32>
    %mul3A_1928 = vector.broadcast %squeeze3A_1920 : f32 to vector<208x128xf32>
    %mul3A_1929 = arith.mulf %get3A_1927, %mul3A_1928 : vector<208x128xf32>
    %add3A_1930 = arith.addf %add3A_1894, %mul3A_1929 : vector<208x128xf32>
    %get3A_1931 = arith.constant 52 : index
    %get3A_1932 = arith.constant 0 : index
    %get3A_1933 = vector.load %arg10[%get3A_1931, %get3A_1932] : memref<64x128xf32, #tpu.memory_space<vmem>>, vector<1x128xf32>
    %get3A_1934 = vector.shape_cast %get3A_1933 : vector<1x128xf32> to vector<128xf32>
    %broadcast_in_dim3A_1935 = vector.shape_cast %get3A_1934 : vector<128xf32> to vector<1x128xf32>
    %mul3A_1936 = vector.broadcast %squeeze3A_1920 : f32 to vector<1x128xf32>
    %mul3A_1937 = arith.mulf %broadcast_in_dim3A_1935, %mul3A_1936 : vector<1x128xf32>
    %add3A_1938 = arith.addf %add3A_1902, %mul3A_1937 : vector<1x128xf32>
    %get3A_1939 = arith.constant 52 : index
    %get3A_1940 = arith.constant 0 : index
    %get3A_1941 = vector.load %arg13[%get3A_1939, %get3A_1940] : memref<64x128xf32, #tpu.memory_space<vmem>>, vector<1x128xf32>
    %get3A_1942 = vector.shape_cast %get3A_1941 : vector<1x128xf32> to vector<128xf32>
    %broadcast_in_dim3A_1943 = vector.shape_cast %get3A_1942 : vector<128xf32> to vector<1x128xf32>
    %mul3A_1944 = vector.broadcast %squeeze3A_1922 : f32 to vector<1x128xf32>
    %mul3A_1945 = arith.mulf %broadcast_in_dim3A_1943, %mul3A_1944 : vector<1x128xf32>
    %add3A_1946 = arith.addf %add3A_1910, %mul3A_1945 : vector<1x128xf32>
    %get3A_1947 = arith.constant 52 : index
    %get3A_1948 = arith.constant 0 : index
    %get3A_1949 = vector.load %arg9[%get3A_1947, %get3A_1948] : memref<64x128xf32, #tpu.memory_space<vmem>>, vector<1x128xf32>
    %get3A_1950 = vector.shape_cast %get3A_1949 : vector<1x128xf32> to vector<128xf32>
    %broadcast_in_dim3A_1951 = vector.shape_cast %get3A_1950 : vector<128xf32> to vector<1x128xf32>
    %mul3A_1952 = vector.broadcast %squeeze3A_1922 : f32 to vector<1x128xf32>
    %mul3A_1953 = arith.mulf %broadcast_in_dim3A_1951, %mul3A_1952 : vector<1x128xf32>
    %add3A_1954 = arith.addf %add3A_1918, %mul3A_1953 : vector<1x128xf32>
    %slice3A_1955 = vector.extract_strided_slice %reduce_sum3A_34 {offsets = [117], sizes = [1], strides = [1]} : vector<128xf32> to vector<1xf32>
    %squeeze3A_1956 = vector.extract %slice3A_1955[0] : f32 from vector<1xf32>
    %slice3A_1957 = vector.extract_strided_slice %reduce_sum3A_34 {offsets = [53], sizes = [1], strides = [1]} : vector<128xf32> to vector<1xf32>
    %squeeze3A_1958 = vector.extract %slice3A_1957[0] : f32 from vector<1xf32>
    %get3A_1959 = arith.constant 53 : index
    %get3A_1960 = arith.constant 0 : index
    %get3A_1961 = arith.constant 0 : index
    %get3A_1962 = vector.load %arg12[%get3A_1959, %get3A_1960, %get3A_1961] : memref<64x208x128xf32, #tpu.memory_space<vmem>>, vector<1x208x128xf32>
    %get3A_1963 = vector.shape_cast %get3A_1962 : vector<1x208x128xf32> to vector<208x128xf32>
    %mul3A_1964 = vector.broadcast %squeeze3A_1956 : f32 to vector<208x128xf32>
    %mul3A_1965 = arith.mulf %get3A_1963, %mul3A_1964 : vector<208x128xf32>
    %add3A_1966 = arith.addf %add3A_1930, %mul3A_1965 : vector<208x128xf32>
    %get3A_1967 = arith.constant 53 : index
    %get3A_1968 = arith.constant 0 : index
    %get3A_1969 = vector.load %arg10[%get3A_1967, %get3A_1968] : memref<64x128xf32, #tpu.memory_space<vmem>>, vector<1x128xf32>
    %get3A_1970 = vector.shape_cast %get3A_1969 : vector<1x128xf32> to vector<128xf32>
    %broadcast_in_dim3A_1971 = vector.shape_cast %get3A_1970 : vector<128xf32> to vector<1x128xf32>
    %mul3A_1972 = vector.broadcast %squeeze3A_1956 : f32 to vector<1x128xf32>
    %mul3A_1973 = arith.mulf %broadcast_in_dim3A_1971, %mul3A_1972 : vector<1x128xf32>
    %add3A_1974 = arith.addf %add3A_1938, %mul3A_1973 : vector<1x128xf32>
    %get3A_1975 = arith.constant 53 : index
    %get3A_1976 = arith.constant 0 : index
    %get3A_1977 = vector.load %arg13[%get3A_1975, %get3A_1976] : memref<64x128xf32, #tpu.memory_space<vmem>>, vector<1x128xf32>
    %get3A_1978 = vector.shape_cast %get3A_1977 : vector<1x128xf32> to vector<128xf32>
    %broadcast_in_dim3A_1979 = vector.shape_cast %get3A_1978 : vector<128xf32> to vector<1x128xf32>
    %mul3A_1980 = vector.broadcast %squeeze3A_1958 : f32 to vector<1x128xf32>
    %mul3A_1981 = arith.mulf %broadcast_in_dim3A_1979, %mul3A_1980 : vector<1x128xf32>
    %add3A_1982 = arith.addf %add3A_1946, %mul3A_1981 : vector<1x128xf32>
    %get3A_1983 = arith.constant 53 : index
    %get3A_1984 = arith.constant 0 : index
    %get3A_1985 = vector.load %arg9[%get3A_1983, %get3A_1984] : memref<64x128xf32, #tpu.memory_space<vmem>>, vector<1x128xf32>
    %get3A_1986 = vector.shape_cast %get3A_1985 : vector<1x128xf32> to vector<128xf32>
    %broadcast_in_dim3A_1987 = vector.shape_cast %get3A_1986 : vector<128xf32> to vector<1x128xf32>
    %mul3A_1988 = vector.broadcast %squeeze3A_1958 : f32 to vector<1x128xf32>
    %mul3A_1989 = arith.mulf %broadcast_in_dim3A_1987, %mul3A_1988 : vector<1x128xf32>
    %add3A_1990 = arith.addf %add3A_1954, %mul3A_1989 : vector<1x128xf32>
    %slice3A_1991 = vector.extract_strided_slice %reduce_sum3A_34 {offsets = [118], sizes = [1], strides = [1]} : vector<128xf32> to vector<1xf32>
    %squeeze3A_1992 = vector.extract %slice3A_1991[0] : f32 from vector<1xf32>
    %slice3A_1993 = vector.extract_strided_slice %reduce_sum3A_34 {offsets = [54], sizes = [1], strides = [1]} : vector<128xf32> to vector<1xf32>
    %squeeze3A_1994 = vector.extract %slice3A_1993[0] : f32 from vector<1xf32>
    %get3A_1995 = arith.constant 54 : index
    %get3A_1996 = arith.constant 0 : index
    %get3A_1997 = arith.constant 0 : index
    %get3A_1998 = vector.load %arg12[%get3A_1995, %get3A_1996, %get3A_1997] : memref<64x208x128xf32, #tpu.memory_space<vmem>>, vector<1x208x128xf32>
    %get3A_1999 = vector.shape_cast %get3A_1998 : vector<1x208x128xf32> to vector<208x128xf32>
    %mul3A_2000 = vector.broadcast %squeeze3A_1992 : f32 to vector<208x128xf32>
    %mul3A_2001 = arith.mulf %get3A_1999, %mul3A_2000 : vector<208x128xf32>
    %add3A_2002 = arith.addf %add3A_1966, %mul3A_2001 : vector<208x128xf32>
    %get3A_2003 = arith.constant 54 : index
    %get3A_2004 = arith.constant 0 : index
    %get3A_2005 = vector.load %arg10[%get3A_2003, %get3A_2004] : memref<64x128xf32, #tpu.memory_space<vmem>>, vector<1x128xf32>
    %get3A_2006 = vector.shape_cast %get3A_2005 : vector<1x128xf32> to vector<128xf32>
    %broadcast_in_dim3A_2007 = vector.shape_cast %get3A_2006 : vector<128xf32> to vector<1x128xf32>
    %mul3A_2008 = vector.broadcast %squeeze3A_1992 : f32 to vector<1x128xf32>
    %mul3A_2009 = arith.mulf %broadcast_in_dim3A_2007, %mul3A_2008 : vector<1x128xf32>
    %add3A_2010 = arith.addf %add3A_1974, %mul3A_2009 : vector<1x128xf32>
    %get3A_2011 = arith.constant 54 : index
    %get3A_2012 = arith.constant 0 : index
    %get3A_2013 = vector.load %arg13[%get3A_2011, %get3A_2012] : memref<64x128xf32, #tpu.memory_space<vmem>>, vector<1x128xf32>
    %get3A_2014 = vector.shape_cast %get3A_2013 : vector<1x128xf32> to vector<128xf32>
    %broadcast_in_dim3A_2015 = vector.shape_cast %get3A_2014 : vector<128xf32> to vector<1x128xf32>
    %mul3A_2016 = vector.broadcast %squeeze3A_1994 : f32 to vector<1x128xf32>
    %mul3A_2017 = arith.mulf %broadcast_in_dim3A_2015, %mul3A_2016 : vector<1x128xf32>
    %add3A_2018 = arith.addf %add3A_1982, %mul3A_2017 : vector<1x128xf32>
    %get3A_2019 = arith.constant 54 : index
    %get3A_2020 = arith.constant 0 : index
    %get3A_2021 = vector.load %arg9[%get3A_2019, %get3A_2020] : memref<64x128xf32, #tpu.memory_space<vmem>>, vector<1x128xf32>
    %get3A_2022 = vector.shape_cast %get3A_2021 : vector<1x128xf32> to vector<128xf32>
    %broadcast_in_dim3A_2023 = vector.shape_cast %get3A_2022 : vector<128xf32> to vector<1x128xf32>
    %mul3A_2024 = vector.broadcast %squeeze3A_1994 : f32 to vector<1x128xf32>
    %mul3A_2025 = arith.mulf %broadcast_in_dim3A_2023, %mul3A_2024 : vector<1x128xf32>
    %add3A_2026 = arith.addf %add3A_1990, %mul3A_2025 : vector<1x128xf32>
    %slice3A_2027 = vector.extract_strided_slice %reduce_sum3A_34 {offsets = [119], sizes = [1], strides = [1]} : vector<128xf32> to vector<1xf32>
    %squeeze3A_2028 = vector.extract %slice3A_2027[0] : f32 from vector<1xf32>
    %slice3A_2029 = vector.extract_strided_slice %reduce_sum3A_34 {offsets = [55], sizes = [1], strides = [1]} : vector<128xf32> to vector<1xf32>
    %squeeze3A_2030 = vector.extract %slice3A_2029[0] : f32 from vector<1xf32>
    %get3A_2031 = arith.constant 55 : index
    %get3A_2032 = arith.constant 0 : index
    %get3A_2033 = arith.constant 0 : index
    %get3A_2034 = vector.load %arg12[%get3A_2031, %get3A_2032, %get3A_2033] : memref<64x208x128xf32, #tpu.memory_space<vmem>>, vector<1x208x128xf32>
    %get3A_2035 = vector.shape_cast %get3A_2034 : vector<1x208x128xf32> to vector<208x128xf32>
    %mul3A_2036 = vector.broadcast %squeeze3A_2028 : f32 to vector<208x128xf32>
    %mul3A_2037 = arith.mulf %get3A_2035, %mul3A_2036 : vector<208x128xf32>
    %add3A_2038 = arith.addf %add3A_2002, %mul3A_2037 : vector<208x128xf32>
    %get3A_2039 = arith.constant 55 : index
    %get3A_2040 = arith.constant 0 : index
    %get3A_2041 = vector.load %arg10[%get3A_2039, %get3A_2040] : memref<64x128xf32, #tpu.memory_space<vmem>>, vector<1x128xf32>
    %get3A_2042 = vector.shape_cast %get3A_2041 : vector<1x128xf32> to vector<128xf32>
    %broadcast_in_dim3A_2043 = vector.shape_cast %get3A_2042 : vector<128xf32> to vector<1x128xf32>
    %mul3A_2044 = vector.broadcast %squeeze3A_2028 : f32 to vector<1x128xf32>
    %mul3A_2045 = arith.mulf %broadcast_in_dim3A_2043, %mul3A_2044 : vector<1x128xf32>
    %add3A_2046 = arith.addf %add3A_2010, %mul3A_2045 : vector<1x128xf32>
    %get3A_2047 = arith.constant 55 : index
    %get3A_2048 = arith.constant 0 : index
    %get3A_2049 = vector.load %arg13[%get3A_2047, %get3A_2048] : memref<64x128xf32, #tpu.memory_space<vmem>>, vector<1x128xf32>
    %get3A_2050 = vector.shape_cast %get3A_2049 : vector<1x128xf32> to vector<128xf32>
    %broadcast_in_dim3A_2051 = vector.shape_cast %get3A_2050 : vector<128xf32> to vector<1x128xf32>
    %mul3A_2052 = vector.broadcast %squeeze3A_2030 : f32 to vector<1x128xf32>
    %mul3A_2053 = arith.mulf %broadcast_in_dim3A_2051, %mul3A_2052 : vector<1x128xf32>
    %add3A_2054 = arith.addf %add3A_2018, %mul3A_2053 : vector<1x128xf32>
    %get3A_2055 = arith.constant 55 : index
    %get3A_2056 = arith.constant 0 : index
    %get3A_2057 = vector.load %arg9[%get3A_2055, %get3A_2056] : memref<64x128xf32, #tpu.memory_space<vmem>>, vector<1x128xf32>
    %get3A_2058 = vector.shape_cast %get3A_2057 : vector<1x128xf32> to vector<128xf32>
    %broadcast_in_dim3A_2059 = vector.shape_cast %get3A_2058 : vector<128xf32> to vector<1x128xf32>
    %mul3A_2060 = vector.broadcast %squeeze3A_2030 : f32 to vector<1x128xf32>
    %mul3A_2061 = arith.mulf %broadcast_in_dim3A_2059, %mul3A_2060 : vector<1x128xf32>
    %add3A_2062 = arith.addf %add3A_2026, %mul3A_2061 : vector<1x128xf32>
    %slice3A_2063 = vector.extract_strided_slice %reduce_sum3A_34 {offsets = [120], sizes = [1], strides = [1]} : vector<128xf32> to vector<1xf32>
    %squeeze3A_2064 = vector.extract %slice3A_2063[0] : f32 from vector<1xf32>
    %slice3A_2065 = vector.extract_strided_slice %reduce_sum3A_34 {offsets = [56], sizes = [1], strides = [1]} : vector<128xf32> to vector<1xf32>
    %squeeze3A_2066 = vector.extract %slice3A_2065[0] : f32 from vector<1xf32>
    %get3A_2067 = arith.constant 56 : index
    %get3A_2068 = arith.constant 0 : index
    %get3A_2069 = arith.constant 0 : index
    %get3A_2070 = vector.load %arg12[%get3A_2067, %get3A_2068, %get3A_2069] : memref<64x208x128xf32, #tpu.memory_space<vmem>>, vector<1x208x128xf32>
    %get3A_2071 = vector.shape_cast %get3A_2070 : vector<1x208x128xf32> to vector<208x128xf32>
    %mul3A_2072 = vector.broadcast %squeeze3A_2064 : f32 to vector<208x128xf32>
    %mul3A_2073 = arith.mulf %get3A_2071, %mul3A_2072 : vector<208x128xf32>
    %add3A_2074 = arith.addf %add3A_2038, %mul3A_2073 : vector<208x128xf32>
    %get3A_2075 = arith.constant 56 : index
    %get3A_2076 = arith.constant 0 : index
    %get3A_2077 = vector.load %arg10[%get3A_2075, %get3A_2076] : memref<64x128xf32, #tpu.memory_space<vmem>>, vector<1x128xf32>
    %get3A_2078 = vector.shape_cast %get3A_2077 : vector<1x128xf32> to vector<128xf32>
    %broadcast_in_dim3A_2079 = vector.shape_cast %get3A_2078 : vector<128xf32> to vector<1x128xf32>
    %mul3A_2080 = vector.broadcast %squeeze3A_2064 : f32 to vector<1x128xf32>
    %mul3A_2081 = arith.mulf %broadcast_in_dim3A_2079, %mul3A_2080 : vector<1x128xf32>
    %add3A_2082 = arith.addf %add3A_2046, %mul3A_2081 : vector<1x128xf32>
    %get3A_2083 = arith.constant 56 : index
    %get3A_2084 = arith.constant 0 : index
    %get3A_2085 = vector.load %arg13[%get3A_2083, %get3A_2084] : memref<64x128xf32, #tpu.memory_space<vmem>>, vector<1x128xf32>
    %get3A_2086 = vector.shape_cast %get3A_2085 : vector<1x128xf32> to vector<128xf32>
    %broadcast_in_dim3A_2087 = vector.shape_cast %get3A_2086 : vector<128xf32> to vector<1x128xf32>
    %mul3A_2088 = vector.broadcast %squeeze3A_2066 : f32 to vector<1x128xf32>
    %mul3A_2089 = arith.mulf %broadcast_in_dim3A_2087, %mul3A_2088 : vector<1x128xf32>
    %add3A_2090 = arith.addf %add3A_2054, %mul3A_2089 : vector<1x128xf32>
    %get3A_2091 = arith.constant 56 : index
    %get3A_2092 = arith.constant 0 : index
    %get3A_2093 = vector.load %arg9[%get3A_2091, %get3A_2092] : memref<64x128xf32, #tpu.memory_space<vmem>>, vector<1x128xf32>
    %get3A_2094 = vector.shape_cast %get3A_2093 : vector<1x128xf32> to vector<128xf32>
    %broadcast_in_dim3A_2095 = vector.shape_cast %get3A_2094 : vector<128xf32> to vector<1x128xf32>
    %mul3A_2096 = vector.broadcast %squeeze3A_2066 : f32 to vector<1x128xf32>
    %mul3A_2097 = arith.mulf %broadcast_in_dim3A_2095, %mul3A_2096 : vector<1x128xf32>
    %add3A_2098 = arith.addf %add3A_2062, %mul3A_2097 : vector<1x128xf32>
    %slice3A_2099 = vector.extract_strided_slice %reduce_sum3A_34 {offsets = [121], sizes = [1], strides = [1]} : vector<128xf32> to vector<1xf32>
    %squeeze3A_2100 = vector.extract %slice3A_2099[0] : f32 from vector<1xf32>
    %slice3A_2101 = vector.extract_strided_slice %reduce_sum3A_34 {offsets = [57], sizes = [1], strides = [1]} : vector<128xf32> to vector<1xf32>
    %squeeze3A_2102 = vector.extract %slice3A_2101[0] : f32 from vector<1xf32>
    %get3A_2103 = arith.constant 57 : index
    %get3A_2104 = arith.constant 0 : index
    %get3A_2105 = arith.constant 0 : index
    %get3A_2106 = vector.load %arg12[%get3A_2103, %get3A_2104, %get3A_2105] : memref<64x208x128xf32, #tpu.memory_space<vmem>>, vector<1x208x128xf32>
    %get3A_2107 = vector.shape_cast %get3A_2106 : vector<1x208x128xf32> to vector<208x128xf32>
    %mul3A_2108 = vector.broadcast %squeeze3A_2100 : f32 to vector<208x128xf32>
    %mul3A_2109 = arith.mulf %get3A_2107, %mul3A_2108 : vector<208x128xf32>
    %add3A_2110 = arith.addf %add3A_2074, %mul3A_2109 : vector<208x128xf32>
    %get3A_2111 = arith.constant 57 : index
    %get3A_2112 = arith.constant 0 : index
    %get3A_2113 = vector.load %arg10[%get3A_2111, %get3A_2112] : memref<64x128xf32, #tpu.memory_space<vmem>>, vector<1x128xf32>
    %get3A_2114 = vector.shape_cast %get3A_2113 : vector<1x128xf32> to vector<128xf32>
    %broadcast_in_dim3A_2115 = vector.shape_cast %get3A_2114 : vector<128xf32> to vector<1x128xf32>
    %mul3A_2116 = vector.broadcast %squeeze3A_2100 : f32 to vector<1x128xf32>
    %mul3A_2117 = arith.mulf %broadcast_in_dim3A_2115, %mul3A_2116 : vector<1x128xf32>
    %add3A_2118 = arith.addf %add3A_2082, %mul3A_2117 : vector<1x128xf32>
    %get3A_2119 = arith.constant 57 : index
    %get3A_2120 = arith.constant 0 : index
    %get3A_2121 = vector.load %arg13[%get3A_2119, %get3A_2120] : memref<64x128xf32, #tpu.memory_space<vmem>>, vector<1x128xf32>
    %get3A_2122 = vector.shape_cast %get3A_2121 : vector<1x128xf32> to vector<128xf32>
    %broadcast_in_dim3A_2123 = vector.shape_cast %get3A_2122 : vector<128xf32> to vector<1x128xf32>
    %mul3A_2124 = vector.broadcast %squeeze3A_2102 : f32 to vector<1x128xf32>
    %mul3A_2125 = arith.mulf %broadcast_in_dim3A_2123, %mul3A_2124 : vector<1x128xf32>
    %add3A_2126 = arith.addf %add3A_2090, %mul3A_2125 : vector<1x128xf32>
    %get3A_2127 = arith.constant 57 : index
    %get3A_2128 = arith.constant 0 : index
    %get3A_2129 = vector.load %arg9[%get3A_2127, %get3A_2128] : memref<64x128xf32, #tpu.memory_space<vmem>>, vector<1x128xf32>
    %get3A_2130 = vector.shape_cast %get3A_2129 : vector<1x128xf32> to vector<128xf32>
    %broadcast_in_dim3A_2131 = vector.shape_cast %get3A_2130 : vector<128xf32> to vector<1x128xf32>
    %mul3A_2132 = vector.broadcast %squeeze3A_2102 : f32 to vector<1x128xf32>
    %mul3A_2133 = arith.mulf %broadcast_in_dim3A_2131, %mul3A_2132 : vector<1x128xf32>
    %add3A_2134 = arith.addf %add3A_2098, %mul3A_2133 : vector<1x128xf32>
    %slice3A_2135 = vector.extract_strided_slice %reduce_sum3A_34 {offsets = [122], sizes = [1], strides = [1]} : vector<128xf32> to vector<1xf32>
    %squeeze3A_2136 = vector.extract %slice3A_2135[0] : f32 from vector<1xf32>
    %slice3A_2137 = vector.extract_strided_slice %reduce_sum3A_34 {offsets = [58], sizes = [1], strides = [1]} : vector<128xf32> to vector<1xf32>
    %squeeze3A_2138 = vector.extract %slice3A_2137[0] : f32 from vector<1xf32>
    %get3A_2139 = arith.constant 58 : index
    %get3A_2140 = arith.constant 0 : index
    %get3A_2141 = arith.constant 0 : index
    %get3A_2142 = vector.load %arg12[%get3A_2139, %get3A_2140, %get3A_2141] : memref<64x208x128xf32, #tpu.memory_space<vmem>>, vector<1x208x128xf32>
    %get3A_2143 = vector.shape_cast %get3A_2142 : vector<1x208x128xf32> to vector<208x128xf32>
    %mul3A_2144 = vector.broadcast %squeeze3A_2136 : f32 to vector<208x128xf32>
    %mul3A_2145 = arith.mulf %get3A_2143, %mul3A_2144 : vector<208x128xf32>
    %add3A_2146 = arith.addf %add3A_2110, %mul3A_2145 : vector<208x128xf32>
    %get3A_2147 = arith.constant 58 : index
    %get3A_2148 = arith.constant 0 : index
    %get3A_2149 = vector.load %arg10[%get3A_2147, %get3A_2148] : memref<64x128xf32, #tpu.memory_space<vmem>>, vector<1x128xf32>
    %get3A_2150 = vector.shape_cast %get3A_2149 : vector<1x128xf32> to vector<128xf32>
    %broadcast_in_dim3A_2151 = vector.shape_cast %get3A_2150 : vector<128xf32> to vector<1x128xf32>
    %mul3A_2152 = vector.broadcast %squeeze3A_2136 : f32 to vector<1x128xf32>
    %mul3A_2153 = arith.mulf %broadcast_in_dim3A_2151, %mul3A_2152 : vector<1x128xf32>
    %add3A_2154 = arith.addf %add3A_2118, %mul3A_2153 : vector<1x128xf32>
    %get3A_2155 = arith.constant 58 : index
    %get3A_2156 = arith.constant 0 : index
    %get3A_2157 = vector.load %arg13[%get3A_2155, %get3A_2156] : memref<64x128xf32, #tpu.memory_space<vmem>>, vector<1x128xf32>
    %get3A_2158 = vector.shape_cast %get3A_2157 : vector<1x128xf32> to vector<128xf32>
    %broadcast_in_dim3A_2159 = vector.shape_cast %get3A_2158 : vector<128xf32> to vector<1x128xf32>
    %mul3A_2160 = vector.broadcast %squeeze3A_2138 : f32 to vector<1x128xf32>
    %mul3A_2161 = arith.mulf %broadcast_in_dim3A_2159, %mul3A_2160 : vector<1x128xf32>
    %add3A_2162 = arith.addf %add3A_2126, %mul3A_2161 : vector<1x128xf32>
    %get3A_2163 = arith.constant 58 : index
    %get3A_2164 = arith.constant 0 : index
    %get3A_2165 = vector.load %arg9[%get3A_2163, %get3A_2164] : memref<64x128xf32, #tpu.memory_space<vmem>>, vector<1x128xf32>
    %get3A_2166 = vector.shape_cast %get3A_2165 : vector<1x128xf32> to vector<128xf32>
    %broadcast_in_dim3A_2167 = vector.shape_cast %get3A_2166 : vector<128xf32> to vector<1x128xf32>
    %mul3A_2168 = vector.broadcast %squeeze3A_2138 : f32 to vector<1x128xf32>
    %mul3A_2169 = arith.mulf %broadcast_in_dim3A_2167, %mul3A_2168 : vector<1x128xf32>
    %add3A_2170 = arith.addf %add3A_2134, %mul3A_2169 : vector<1x128xf32>
    %slice3A_2171 = vector.extract_strided_slice %reduce_sum3A_34 {offsets = [123], sizes = [1], strides = [1]} : vector<128xf32> to vector<1xf32>
    %squeeze3A_2172 = vector.extract %slice3A_2171[0] : f32 from vector<1xf32>
    %slice3A_2173 = vector.extract_strided_slice %reduce_sum3A_34 {offsets = [59], sizes = [1], strides = [1]} : vector<128xf32> to vector<1xf32>
    %squeeze3A_2174 = vector.extract %slice3A_2173[0] : f32 from vector<1xf32>
    %get3A_2175 = arith.constant 59 : index
    %get3A_2176 = arith.constant 0 : index
    %get3A_2177 = arith.constant 0 : index
    %get3A_2178 = vector.load %arg12[%get3A_2175, %get3A_2176, %get3A_2177] : memref<64x208x128xf32, #tpu.memory_space<vmem>>, vector<1x208x128xf32>
    %get3A_2179 = vector.shape_cast %get3A_2178 : vector<1x208x128xf32> to vector<208x128xf32>
    %mul3A_2180 = vector.broadcast %squeeze3A_2172 : f32 to vector<208x128xf32>
    %mul3A_2181 = arith.mulf %get3A_2179, %mul3A_2180 : vector<208x128xf32>
    %add3A_2182 = arith.addf %add3A_2146, %mul3A_2181 : vector<208x128xf32>
    %get3A_2183 = arith.constant 59 : index
    %get3A_2184 = arith.constant 0 : index
    %get3A_2185 = vector.load %arg10[%get3A_2183, %get3A_2184] : memref<64x128xf32, #tpu.memory_space<vmem>>, vector<1x128xf32>
    %get3A_2186 = vector.shape_cast %get3A_2185 : vector<1x128xf32> to vector<128xf32>
    %broadcast_in_dim3A_2187 = vector.shape_cast %get3A_2186 : vector<128xf32> to vector<1x128xf32>
    %mul3A_2188 = vector.broadcast %squeeze3A_2172 : f32 to vector<1x128xf32>
    %mul3A_2189 = arith.mulf %broadcast_in_dim3A_2187, %mul3A_2188 : vector<1x128xf32>
    %add3A_2190 = arith.addf %add3A_2154, %mul3A_2189 : vector<1x128xf32>
    %get3A_2191 = arith.constant 59 : index
    %get3A_2192 = arith.constant 0 : index
    %get3A_2193 = vector.load %arg13[%get3A_2191, %get3A_2192] : memref<64x128xf32, #tpu.memory_space<vmem>>, vector<1x128xf32>
    %get3A_2194 = vector.shape_cast %get3A_2193 : vector<1x128xf32> to vector<128xf32>
    %broadcast_in_dim3A_2195 = vector.shape_cast %get3A_2194 : vector<128xf32> to vector<1x128xf32>
    %mul3A_2196 = vector.broadcast %squeeze3A_2174 : f32 to vector<1x128xf32>
    %mul3A_2197 = arith.mulf %broadcast_in_dim3A_2195, %mul3A_2196 : vector<1x128xf32>
    %add3A_2198 = arith.addf %add3A_2162, %mul3A_2197 : vector<1x128xf32>
    %get3A_2199 = arith.constant 59 : index
    %get3A_2200 = arith.constant 0 : index
    %get3A_2201 = vector.load %arg9[%get3A_2199, %get3A_2200] : memref<64x128xf32, #tpu.memory_space<vmem>>, vector<1x128xf32>
    %get3A_2202 = vector.shape_cast %get3A_2201 : vector<1x128xf32> to vector<128xf32>
    %broadcast_in_dim3A_2203 = vector.shape_cast %get3A_2202 : vector<128xf32> to vector<1x128xf32>
    %mul3A_2204 = vector.broadcast %squeeze3A_2174 : f32 to vector<1x128xf32>
    %mul3A_2205 = arith.mulf %broadcast_in_dim3A_2203, %mul3A_2204 : vector<1x128xf32>
    %add3A_2206 = arith.addf %add3A_2170, %mul3A_2205 : vector<1x128xf32>
    %slice3A_2207 = vector.extract_strided_slice %reduce_sum3A_34 {offsets = [124], sizes = [1], strides = [1]} : vector<128xf32> to vector<1xf32>
    %squeeze3A_2208 = vector.extract %slice3A_2207[0] : f32 from vector<1xf32>
    %slice3A_2209 = vector.extract_strided_slice %reduce_sum3A_34 {offsets = [60], sizes = [1], strides = [1]} : vector<128xf32> to vector<1xf32>
    %squeeze3A_2210 = vector.extract %slice3A_2209[0] : f32 from vector<1xf32>
    %get3A_2211 = arith.constant 60 : index
    %get3A_2212 = arith.constant 0 : index
    %get3A_2213 = arith.constant 0 : index
    %get3A_2214 = vector.load %arg12[%get3A_2211, %get3A_2212, %get3A_2213] : memref<64x208x128xf32, #tpu.memory_space<vmem>>, vector<1x208x128xf32>
    %get3A_2215 = vector.shape_cast %get3A_2214 : vector<1x208x128xf32> to vector<208x128xf32>
    %mul3A_2216 = vector.broadcast %squeeze3A_2208 : f32 to vector<208x128xf32>
    %mul3A_2217 = arith.mulf %get3A_2215, %mul3A_2216 : vector<208x128xf32>
    %add3A_2218 = arith.addf %add3A_2182, %mul3A_2217 : vector<208x128xf32>
    %get3A_2219 = arith.constant 60 : index
    %get3A_2220 = arith.constant 0 : index
    %get3A_2221 = vector.load %arg10[%get3A_2219, %get3A_2220] : memref<64x128xf32, #tpu.memory_space<vmem>>, vector<1x128xf32>
    %get3A_2222 = vector.shape_cast %get3A_2221 : vector<1x128xf32> to vector<128xf32>
    %broadcast_in_dim3A_2223 = vector.shape_cast %get3A_2222 : vector<128xf32> to vector<1x128xf32>
    %mul3A_2224 = vector.broadcast %squeeze3A_2208 : f32 to vector<1x128xf32>
    %mul3A_2225 = arith.mulf %broadcast_in_dim3A_2223, %mul3A_2224 : vector<1x128xf32>
    %add3A_2226 = arith.addf %add3A_2190, %mul3A_2225 : vector<1x128xf32>
    %get3A_2227 = arith.constant 60 : index
    %get3A_2228 = arith.constant 0 : index
    %get3A_2229 = vector.load %arg13[%get3A_2227, %get3A_2228] : memref<64x128xf32, #tpu.memory_space<vmem>>, vector<1x128xf32>
    %get3A_2230 = vector.shape_cast %get3A_2229 : vector<1x128xf32> to vector<128xf32>
    %broadcast_in_dim3A_2231 = vector.shape_cast %get3A_2230 : vector<128xf32> to vector<1x128xf32>
    %mul3A_2232 = vector.broadcast %squeeze3A_2210 : f32 to vector<1x128xf32>
    %mul3A_2233 = arith.mulf %broadcast_in_dim3A_2231, %mul3A_2232 : vector<1x128xf32>
    %add3A_2234 = arith.addf %add3A_2198, %mul3A_2233 : vector<1x128xf32>
    %get3A_2235 = arith.constant 60 : index
    %get3A_2236 = arith.constant 0 : index
    %get3A_2237 = vector.load %arg9[%get3A_2235, %get3A_2236] : memref<64x128xf32, #tpu.memory_space<vmem>>, vector<1x128xf32>
    %get3A_2238 = vector.shape_cast %get3A_2237 : vector<1x128xf32> to vector<128xf32>
    %broadcast_in_dim3A_2239 = vector.shape_cast %get3A_2238 : vector<128xf32> to vector<1x128xf32>
    %mul3A_2240 = vector.broadcast %squeeze3A_2210 : f32 to vector<1x128xf32>
    %mul3A_2241 = arith.mulf %broadcast_in_dim3A_2239, %mul3A_2240 : vector<1x128xf32>
    %add3A_2242 = arith.addf %add3A_2206, %mul3A_2241 : vector<1x128xf32>
    %slice3A_2243 = vector.extract_strided_slice %reduce_sum3A_34 {offsets = [125], sizes = [1], strides = [1]} : vector<128xf32> to vector<1xf32>
    %squeeze3A_2244 = vector.extract %slice3A_2243[0] : f32 from vector<1xf32>
    %slice3A_2245 = vector.extract_strided_slice %reduce_sum3A_34 {offsets = [61], sizes = [1], strides = [1]} : vector<128xf32> to vector<1xf32>
    %squeeze3A_2246 = vector.extract %slice3A_2245[0] : f32 from vector<1xf32>
    %get3A_2247 = arith.constant 61 : index
    %get3A_2248 = arith.constant 0 : index
    %get3A_2249 = arith.constant 0 : index
    %get3A_2250 = vector.load %arg12[%get3A_2247, %get3A_2248, %get3A_2249] : memref<64x208x128xf32, #tpu.memory_space<vmem>>, vector<1x208x128xf32>
    %get3A_2251 = vector.shape_cast %get3A_2250 : vector<1x208x128xf32> to vector<208x128xf32>
    %mul3A_2252 = vector.broadcast %squeeze3A_2244 : f32 to vector<208x128xf32>
    %mul3A_2253 = arith.mulf %get3A_2251, %mul3A_2252 : vector<208x128xf32>
    %add3A_2254 = arith.addf %add3A_2218, %mul3A_2253 : vector<208x128xf32>
    %get3A_2255 = arith.constant 61 : index
    %get3A_2256 = arith.constant 0 : index
    %get3A_2257 = vector.load %arg10[%get3A_2255, %get3A_2256] : memref<64x128xf32, #tpu.memory_space<vmem>>, vector<1x128xf32>
    %get3A_2258 = vector.shape_cast %get3A_2257 : vector<1x128xf32> to vector<128xf32>
    %broadcast_in_dim3A_2259 = vector.shape_cast %get3A_2258 : vector<128xf32> to vector<1x128xf32>
    %mul3A_2260 = vector.broadcast %squeeze3A_2244 : f32 to vector<1x128xf32>
    %mul3A_2261 = arith.mulf %broadcast_in_dim3A_2259, %mul3A_2260 : vector<1x128xf32>
    %add3A_2262 = arith.addf %add3A_2226, %mul3A_2261 : vector<1x128xf32>
    %get3A_2263 = arith.constant 61 : index
    %get3A_2264 = arith.constant 0 : index
    %get3A_2265 = vector.load %arg13[%get3A_2263, %get3A_2264] : memref<64x128xf32, #tpu.memory_space<vmem>>, vector<1x128xf32>
    %get3A_2266 = vector.shape_cast %get3A_2265 : vector<1x128xf32> to vector<128xf32>
    %broadcast_in_dim3A_2267 = vector.shape_cast %get3A_2266 : vector<128xf32> to vector<1x128xf32>
    %mul3A_2268 = vector.broadcast %squeeze3A_2246 : f32 to vector<1x128xf32>
    %mul3A_2269 = arith.mulf %broadcast_in_dim3A_2267, %mul3A_2268 : vector<1x128xf32>
    %add3A_2270 = arith.addf %add3A_2234, %mul3A_2269 : vector<1x128xf32>
    %get3A_2271 = arith.constant 61 : index
    %get3A_2272 = arith.constant 0 : index
    %get3A_2273 = vector.load %arg9[%get3A_2271, %get3A_2272] : memref<64x128xf32, #tpu.memory_space<vmem>>, vector<1x128xf32>
    %get3A_2274 = vector.shape_cast %get3A_2273 : vector<1x128xf32> to vector<128xf32>
    %broadcast_in_dim3A_2275 = vector.shape_cast %get3A_2274 : vector<128xf32> to vector<1x128xf32>
    %mul3A_2276 = vector.broadcast %squeeze3A_2246 : f32 to vector<1x128xf32>
    %mul3A_2277 = arith.mulf %broadcast_in_dim3A_2275, %mul3A_2276 : vector<1x128xf32>
    %add3A_2278 = arith.addf %add3A_2242, %mul3A_2277 : vector<1x128xf32>
    %slice3A_2279 = vector.extract_strided_slice %reduce_sum3A_34 {offsets = [126], sizes = [1], strides = [1]} : vector<128xf32> to vector<1xf32>
    %squeeze3A_2280 = vector.extract %slice3A_2279[0] : f32 from vector<1xf32>
    %slice3A_2281 = vector.extract_strided_slice %reduce_sum3A_34 {offsets = [62], sizes = [1], strides = [1]} : vector<128xf32> to vector<1xf32>
    %squeeze3A_2282 = vector.extract %slice3A_2281[0] : f32 from vector<1xf32>
    %get3A_2283 = arith.constant 62 : index
    %get3A_2284 = arith.constant 0 : index
    %get3A_2285 = arith.constant 0 : index
    %get3A_2286 = vector.load %arg12[%get3A_2283, %get3A_2284, %get3A_2285] : memref<64x208x128xf32, #tpu.memory_space<vmem>>, vector<1x208x128xf32>
    %get3A_2287 = vector.shape_cast %get3A_2286 : vector<1x208x128xf32> to vector<208x128xf32>
    %mul3A_2288 = vector.broadcast %squeeze3A_2280 : f32 to vector<208x128xf32>
    %mul3A_2289 = arith.mulf %get3A_2287, %mul3A_2288 : vector<208x128xf32>
    %add3A_2290 = arith.addf %add3A_2254, %mul3A_2289 : vector<208x128xf32>
    %get3A_2291 = arith.constant 62 : index
    %get3A_2292 = arith.constant 0 : index
    %get3A_2293 = vector.load %arg10[%get3A_2291, %get3A_2292] : memref<64x128xf32, #tpu.memory_space<vmem>>, vector<1x128xf32>
    %get3A_2294 = vector.shape_cast %get3A_2293 : vector<1x128xf32> to vector<128xf32>
    %broadcast_in_dim3A_2295 = vector.shape_cast %get3A_2294 : vector<128xf32> to vector<1x128xf32>
    %mul3A_2296 = vector.broadcast %squeeze3A_2280 : f32 to vector<1x128xf32>
    %mul3A_2297 = arith.mulf %broadcast_in_dim3A_2295, %mul3A_2296 : vector<1x128xf32>
    %add3A_2298 = arith.addf %add3A_2262, %mul3A_2297 : vector<1x128xf32>
    %get3A_2299 = arith.constant 62 : index
    %get3A_2300 = arith.constant 0 : index
    %get3A_2301 = vector.load %arg13[%get3A_2299, %get3A_2300] : memref<64x128xf32, #tpu.memory_space<vmem>>, vector<1x128xf32>
    %get3A_2302 = vector.shape_cast %get3A_2301 : vector<1x128xf32> to vector<128xf32>
    %broadcast_in_dim3A_2303 = vector.shape_cast %get3A_2302 : vector<128xf32> to vector<1x128xf32>
    %mul3A_2304 = vector.broadcast %squeeze3A_2282 : f32 to vector<1x128xf32>
    %mul3A_2305 = arith.mulf %broadcast_in_dim3A_2303, %mul3A_2304 : vector<1x128xf32>
    %add3A_2306 = arith.addf %add3A_2270, %mul3A_2305 : vector<1x128xf32>
    %get3A_2307 = arith.constant 62 : index
    %get3A_2308 = arith.constant 0 : index
    %get3A_2309 = vector.load %arg9[%get3A_2307, %get3A_2308] : memref<64x128xf32, #tpu.memory_space<vmem>>, vector<1x128xf32>
    %get3A_2310 = vector.shape_cast %get3A_2309 : vector<1x128xf32> to vector<128xf32>
    %broadcast_in_dim3A_2311 = vector.shape_cast %get3A_2310 : vector<128xf32> to vector<1x128xf32>
    %mul3A_2312 = vector.broadcast %squeeze3A_2282 : f32 to vector<1x128xf32>
    %mul3A_2313 = arith.mulf %broadcast_in_dim3A_2311, %mul3A_2312 : vector<1x128xf32>
    %add3A_2314 = arith.addf %add3A_2278, %mul3A_2313 : vector<1x128xf32>
    %slice3A_2315 = vector.extract_strided_slice %reduce_sum3A_34 {offsets = [127], sizes = [1], strides = [1]} : vector<128xf32> to vector<1xf32>
    %squeeze3A_2316 = vector.extract %slice3A_2315[0] : f32 from vector<1xf32>
    %slice3A_2317 = vector.extract_strided_slice %reduce_sum3A_34 {offsets = [63], sizes = [1], strides = [1]} : vector<128xf32> to vector<1xf32>
    %squeeze3A_2318 = vector.extract %slice3A_2317[0] : f32 from vector<1xf32>
    %get3A_2319 = arith.constant 63 : index
    %get3A_2320 = arith.constant 0 : index
    %get3A_2321 = arith.constant 0 : index
    %get3A_2322 = vector.load %arg12[%get3A_2319, %get3A_2320, %get3A_2321] : memref<64x208x128xf32, #tpu.memory_space<vmem>>, vector<1x208x128xf32>
    %get3A_2323 = vector.shape_cast %get3A_2322 : vector<1x208x128xf32> to vector<208x128xf32>
    %mul3A_2324 = vector.broadcast %squeeze3A_2316 : f32 to vector<208x128xf32>
    %mul3A_2325 = arith.mulf %get3A_2323, %mul3A_2324 : vector<208x128xf32>
    %add3A_2326 = arith.addf %add3A_2290, %mul3A_2325 : vector<208x128xf32>
    %get3A_2327 = arith.constant 63 : index
    %get3A_2328 = arith.constant 0 : index
    %get3A_2329 = vector.load %arg10[%get3A_2327, %get3A_2328] : memref<64x128xf32, #tpu.memory_space<vmem>>, vector<1x128xf32>
    %get3A_2330 = vector.shape_cast %get3A_2329 : vector<1x128xf32> to vector<128xf32>
    %broadcast_in_dim3A_2331 = vector.shape_cast %get3A_2330 : vector<128xf32> to vector<1x128xf32>
    %mul3A_2332 = vector.broadcast %squeeze3A_2316 : f32 to vector<1x128xf32>
    %mul3A_2333 = arith.mulf %broadcast_in_dim3A_2331, %mul3A_2332 : vector<1x128xf32>
    %add3A_2334 = arith.addf %add3A_2298, %mul3A_2333 : vector<1x128xf32>
    %get3A_2335 = arith.constant 63 : index
    %get3A_2336 = arith.constant 0 : index
    %get3A_2337 = vector.load %arg13[%get3A_2335, %get3A_2336] : memref<64x128xf32, #tpu.memory_space<vmem>>, vector<1x128xf32>
    %get3A_2338 = vector.shape_cast %get3A_2337 : vector<1x128xf32> to vector<128xf32>
    %broadcast_in_dim3A_2339 = vector.shape_cast %get3A_2338 : vector<128xf32> to vector<1x128xf32>
    %mul3A_2340 = vector.broadcast %squeeze3A_2318 : f32 to vector<1x128xf32>
    %mul3A_2341 = arith.mulf %broadcast_in_dim3A_2339, %mul3A_2340 : vector<1x128xf32>
    %add3A_2342 = arith.addf %add3A_2306, %mul3A_2341 : vector<1x128xf32>
    %get3A_2343 = arith.constant 63 : index
    %get3A_2344 = arith.constant 0 : index
    %get3A_2345 = vector.load %arg9[%get3A_2343, %get3A_2344] : memref<64x128xf32, #tpu.memory_space<vmem>>, vector<1x128xf32>
    %get3A_2346 = vector.shape_cast %get3A_2345 : vector<1x128xf32> to vector<128xf32>
    %broadcast_in_dim3A_2347 = vector.shape_cast %get3A_2346 : vector<128xf32> to vector<1x128xf32>
    %mul3A_2348 = vector.broadcast %squeeze3A_2318 : f32 to vector<1x128xf32>
    %mul3A_2349 = arith.mulf %broadcast_in_dim3A_2347, %mul3A_2348 : vector<1x128xf32>
    %add3A_2350 = arith.addf %add3A_2314, %mul3A_2349 : vector<1x128xf32>
    %ge3A_2351 = arith.constant 999936 : i32
    %ge3A_2352 = arith.cmpi sge, %get3A_4, %ge3A_2351 : i32
    %select_n3A_2353 = arith.select %ge3A_2352, %add3A_2350, %add3A_2342 : vector<1x128xf32>
    %sub3A_2354 = arith.constant 999936 : i32
    %sub3A_2355 = arith.subi %get3A_4, %sub3A_2354 : i32
    %and3A_2356 = arith.constant 127 : i32
    %and3A_2357 = arith.andi %get3A_4, %and3A_2356 : i32
    %select_n3A_2358 = arith.select %ge3A_2352, %sub3A_2355, %and3A_2357 : i32
    %iota3A = tpu.iota {dimensions = array<i32: 1>} : vector<1x128xi32>
    %eq3A = vector.broadcast %select_n3A_2358 : i32 to vector<1x128xi32>
    %eq3A_2359 = arith.cmpi eq, %iota3A, %eq3A : vector<1x128xi32>
    %jit3A_2360 = arith.constant 0.000000e+00 : f32
    %broadcast_in_dim3A_2361 = vector.broadcast %jit3A_2360 : f32 to vector<1x128xf32>
    %select_n3A_2362 = arith.select %eq3A_2359, %select_n3A_2353, %broadcast_in_dim3A_2361 : vector<1x128xi1>, vector<1x128xf32>
    %reduce_sum3A_2363 = vector.shape_cast %select_n3A_2362 : vector<1x128xf32> to vector<1x1x128xf32>
    %reduce_sum3A_2364 = arith.constant dense<0.000000e+00> : vector<1xf32>
    %reduce_sum3A_2365 = vector.multi_reduction <add>, %reduce_sum3A_2363, %reduce_sum3A_2364 [1, 2] : vector<1x1x128xf32> to vector<1xf32>
    %reduce_sum3A_2366 = vector.shape_cast %reduce_sum3A_2365 : vector<1xf32> to vector<1x1x1xf32>
    %reduce_sum3A_2367 = vector.extract %reduce_sum3A_2366[0, 0, 0] : f32 from vector<1x1x1xf32>
    %get3A_2368 = arith.constant 0 : index
    %get3A_2369 = vector.load %arg7[%get3A_2368] : memref<64xf32, #tpu.memory_space<vmem>>, vector<64xf32>
    %get3A_2370 = arith.constant 0 : index
    %get3A_2371 = arith.constant 0 : index
    %get3A_2372 = vector.load %arg6[%get3A_2370, %get3A_2371] : memref<64x1xf32, #tpu.memory_space<vmem>>, vector<64x1xf32>
    %squeeze3A_2373 = vector.shape_cast %get3A_2372 : vector<64x1xf32> to vector<64xf32>
    %mul3A_2374 = arith.mulf %get3A_2369, %squeeze3A_2373 : vector<64xf32>
    %reduce_sum3A_2375 = vector.shape_cast %mul3A_2374 : vector<64xf32> to vector<1x64xf32>
    %reduce_sum3A_2376 = arith.constant dense<0.000000e+00> : vector<1xf32>
    %reduce_sum3A_2377 = vector.multi_reduction <add>, %reduce_sum3A_2375, %reduce_sum3A_2376 [1] : vector<1x64xf32> to vector<1xf32>
    %reduce_sum3A_2378 = vector.shape_cast %reduce_sum3A_2377 : vector<1xf32> to vector<1x1xf32>
    %reduce_sum3A_2379 = vector.extract %reduce_sum3A_2378[0, 0] : f32 from vector<1x1xf32>
    %add3A_2380 = arith.addf %reduce_sum3A_2367, %reduce_sum3A_2379 : f32
    %get3A_2381 = arith.constant 0 : index
    %get3A_2382 = memref.load %arg8[%get3A_2381] : memref<1xf32, #tpu.memory_space<smem>>
    %add3A_2383 = arith.addf %add3A_2380, %get3A_2382 : f32
    %get3A_2384 = arith.constant 0 : index
    %get3A_2385 = arith.constant 0 : index
    %get3A_2386 = vector.load %arg2[%get3A_2384, %get3A_2385] : memref<208x1xi32, #tpu.memory_space<vmem>>, vector<208x1xi32>
    %ge3A_2387 = arith.constant 999936 : i32
    %ge3A_2388 = vector.broadcast %ge3A_2387 : i32 to vector<208x1xi32>
    %ge3A_2389 = arith.cmpi sge, %get3A_2386, %ge3A_2388 : vector<208x1xi32>
    %sub3A_2390 = arith.constant 999936 : i32
    %sub3A_2391 = vector.broadcast %sub3A_2390 : i32 to vector<208x1xi32>
    %sub3A_2392 = arith.subi %get3A_2386, %sub3A_2391 : vector<208x1xi32>
    %and3A_2393 = arith.constant 127 : i32
    %and3A_2394 = vector.broadcast %and3A_2393 : i32 to vector<208x1xi32>
    %and3A_2395 = arith.andi %get3A_2386, %and3A_2394 : vector<208x1xi32>
    %select_n3A_2396 = arith.select %ge3A_2389, %sub3A_2392, %and3A_2395 : vector<208x1xi1>, vector<208x1xi32>
    %broadcast_in_dim3A_2397 = vector.shape_cast %ge3A_2389 : vector<208x1xi1> to vector<208x1xi1>
    %broadcast_in_dim3A_2398 = vector.broadcast %broadcast_in_dim3A_2397 : vector<208x1xi1> to vector<208x128xi1>
    %broadcast_in_dim3A_2399 = vector.shape_cast %add3A_2334 : vector<1x128xf32> to vector<1x128xf32>
    %broadcast_in_dim3A_2400 = vector.broadcast %broadcast_in_dim3A_2399 : vector<1x128xf32> to vector<208x128xf32>
    %select_n3A_2401 = arith.select %broadcast_in_dim3A_2398, %broadcast_in_dim3A_2400, %add3A_2326 : vector<208x128xi1>, vector<208x128xf32>
    %iota3A_2402 = tpu.iota {dimensions = array<i32: 1>} : vector<208x128xi32>
    %eq3A_2403 = vector.broadcast %select_n3A_2396 : vector<208x1xi32> to vector<208x128xi32>
    %eq3A_2404 = arith.cmpi eq, %iota3A_2402, %eq3A_2403 : vector<208x128xi32>
    %jit3A_2405 = arith.constant 0.000000e+00 : f32
    %broadcast_in_dim3A_2406 = vector.broadcast %jit3A_2405 : f32 to vector<208x128xf32>
    %select_n3A_2407 = arith.select %eq3A_2404, %select_n3A_2401, %broadcast_in_dim3A_2406 : vector<208x128xi1>, vector<208x128xf32>
    %reduce_sum3A_2408 = arith.constant dense<0.000000e+00> : vector<208xf32>
    %reduce_sum3A_2409 = vector.multi_reduction <add>, %select_n3A_2407, %reduce_sum3A_2408 [1] : vector<208x128xf32> to vector<208xf32>
    %add3A_2410 = vector.broadcast %add3A_2383 : f32 to vector<208xf32>
    %add3A_2411 = arith.addf %reduce_sum3A_2409, %add3A_2410 : vector<208xf32>
    %swap3A = arith.constant 0 : index
    %swap3A_2412 = vector.load %arg11[%swap3A] : memref<224xf32, #tpu.memory_space<vmem>>, vector<208xf32>
    tpu.vector_store %arg11[%swap3A], %add3A_2411 {strides = array<i32>} : memref<224xf32, #tpu.memory_space<vmem>>, vector<208xf32>,
    %broadcast_in_dim3A_2413 = arith.constant 0.000000e+00 : f32
    %broadcast_in_dim3A_2414 = vector.broadcast %broadcast_in_dim3A_2413 : f32 to vector<16xf32>
    %swap3A_2415 = arith.constant 208 : index
    %swap3A_2416 = vector.load %arg11[%swap3A_2415] : memref<224xf32, #tpu.memory_space<vmem>>, vector<16xf32>
    tpu.vector_store %arg11[%swap3A_2415], %broadcast_in_dim3A_2414 {strides = array<i32>} : memref<224xf32, #tpu.memory_space<vmem>>, vector<16xf32>,
    return
  }
}

</mosaic_0001>

<sc_bundles>
// kernel: _attention.4.cloned.1.call-start
scs
__scs_entry_jumppad:
0x0: {  	(pc) =	sbr.rel $0x88, $3  }
0x1: {  	(tag) =	ssettag $0x0;
	lr =	simm.s32 $0x1  }
0x2: {  	[smem:$0x3F96] =	sst lr;
	_ =	strace $0xD0000000  }
0x3: {  	_ = 	snop  }
0x4: {  	_ = 	snop  }
0x5: {  	_ = 	snop  }
0x6: {  	_ = 	snop  }
0x7: {  	_ = 	snop  }
__scs_overlays_trampoline_lowered:
0x8: {  	[smem:$0x3FA5] =	sst s0  }
0x9: {  	[smem:$0x3FA6] =	sst s1  }
0xa: {  	[smem:$0x3FA7] =	sst s2  }
0xb: {  	[smem:$0x3FA8] =	sst s3  }
0xc: {  	[smem:$0x3FA9] =	sst s4  }
0xd: {  	[smem:$0x3FAA] =	sst s5  }
0xe: {  	[smem:$0x3FAB] =	sst s6  }
0xf: {  	[smem:$0x3FAC] =	sst s7  }
0x10: {  	[smem:$0x3FAD] =	sst s8  }
0x11: {  	[smem:$0x3FAE] =	sst s9;
	s0 =	simm.s32 @!p0 $0x0  }
0x12: {  	s1 =	sld [smem:$0x3F94];
	s0 =	simm.s32 @p0 $0x1  }
0x13: {  	[smem:$0x3FAF] =	sst s0;
	s0 =	simm.s32 @!p1 $0x0  }
0x14: {  	s2 =	sld [smem:$0x3F93];
	s0 =	simm.s32 @p1 $0x1  }
0x15: {  	[smem:$0x3FB0] =	sst s0;
	s0 =	simm.s32 @!p2 $0x0  }
0x16: {  	s3 =	sld [smem:$0x3FDB];
	s0 =	simm.s32 @p2 $0x1  }
0x17: {  	s4 =	simm.s32 $0x1BF5;
	[smem:$0x3FB2] =	sst s0  }
0x18: {  	s0 =	sld [smem:$0x3F95];
	_ =	swait.ge [sflag:s4], $0x0  }
0x19: {  	s7 =	sld [smem:$0x3F96]  }
0x1a: {  	s8 =	sadd.s32 $0xFFFFE003, lr  }
0x1b: {  	s9 =	sadd.s32 $0xFFFFFEF7, lr;
	s5 =	simm.s32 $0xFFFFFFFF;
	p2 =	slt.u32 s8, $0xFFFFF086  }
0x1c: {  	p1 =	slt.u32 s9, $0xF7A;
	s5 =	simm.s32 @!p2 $0x0  }
0x1d: {  	s5 =	simm.s32 @p1 $0x1;
	p0 =	seq.s32 s7, s2  }
0x1e: {  	s7 =	smul.u32 @!p0 $0xF7A, s2;
	p2 =	seq.s32 @!p0 s5, $0x0  }
0x1f: {  	s9 =	smul.u32 $0xF7A, s1;
	s8 =	simm.s32 @!p0 $0x1BF5;
	p2 =	por !p2, p0  }
0x20: {  	[sflag:s8] =	ssyncset.s32 @!p0 $0xFFFFF086;
	s6 =	sadd.s32 @!p0 s3, s7;
	s7 =	simm.s32 @!p0 $0x108  }
0x21: {  	s3 =	sadd.s32 s3, s9;
	s6 =	sadd.s32 @!p0 $0x88, s6;
	s7 =	simm.s32 @p2 $0x1082  }
0x22: {  	[simem:s7], [sflag:s8] =	dma.local @!p0 [hbm:s6], $0xF7A  }
0x23: {  	s9 =	sor.u32 $0xD0000000, s2;
	s6 =	simm.s32 $0x108;
	_ =	swait.ge @!p0 [sflag:s8], $0x0  }
0x24: {  	s3 =	sadd.s32 $0x88, s3;
	s6 =	simm.s32 @!p1 $0x1082;
	[sflag:s4] =	ssyncset.s32 $0xFFFFF086  }
0x25: {  	[simem:s6], [sflag:s4] =	dma.local [hbm:s3], $0xF7A  }
0x26: {  	[smem:$0x3F96] =	sst s1;
	(tag) =	ssettag s2;
	_ =	strace s9  }
0x27: {  	s1 =	sld [smem:$0x3FA6]  }
0x28: {  	s2 =	sld [smem:$0x3FA7]  }
0x29: {  	s4 =	sld [smem:$0x3FA9]  }
0x2a: {  	p0 =	seq.s32 s5, $0x0;
	s5 =	sld [smem:$0x3FAA]  }
0x2b: {  	s6 =	sld [smem:$0x3FAB]  }
0x2c: {  	s7 =	sld [smem:$0x3FAC]  }
0x2d: {  	s3 =	simm.s32 $0x108;
	s8 =	sld [smem:$0x3FAD]  }
0x2e: {  	s3 =	simm.s32 @!p0 $0x1082;
	s9 =	sld [smem:$0x3FAE]  }
0x2f: {  	lr =	sadd.s32 s0, s3;
	s0 =	sld [smem:$0x3FA5]  }
0x30: {  	s3 =	sld [smem:$0x3FA8]  }
0x31: {  	[smem:$0x3FB1] =	sst s10  }
0x32: {  	s10 =	sld [smem:$0x3FAF];
	_ =	sdelay $0x3  }
0x33: {  	p0 =	seq.s32 s10, $0x1;
	s10 =	sld [smem:$0x3FB1];
	_ =	sdelay $0x3  }
0x34: {  	[smem:$0x3FB1] =	sst s10  }
0x35: {  	s10 =	sld [smem:$0x3FB0];
	_ =	sdelay $0x3  }
0x36: {  	p1 =	seq.s32 s10, $0x1;
	s10 =	sld [smem:$0x3FB1];
	_ =	sdelay $0x3  }
0x37: {  	[smem:$0x3FB1] =	sst s10  }
0x38: {  	s10 =	sld [smem:$0x3FB2]  }
0x39: {  	_ = 	snop;
	(pc) =	sbr.ind lr, $3  }
0x3a: {  	_ = 	snop  }
0x3b: {  	_ = 	snop  }
0x3c: {  	p2 =	seq.s32 s10, $0x1;
	s10 =	sld [smem:$0x3FB1]  }
0x3d: {  	_ =	shalt  }
0x3e: {  	_ =	shalt  }
0x3f: {  	_ =	shalt  }
0x40: {  	_ =	shalt  }
0x41: {  	_ =	shalt  }
0x42: {  	_ =	shalt  }
0x43: {  	_ =	shalt  }
0x44: {  	_ =	shalt  }
0x45: {  	_ =	shalt  }
0x46: {  	_ =	shalt  }
0x47: {  	_ =	shalt  }
0x48: {  	_ =	shalt  }
0x49: {  	_ =	shalt  }
0x4a: {  	_ =	shalt  }
0x4b: {  	_ =	shalt  }
0x4c: {  	_ =	shalt  }
0x4d: {  	_ =	shalt  }
0x4e: {  	_ =	shalt  }
0x4f: {  	_ =	shalt  }
0x50: {  	_ =	shalt  }
0x51: {  	_ =	shalt  }
0x52: {  	_ =	shalt  }
0x53: {  	_ =	shalt  }
0x54: {  	_ =	shalt  }
0x55: {  	_ =	shalt  }
0x56: {  	_ =	shalt  }
0x57: {  	_ =	shalt  }
0x58: {  	_ =	shalt  }
0x59: {  	_ =	shalt  }
0x5a: {  	_ =	shalt  }
0x5b: {  	_ =	shalt  }
0x5c: {  	_ =	shalt  }
0x5d: {  	_ =	shalt  }
0x5e: {  	_ =	shalt  }
0x5f: {  	_ =	shalt  }
0x60: {  	_ =	shalt  }
0x61: {  	_ =	shalt  }
0x62: {  	_ =	shalt  }
0x63: {  	_ =	shalt  }
0x64: {  	_ =	shalt  }
0x65: {  	_ =	shalt  }
0x66: {  	_ =	shalt  }
0x67: {  	_ =	shalt  }
0x68: {  	_ =	shalt  }
0x69: {  	_ =	shalt  }
0x6a: {  	_ =	shalt  }
0x6b: {  	_ =	shalt  }
0x6c: {  	_ =	shalt  }
0x6d: {  	_ =	shalt  }
0x6e: {  	_ =	shalt  }
0x6f: {  	_ =	shalt  }
0x70: {  	_ =	shalt  }
0x71: {  	_ =	shalt  }
0x72: {  	_ =	shalt  }
0x73: {  	_ =	shalt  }
0x74: {  	_ =	shalt  }
0x75: {  	_ =	shalt  }
0x76: {  	_ =	shalt  }
0x77: {  	_ =	shalt  }
0x78: {  	_ =	shalt  }
0x79: {  	_ =	shalt  }
0x7a: {  	_ =	shalt  }
0x7b: {  	_ =	shalt  }
0x7c: {  	_ =	shalt  }
0x7d: {  	_ =	shalt  }
0x7e: {  	_ =	shalt  }
0x7f: {  	_ =	shalt  }
0x80: {  	_ =	shalt  }
0x81: {  	_ =	shalt  }
0x82: {  	_ =	shalt  }
0x83: {  	_ =	shalt  }
0x84: {  	_ =	shalt  }
0x85: {  	_ =	shalt  }
0x86: {  	_ =	shalt  }
0x87: {  	_ =	shalt  }
.Lfunc_end0:
.L_simem_size_0:
called_computation_lowered:
.L_overlay_start_0:
0x88: {  	s2 =	sld [smem:$0x3FD9]  }
0x89: {  	s3 =	sld [smem:$0x3FFE];
	_ =	sdelay $0x1  }
0x8a: {  	s1 =	srdreg.scid  }
0x8b: {  	s0 =	sand.u32 $0x1, s1  }
0x8c: {  	s17 =	sshll.u32 s0, $0xA;
	s2 =	sadd.s32 s3, s2  }
0x8d: {  	s2 =	sadd.s32 s2, s17  }
0x8e: {  	[smem:$0x3FBD] =	sst s2  }
0x8f: {  	_ = 	snop  }
0x90: {  	s2 =	sld [smem:$0x3FD0];
	(tm) =	ssettm $0x1  }
0x91: {  	s18 =	sld [smem:$0x3FFB];
	_ =	sdelay $0x3  }
0x92: {  	_ =	strace s18  }
0x93: {  	s3 =	sld [smem:$0x3FFC];
	_ =	sdelay $0x3  }
0x94: {  	_ =	strace s3  }
0x95: {  	s3 =	sld [smem:$0x3FFD];
	_ =	sdelay $0x3  }
0x96: {  	_ =	strace s3  }
0x97: {  	_ =	strace $0x8FFFFFFF  }
0x98: {  	s19 =	sld [smem:$0x3FDB];
	_ =	sdelay $0x1  }
0x99: {  	s4 =	simm.s32 $_scs_section_size  }
0x9a: {  	s5 =	simm.s32 $_size__tile_overlayer_lowered;
	s6 =	simm.s32 $_tile_overlayer_lowered  }
0x9b: {  	s22 =	simm.s32 $0x1BFF;
	s21 =	sshll.u32 s6, $0x1;
	s3 =	sadd.s32 s4, s19  }
0x9c: {  	s7 =	simm.s32 $0x0;
	s20 =	sshll.u32 s5, $0x1;
	s5 =	sadd.s32 s21, s3  }
0x9d: {  	[timem:s7], [sflag:s22] =	dma.local [hbm:s5], s20  }
0x9e: {  	_ =	swait.ge [sflag:s22], s20  }
0x9f: {  	s4 =	ssub.s32 $0x0, s20;
	[sflag:s22] =	ssyncset.done $0x0  }
0xa0: {  	[sflag:s22] =	ssyncadd.s32 s4;
	_ =	sdelay $0x1  }
0xa1: {  	s23 =	simm.s32 $0x1B8B  }
0xa2: {  	_ =	swait.ge [sflag:s23], $0x1  }
0xa3: {  	[sflag:s23] =	ssyncset.done $0x0  }
0xa4: {  	s25 =	simm.s32 $0x1B8E;
	s24 =	sld [smem:$0x3FFE];
	[sflag:s23] =	ssyncadd.s32 $0xFFFFFFFF  }
0xa5: {  	s26 =	simm.s32 $execute0_lowered;
	[smem:$0x3FD2] =	sst s25  }
0xa6: {  	s5 =	sshll.u32 s26, $0x1;
	_ =	strace $0x80000046;
	[dreg:$0x1] =	wrdreg $0xFFFFFFFF  }
0xa7: {  	s28 =	simm.s32 $_size_execute0_lowered;
	s3 =	sadd.s32 s3, s5;
	[dreg:$0x0] =	wrdreg $0x0  }
0xa8: {  	s5 =	sshll.u32 s28, $0x1;
	[dreg:$0x2] =	wrdreg s3  }
0xa9: {  	[dreg:$0x3] =	wrdreg s5  }
0xaa: {  	[dreg:$0x4] =	wrdreg $0xC0  }
0xab: {  	_ =	task [dreg:s7], $0x5FFFF  }
0xac: {  	[dreg:$0x1] =	wrdreg $0xFFFFFFFF  }
0xad: {  	[dreg:$0x0] =	wrdreg $0x60  }
0xae: {  	[dreg:$0x2] =	wrdreg s24  }
0xaf: {  	[dreg:$0x3] =	wrdreg s2  }
0xb0: {  	[dreg:$0x4] =	wrdreg $0x9  }
0xb1: {  	_ =	task.clear_ibuf [dreg:s7], $0x5FFFF;
	_ =	strace $0x90000046  }
0xb2: {  	s29 =	simm.s32 $0x9;
	_ =	strace $0x80000048  }
0xb3: {  	_ =	swait.ge [sflag:s29], $0x1  }
0xb4: {  	[sflag:s29] =	ssyncadd.s32 $0xFFFFFFFF  }
0xb5: {  	_ =	strace $0x90000048  }
0xb6: {  	_ =	sfence  }
0xb7: {  	s30 =	sld [smem:$0x0];
	_ =	sdelay $0x2  }
0xb8: {  	s31 =	sshll.u32 s1, $0xD;
	s1 =	sshrl.u32 s1, $0x2  }
0xb9: {  	s3 =	sand.u32 $0x4000, s31;
	s1 =	sadd.s32 s1, s30  }
0xba: {  	s0 =	sor.u32 s3, s0;
	s1 =	sshll.u32 s1, $0x11  }
0xbb: {  	s0 =	sor.u32 s1, s0  }
0xbc: {  	s0 =	sadd.s32 $0x8F2B, s0  }
0xbd: {  	[sflag:s0] =	ssyncadd.remote.s32 $0x1  }
0xbe: {  	_ =	sfence.sel $0xFFFF  }
0xbf: {  	[dreg:$0x0] =	wrdreg $0xFFFFFFFF;
	(pc) =	sbr.abs _section_cstart, $3  }
0xc0: {  	[dreg:$0x1] =	wrdreg $0xFFFFFFFF  }
0xc1: {  	_ =	task.clear_ibuf [dreg:s7], $0x2FFFF;
	_ =	strace $0x9FFFFFFF  }
0xc2: {  	(tm) =	ssettm $0x7FFFFFFF  }
0xc3: {  	_ =	shalt  }
tec
execute0_lowered:
.L_overlay_start_1:
0x0: {  	(tag) =	ssettag $0x1  }
0x1: {  	s0 =	srdreg.scid  }
0x2: {  	s6 =	sand.u32 $0x1, s0;
	s0 =	stileid.u32  }
0x3: {  	s4 =	sor.u32 s0, s6  }
0x4: {  	p0 =	sne.s32 s4, $0x0  }
.Ltmp0:
0x5: {  	_ = 	snop;
	(pc) =	sbr.rel @p0 .LBB2_4-.Ltmp0, $4  }
0x6: {  	_ = 	snop  }
0x7: {  	s3 =	rddreg [dreg:$0x0]  }
0x8: {  	s2 =	rddreg [dreg:$0x1]  }
0x9: {  	s1 =	rddreg [dreg:$0x2];
	_ =	strace $0x80000047  }
0xa: {  	s5 =	sadd.s32 $0x1000, s3;
	s4 =	simm.s32 $0x0;
	s3 =	simm.s32 $0x1  }
0xb: {  	[tilespmem:s4], [sflag:$0x1] =	stream.linear.gather [hbm4b:s5+s4], $0x100, $0x38;
	[tilespmem:$0x100] =	vst v63  }
0xc: {  	_ =	swait.ge [sflag:s3], $0x100  }
0xd: {  	[sflag:s3] =	ssyncset.done $0x0  }
0xe: {  	[sflag:s3] =	ssyncadd.s32 $0xFFFFFF00  }
0xf: {  	v0 =	vimm.s32 $0x76543210;
	v1 =	vimm.s32 $0xFEDCBA98;
	v2 =	vld [tilespmem:$0x80]  }
0x10: {  	v3 =	vimm.s32 $0xBA98FEDC;
	v4 =	vimm.s32 $0x32107654;
	v1 =	vunpack.c.l.s4.s8 v1;
	v5 =	vld [tilespmem:$0x90]  }
0x11: {  	v0 =	vunpack.c.l.s4.s8 v0;
	v3 =	vunpack.c.l.s4.s8 v3;
	v4 =	vunpack.c.l.s4.s8 v4;
	v6 =	vld [tilespmem:$0x70]  }
0x12: {  	v1 =	vunpack.c.0.s8.s32 v1;
	v8 =	vld [tilespmem:$0x40]  }
0x13: {  	v0 =	vunpack.c.0.s8.s32 v0;
	v3 =	vunpack.c.0.s8.s32 v3;
	v4 =	vunpack.c.0.s8.s32 v4;
	v9 =	vld [tilespmem:$0x0]  }
0x14: {  	v7 =	vld [tilespmem:$0x20];
	v1 =	vand.u32 $0xF, v1  }
0x15: {  	vm0 =	vmmov $0xff;
	v0 =	vcombine.low v1, v0;
	v1 =	vcombine.low v4, v3;
	v3 =	vld [tilespmem:$0x10]  }
0x16: {  	v20 =	vimm.s32 $0x67452301;
	v4 =	vimm.s32 $0xDCFE98BA;
	v10 =	vmul.f32 $9.999999770e-03, v2  }
0x17: {  	v12 =	vld [tilespmem:$0x30];
	v11 =	vmul.f32 $9.999999770e-03, v5;
	vm1 =	vge.f32 v2, $0.0e+00;
	v13 =	vmul.f32 $9.999999770e-03, v6  }
0x18: {  	vm2 =	vge.f32 v5, $0.0e+00;
	v14 =	vmul.f32 $9.999999770e-03, v9;
	v17 =	vmul.f32 $9.999999770e-03, v8  }
0x19: {  	v10 =	vsel vm1, v2, v10;
	v2 =	vmul.f32 $9.999999770e-03, v7;
	v11 =	vsel vm2, v5, v11;
	v5 =	vld [tilespmem:$0x50]  }
0x1a: {  	v15 =	vld [tilespmem:$0x60];
	v16 =	vmul.f32 $9.999999770e-03, v3;
	vm1 =	vge.f32 v7, $0.0e+00;
	vm2 =	vge.f32 v9, $0.0e+00  }
0x1b: {  	v9 =	vsel vm2, v9, v14;
	vm2 =	vge.f32 v3, $0.0e+00;
	v7 =	vsel vm1, v7, v2  }
0x1c: {  	v14 =	vsel vm2, v3, v16;
	v2 =	vmul.f32 $9.999999770e-03, v12;
	vm1 =	vge.f32 v8, $0.0e+00  }
0x1d: {  	vm2 =	vge.f32 v12, $0.0e+00;
	v16 =	vld [tilespmem:$0xC0];
	v3 =	vmax.f32 v9, v14;
	v8 =	vsel vm1, v8, v17  }
0x1e: {  	v17 =	vld [tilespmem:$0xA0];
	v3 =	vmax.f32 v3, v7;
	v12 =	vsel vm2, v12, v2;
	v2 =	vmul.f32 $9.999999770e-03, v5  }
0x1f: {  	v19 =	vld [tilespmem:$0xB0];
	v18 =	vmul.f32 $9.999999770e-03, v15;
	v3 =	vmax.f32 v3, v12;
	vm1 =	vge.f32 v5, $0.0e+00  }
0x20: {  	v3 =	vmax.f32 v3, v8;
	v5 =	vsel vm1, v5, v2;
	vm1 =	vge.f32 v15, $0.0e+00  }
0x21: {  	vm2 =	vge.f32 v6, $0.0e+00;
	v2 =	vmax.f32 v3, v5;
	v15 =	vsel vm1, v15, v18  }
0x22: {  	v6 =	vsel vm2, v6, v13;
	v3 =	vmul.f32 $9.999999770e-03, v16;
	v2 =	vmax.f32 v2, v15  }
0x23: {  	v13 =	vmul.f32 $9.999999770e-03, v17;
	vm1 =	vge.f32 v16, $0.0e+00;
	v2 =	vmax.f32 v2, v6  }
0x24: {  	vm2 =	vge.f32 v17, $0.0e+00;
	v18 =	vmul.f32 $9.999999770e-03, v19;
	v2 =	vmax.f32 v2, v10  }
0x25: {  	v13 =	vsel vm2, v17, v13;
	vm2 =	vge.f32 v19, $0.0e+00;
	v2 =	vmax.f32 v2, v11  }
0x26: {  	v16 =	vsel vm1, v16, v3;
	v17 =	vsel vm2, v19, v18;
	v2 =	vmax.f32 v2, v13  }
0x27: {  	v3 =	vimm.s32 $0x54761032;
	v18 =	vnsel vm0, $0xFF800000, v16;
	v2 =	vmax.f32 v2, v17  }
0x28: {  	v4 =	vunpack.c.l.s4.s8 v4;
	v3 =	vunpack.c.l.s4.s8 v3;
	v2 =	vmax.f32 v2, v18  }
0x29: {  	v20 =	vunpack.c.l.s4.s8 v20;
	v18 =	vperm.xlane v2, v0  }
0x2a: {  	v4 =	vunpack.c.0.s8.s32 v4;
	v19 =	vimm.s32 $0xEFCDAB89;
	v3 =	vunpack.c.0.s8.s32 v3  }
0x2b: {  	v1 =	vand.u32 $0xF, v1;
	v19 =	vunpack.c.l.s4.s8 v19;
	v18 =	vmax.f32 v2, v18  }
0x2c: {  	v2 =	vcombine.low v3, v4;
	v3 =	vperm.xlane v18, v1  }
0x2d: {  	v4 =	vunpack.c.0.s8.s32 v19;
	v19 =	vunpack.c.0.s8.s32 v20  }
0x2e: {  	v2 =	vand.u32 $0xF, v2;
	v18 =	vmax.f32 v18, v3  }
0x2f: {  	v3 =	vcombine.low v19, v4;
	v4 =	vperm.xlane v18, v2;
	_ =	sdelay $0x1  }
0x30: {  	v3 =	vand.u32 $0xF, v3;
	v4 =	vmax.f32 v18, v4  }
0x31: {  	v18 =	vperm.xlane v4, v3;
	_ =	sdelay $0x1  }
0x32: {  	v18 =	vmax.f32 v4, v18  }
0x33: {  	v4 =	vsub.f32 v9, v18;
	_ =	sdelay $0x1  }
0x34: {  	v9 =	vsub.f32 v14, v18;
	v4 =	vmul.f32 $1.442695020e+00, v4;
	_ =	sdelay $0x1  }
0x35: {  	v7 =	vsub.f32 v7, v18;
	v9 =	vmul.f32 $1.442695020e+00, v9;
	(erf) = vpow2.f32 v4;
	_ =	sdelay $0x1  }
0x36: {  	v4 =	vmul.f32 $1.442695020e+00, v7;
	(erf) = vpow2.f32 v9  }
0x37: {  	v7 =	vsub.f32 v12, v18  }
0x38: {  	v8 =	vsub.f32 v8, v18;
	(erf) = vpow2.f32 v4  }
0x39: {  	v5 =	vsub.f32 v5, v18;
	v7 =	vmul.f32 $1.442695020e+00, v7;
	v4 =	vsub.f32 v16, v18  }
0x3a: {  	v8 =	vmul.f32 $1.442695020e+00, v8  }
0x3b: {  	(erf) = vpow2.f32 v7;
	v4 =	vmul.f32 $1.442695020e+00, v4  }
0x3c: {  	v6 =	vsub.f32 v6, v18  }
0x3d: {  	v9 =	vmul.f32 $1.442695020e+00, v5;
	v7 =	vsub.f32 v15, v18;
	(erf) = vpow2.f32 v8;
	v5 =	vpop (erf)  }
0x3e: {  	(erf) = vpow2.f32 v4;
	v8 =	vadd.f32 $0.0e+00, v5  }
0x3f: {  	v7 =	vmul.f32 $1.442695020e+00, v7;
	(erf) = vpow2.f32 v9;
	v4 =	vpop (erf)  }
0x40: {  	v8 =	vadd.f32 v8, v4  }
0x41: {  	v9 =	vsub.f32 v10, v18;
	v10 =	vmul.f32 $1.442695020e+00, v6;
	(erf) = vpow2.f32 v7;
	v6 =	vpop (erf)  }
0x42: {  	v8 =	vadd.f32 v8, v6  }
0x43: {  	v11 =	vsub.f32 v11, v18  }
0x44: {  	v9 =	vmul.f32 $1.442695020e+00, v9;
	(erf) = vpow2.f32 v10;
	v10 =	vsub.f32 v13, v18;
	v7 =	vpop (erf)  }
0x45: {  	v12 =	vadd.f32 v8, v7  }
0x46: {  	v11 =	vmul.f32 $1.442695020e+00, v11;
	(erf) = vpow2.f32 v9;
	v9 =	vsub.f32 v17, v18;
	v8 =	vpop (erf)  }
0x47: {  	v12 =	vadd.f32 v12, v8;
	v15 =	vpop (erf)  }
0x48: {  	v13 =	vmul.f32 $1.442695020e+00, v10;
	(erf) = vpow2.f32 v11;
	v10 =	vpop (erf)  }
0x49: {  	v11 =	vmul.f32 $1.442695020e+00, v9;
	v12 =	vadd.f32 v12, v10  }
0x4a: {  	v9 =	vpop (erf)  }
0x4b: {  	(erf) = vpow2.f32 v13;
	v12 =	vadd.f32 v12, v9;
	_ =	sdelay $0x1  }
0x4c: {  	(erf) = vpow2.f32 v11;
	v11 =	vpop (erf)  }
0x4d: {  	v13 =	vadd.f32 v12, v11  }
0x4e: {  	v12 =	vpop (erf)  }
0x4f: {  	v13 =	vadd.f32 v13, v12  }
0x50: {  	v14 =	vpop (erf)  }
0x51: {  	v13 =	vadd.f32 v13, v14;
	_ =	sdelay $0x1  }
0x52: {  	v16 =	vpop (erf)  }
0x53: {  	v17 =	vadd.f32 v13, v16  }
0x54: {  	v13 =	vpop (erf)  }
0x55: {  	v17 =	vadd.f32 v17, v13  }
0x56: {  	v15 =	vnsel vm0, $0x0, v15  }
0x57: {  	v17 =	vadd.f32 v17, v15;
	_ =	sdelay $0x1  }
0x58: {  	s6 =	ssub.s32 $0x2, s6;
	v18 =	vperm.xlane v17, v0  }
0x59: {  	s7 =	sshrl.u32 s6, $0x1  }
0x5a: {  	s6 =	ssub.s32 s6, s7;
	v17 =	vadd.f32 v17, v18  }
0x5b: {  	p0 =	sne.s32 s6, $0x1  }
.Ltmp1:
0x5c: {  	v18 =	vperm.xlane v17, v1;
	(pc) =	sbr.rel @!p0 .LBB2_3-.Ltmp1, $3  }
0x5d: {  	_ = 	snop  }
0x5e: {  	v17 =	vadd.f32 v17, v18;
	_ =	sdelay $0x1  }
0x5f: {  	s6 =	sadd.s32 $0xFFFFFFFF, s6;
	v18 =	vperm.xlane v17, v2  }
.LBB2_2:
0x60: {  	p0 =	sne.s32 s6, $0x1;
	s6 =	sadd.s32 $0xFFFFFFFF, s6  }
0x61: {  	v17 =	vadd.f32 v17, v18;
	_ =	sdelay $0x1  }
0x62: {  	v18 =	vperm.xlane v17, v3;
	_ =	sdelay $0x1  }
0x63: {  	v17 =	vadd.f32 v17, v18;
	_ =	sdelay $0x1  }
0x64: {  	(erf) = vrcp.f32 v17;
	_ =	sdelay $0x8  }
0x65: {  	v17 =	vpop (erf)  }
0x66: {  	v5 =	vmul.f32 v17, v5;
	v4 =	vmul.f32 v17, v4  }
0x67: {  	v6 =	vmul.f32 v17, v6;
	v7 =	vmul.f32 v17, v7  }
0x68: {  	[tilespmem:$0x0] =	vst v5;
	v5 =	vmul.f32 v17, v8;
	v8 =	vmul.f32 v17, v10  }
0x69: {  	[tilespmem:$0x20] =	vst v6;
	v6 =	vmul.f32 v17, v9;
	v9 =	vmul.f32 v17, v11  }
0x6a: {  	v10 =	vmul.f32 v17, v14;
	[tilespmem:$0x40] =	vst v5;
	v5 =	vmul.f32 v17, v12  }
0x6b: {  	v11 =	vmul.f32 v17, v13;
	[tilespmem:$0x30] =	vst v7;
	v7 =	vmul.f32 v17, v16  }
0x6c: {  	[tilespmem:$0x50] =	vst v8;
	v8 =	vmul.f32 v17, v15  }
0x6d: {  	[tilespmem:$0xA0] =	vst v7  }
0x6e: {  	[tilespmem:$0x80] =	vst v5  }
0x6f: {  	[tilespmem:$0x90] =	vst v10  }
0x70: {  	[tilespmem:$0x60] =	vst v6  }
0x71: {  	[tilespmem:$0x70] =	vst v9  }
0x72: {  	[tilespmem:$0x10] =	vst v4  }
0x73: {  	[tilespmem:$0xC0] =	vst v8  }
0x74: {  	[tilespmem:$0xB0] =	vst v11  }
0x75: {  	[hbm4b:s2+s4] =	stream.linear.scatter [tilespmem:s4], [sflag:$0x1], $0xC8, $0x38;
	[tilespmem:$0x100] =	vst v63  }
0x76: {  	_ =	swait.ge [sflag:s3], $0xC8  }
0x77: {  	[sflag:s3] =	ssyncset.done $0x0  }
0x78: {  	[sflag:s3] =	ssyncadd.s32 $0xFFFFFF38  }
0x79: {  	[tilespmem:s4], [sflag:$0x1] =	stream.linear.gather [hbm4b:s5+s4], $0x100, $0x38;
	[tilespmem:$0x100] =	vst v63  }
0x7a: {  	_ =	swait.ge [sflag:s3], $0x100  }
0x7b: {  	[sflag:s3] =	ssyncset.done $0x0  }
0x7c: {  	[sflag:s3] =	ssyncadd.s32 $0xFFFFFF00  }
0x7d: {  	v4 =	vld [tilespmem:$0x80]  }
0x7e: {  	v5 =	vld [tilespmem:$0x90]  }
0x7f: {  	v6 =	vld [tilespmem:$0x70]  }
0x80: {  	v7 =	vld [tilespmem:$0x20]  }
0x81: {  	v8 =	vld [tilespmem:$0x40]  }
0x82: {  	v9 =	vld [tilespmem:$0x0];
	vm1 =	vge.f32 v4, $0.0e+00;
	v10 =	vmul.f32 $9.999999770e-03, v4  }
0x83: {  	v11 =	vld [tilespmem:$0x10];
	v12 =	vmul.f32 $9.999999770e-03, v5  }
0x84: {  	v13 =	vld [tilespmem:$0x30];
	v4 =	vsel vm1, v4, v10;
	vm1 =	vge.f32 v5, $0.0e+00  }
0x85: {  	v10 =	vmul.f32 $9.999999770e-03, v7;
	v14 =	vld [tilespmem:$0x50];
	v5 =	vsel vm1, v5, v12  }
0x86: {  	v15 =	vmul.f32 $9.999999770e-03, v6;
	vm1 =	vge.f32 v7, $0.0e+00;
	v12 =	vld [tilespmem:$0x60]  }
0x87: {  	vm3 =	vge.f32 v6, $0.0e+00;
	vm2 =	vge.f32 v9, $0.0e+00;
	v16 =	vmul.f32 $9.999999770e-03, v9  }
0x88: {  	v18 =	vmul.f32 $9.999999770e-03, v8;
	v6 =	vsel vm3, v6, v15;
	v17 =	vmul.f32 $9.999999770e-03, v11  }
0x89: {  	v7 =	vsel vm1, v7, v10;
	v9 =	vsel vm2, v9, v16;
	vm2 =	vge.f32 v11, $0.0e+00  }
0x8a: {  	vm1 =	vge.f32 v8, $0.0e+00;
	v10 =	vsel vm2, v11, v17;
	v11 =	vmul.f32 $9.999999770e-03, v13  }
0x8b: {  	v8 =	vsel vm1, v8, v18;
	vm2 =	vge.f32 v13, $0.0e+00;
	v15 =	vmax.f32 v9, v10;
	v16 =	vld [tilespmem:$0xC0]  }
0x8c: {  	v15 =	vmax.f32 v15, v7;
	v11 =	vsel vm2, v13, v11;
	v13 =	vmul.f32 $9.999999770e-03, v14;
	v17 =	vld [tilespmem:$0xA0]  }
0x8d: {  	vm1 =	vge.f32 v14, $0.0e+00;
	v18 =	vmul.f32 $9.999999770e-03, v12;
	v15 =	vmax.f32 v15, v11;
	v19 =	vld [tilespmem:$0xB0]  }
0x8e: {  	v15 =	vmax.f32 v15, v8;
	v13 =	vsel vm1, v14, v13;
	vm1 =	vge.f32 v12, $0.0e+00  }
0x8f: {  	v14 =	vmax.f32 v15, v13;
	v12 =	vsel vm1, v12, v18  }
0x90: {  	v14 =	vmax.f32 v14, v12;
	v15 =	vmul.f32 $9.999999770e-03, v16  }
0x91: {  	vm1 =	vge.f32 v16, $0.0e+00;
	v14 =	vmax.f32 v14, v6;
	v18 =	vmul.f32 $9.999999770e-03, v17  }
0x92: {  	vm2 =	vge.f32 v17, $0.0e+00;
	v14 =	vmax.f32 v14, v4;
	v20 =	vmul.f32 $9.999999770e-03, v19  }
0x93: {  	v14 =	vmax.f32 v14, v5;
	v17 =	vsel vm2, v17, v18;
	vm2 =	vge.f32 v19, $0.0e+00  }
0x94: {  	v15 =	vsel vm1, v16, v15;
	v14 =	vmax.f32 v14, v17;
	v18 =	vsel vm2, v19, v20  }
0x95: {  	v16 =	vnsel vm0, $0xFF800000, v15;
	v14 =	vmax.f32 v14, v18  }
0x96: {  	v14 =	vmax.f32 v14, v16  }
0x97: {  	v16 =	vperm.xlane v14, v0;
	_ =	sdelay $0x1  }
0x98: {  	v14 =	vmax.f32 v14, v16  }
0x99: {  	v16 =	vperm.xlane v14, v1;
	_ =	sdelay $0x1  }
0x9a: {  	v14 =	vmax.f32 v14, v16  }
0x9b: {  	v16 =	vperm.xlane v14, v2;
	_ =	sdelay $0x1  }
0x9c: {  	v14 =	vmax.f32 v14, v16  }
0x9d: {  	v16 =	vperm.xlane v14, v3;
	_ =	sdelay $0x1  }
0x9e: {  	v14 =	vmax.f32 v14, v16  }
0x9f: {  	v9 =	vsub.f32 v9, v14;
	v10 =	vsub.f32 v10, v14  }
0xa0: {  	v7 =	vsub.f32 v7, v14;
	v13 =	vsub.f32 v13, v14  }
0xa1: {  	v8 =	vsub.f32 v8, v14;
	v9 =	vmul.f32 $1.442695020e+00, v9;
	v10 =	vmul.f32 $1.442695020e+00, v10  }
0xa2: {  	v11 =	vsub.f32 v11, v14;
	v12 =	vsub.f32 v12, v14;
	v7 =	vmul.f32 $1.442695020e+00, v7  }
0xa3: {  	v6 =	vsub.f32 v6, v14;
	v8 =	vmul.f32 $1.442695020e+00, v8;
	(erf) = vpow2.f32 v9  }
0xa4: {  	v4 =	vsub.f32 v4, v14;
	v5 =	vsub.f32 v5, v14  }
0xa5: {  	v9 =	vmul.f32 $1.442695020e+00, v6;
	v6 =	vsub.f32 v17, v14;
	(erf) = vpow2.f32 v10  }
0xa6: {  	v16 =	vmul.f32 $1.442695020e+00, v5;
	v10 =	vmul.f32 $1.442695020e+00, v4;
	v4 =	vsub.f32 v18, v14  }
0xa7: {  	v5 =	vmul.f32 $1.442695020e+00, v11;
	v11 =	vsub.f32 v15, v14;
	(erf) = vpow2.f32 v7  }
0xa8: {  	v14 =	vmul.f32 $1.442695020e+00, v6;
	v15 =	vmul.f32 $1.442695020e+00, v4  }
0xa9: {  	v4 =	vmul.f32 $1.442695020e+00, v11;
	(erf) = vpow2.f32 v5;
	_ =	sdelay $0x1  }
0xaa: {  	v6 =	vmul.f32 $1.442695020e+00, v13;
	(erf) = vpow2.f32 v8  }
0xab: {  	v5 =	vpop (erf);
	(erf) = vpow2.f32 v4  }
0xac: {  	v8 =	vmul.f32 $1.442695020e+00, v12;
	v7 =	vadd.f32 $0.0e+00, v5;
	(erf) = vpow2.f32 v6  }
0xad: {  	v4 =	vpop (erf)  }
0xae: {  	v11 =	vadd.f32 v7, v4;
	(erf) = vpow2.f32 v8  }
0xaf: {  	v6 =	vpop (erf)  }
0xb0: {  	v11 =	vadd.f32 v11, v6;
	(erf) = vpow2.f32 v9  }
0xb1: {  	v7 =	vpop (erf)  }
0xb2: {  	v9 =	vadd.f32 v11, v7;
	(erf) = vpow2.f32 v10  }
0xb3: {  	v8 =	vpop (erf)  }
0xb4: {  	v12 =	vadd.f32 v9, v8;
	(erf) = vpow2.f32 v16;
	v17 =	vpop (erf)  }
0xb5: {  	v10 =	vpop (erf)  }
0xb6: {  	v13 =	vadd.f32 v12, v10;
	(erf) = vpow2.f32 v14  }
0xb7: {  	v9 =	vpop (erf)  }
0xb8: {  	v14 =	vadd.f32 v13, v9;
	(erf) = vpow2.f32 v15  }
0xb9: {  	v11 =	vpop (erf)  }
0xba: {  	v13 =	vadd.f32 v14, v11  }
0xbb: {  	v12 =	vpop (erf)  }
0xbc: {  	v13 =	vadd.f32 v13, v12  }
0xbd: {  	v14 =	vpop (erf)  }
0xbe: {  	v18 =	vadd.f32 v13, v14  }
0xbf: {  	v16 =	vpop (erf)  }
0xc0: {  	v15 =	vadd.f32 v18, v16  }
0xc1: {  	v13 =	vpop (erf)  }
0xc2: {  	v18 =	vadd.f32 v15, v13  }
0xc3: {  	v15 =	vnsel vm0, $0x0, v17  }
0xc4: {  	v17 =	vadd.f32 v18, v15;
	_ =	sdelay $0x1  }
0xc5: {  	v18 =	vperm.xlane v17, v0;
	_ =	sdelay $0x1  }
0xc6: {  	v17 =	vadd.f32 v17, v18;
	_ =	sdelay $0x1  }
.Ltmp2:
0xc7: {  	v18 =	vperm.xlane v17, v1;
	(pc) =	sbr.rel @p0 .LBB2_2-.Ltmp2, $3  }
0xc8: {  	_ = 	snop  }
0xc9: {  	v17 =	vadd.f32 v17, v18;
	_ =	sdelay $0x1  }
0xca: {  	v18 =	vperm.xlane v17, v2  }
.LBB2_3:
0xcb: {  	_ = 	snop  }
0xcc: {  	v0 =	vadd.f32 v17, v18;
	_ =	sdelay $0x1  }
0xcd: {  	v1 =	vperm.xlane v0, v3;
	_ =	sdelay $0x1  }
0xce: {  	v0 =	vadd.f32 v0, v1;
	_ =	sdelay $0x1  }
0xcf: {  	(erf) = vrcp.f32 v0;
	_ =	sdelay $0x8  }
0xd0: {  	v0 =	vpop (erf)  }
0xd1: {  	v53 =	vmul.f32 v0, v5  }
0xd2: {  	v2 =	vmul.f32 v0, v6  }
0xd3: {  	v54 =	vmul.f32 v0, v8;
	[tilespmem:$0x0] =	vst v53  }
0xd4: {  	v55 =	vmul.f32 v0, v7;
	[tilespmem:$0x20] =	vst v2  }
0xd5: {  	v56 =	vmul.f32 v0, v10;
	[tilespmem:$0x40] =	vst v54  }
0xd6: {  	v57 =	vmul.f32 v0, v16;
	[tilespmem:$0x30] =	vst v55  }
0xd7: {  	v58 =	vmul.f32 v0, v12;
	[tilespmem:$0x50] =	vst v56  }
0xd8: {  	v59 =	vmul.f32 v0, v14;
	[tilespmem:$0xA0] =	vst v57  }
0xd9: {  	v60 =	vmul.f32 v0, v9;
	[tilespmem:$0x80] =	vst v58  }
0xda: {  	v61 =	vmul.f32 v0, v11;
	[tilespmem:$0x90] =	vst v59  }
0xdb: {  	v62 =	vmul.f32 v0, v4;
	[tilespmem:$0x60] =	vst v60  }
0xdc: {  	v63 =	vmul.f32 v0, v15;
	[tilespmem:$0x70] =	vst v61  }
0xdd: {  	v0 =	vmul.f32 v0, v13;
	[tilespmem:$0x10] =	vst v62  }
0xde: {  	[tilespmem:$0xC0] =	vst v63  }
0xdf: {  	[tilespmem:$0xB0] =	vst v0  }
0xe0: {  	[hbm4b:s2+s4] =	stream.linear.scatter [tilespmem:s4], [sflag:$0x1], $0xC8, $0x38;
	[tilespmem:$0x100] =	vst v63  }
0xe1: {  	_ =	swait.ge [sflag:s3], $0xC8  }
0xe2: {  	[sflag:s3] =	ssyncset.done $0x0  }
0xe3: {  	[sflag:s3] =	ssyncadd.s32 $0xFFFFFF38  }
.LBB2_4:
0xe4: {  	_ =	sfence.sel $0x180000  }
0xe5: {  	[bflag:$0x0] =	sbarrier.arrive $0xFFFF  }
0xe6: {  	p0 =	sne.s32 s0, $0x0;
	_ =	strace $0x90000047  }
0xe7: {  	s0 =	sadd.s32 @!p0 $0x100000, s1;
	[bflag:$0x2] =	sbarrier.arrive $0xFFFF  }
0xe8: {  	[sflag:s0] =	ssyncadd.tile.s32 @!p0 $0x1;
	_ =	shalt  }
.Lfunc_end2:
_tile_overlayer_lowered:
.L_overlay_start_2:
0xe9: {  	(tag) =	ssettag $0x2  }
0xea: {  	s0 =	rddreg [dreg:$0x0];
	s2 =	stileid.u32  }
0xeb: {  	s1 =	rddreg [dreg:$0x1];
	p0 =	sne.s32 s2, $0x0  }
0xec: {  	s3 =	rddreg [dreg:$0x2];
	[bflag:$0x3] =	sbarrier.arrive $0xFFFF;
	s2 =	simm.s32 @!p0 $0x1C01  }
0xed: {  	[timem:s3], [sflag:s2] =	dma.local @!p0 [hbm:s0], s1  }
0xee: {  	s0 =	simm.s32 @!p0 $0x1  }
0xef: {  	_ =	swait.ge @!p0 [sflag:s0], s1  }
0xf0: {  	s1 =	ssub.s32 @!p0 $0x0, s1;
	[sflag:s0] =	ssyncset.done @!p0 $0x0  }
0xf1: {  	[sflag:s0] =	ssyncadd.s32 @!p0 s1  }
0xf2: {  	[bflag:$0x3] =	sbarrier.arrive $0xFFFF  }
0xf3: {  	_ =	shalt  }

</sc_bundles>
